<compile_context>
chip_gen: v7x
topology: tpu7x:2x2x1
jax: 0.10.2.dev20260603
libtpu: 0.0.44.dev20260713+nightly
codegen_flags: <defaults>
</compile_context>

<pallas_src>
import jax
import jax.numpy as jnp
from jax import lax
from jax.experimental import pallas as pl
from jax.experimental.pallas import tpu as pltpu
from jax.experimental.pallas import tpu_sc as plsc

B = 1024
V = 100000
NCORE = 2
NSUB = 16
NW = NCORE * NSUB
RPW = B // NW
NRB = RPW // 8
CW = 1408
NCHUNK = 71
TAILC = 99968
NT = CW // 128
U = 8
GROUPS = NT
TOT = NRB * NCHUNK


def _merge_top16(T, v):
    vd, _ = plsc.sort_key_val(v, v, descending=True)
    m = jnp.maximum(T, vd)
    Ts, _ = plsc.sort_key_val(m, m, descending=False)
    return Ts


def _any_gt(v, t):
    return plsc.all_reduce_population_count(v > t)[0] > 0


def _scan_row(buf, i, T):
    def g_body(g, carry):
        T, tmin = carry
        vs = [buf[g, i, pl.ds(k * 16, 16)] for k in range(U)]
        w = vs[0]
        for k in range(1, U):
            w = jnp.maximum(w, vs[k])

        def do_insert(carry):
            T, tmin = carry

            def k_body(k, T):
                v = buf[g, i, pl.ds(k * 16, 16)]

                def ins(T):
                    return _merge_top16(T, v)

                return lax.cond(_any_gt(v, T[0]), ins, lambda T: T, T)

            T = lax.fori_loop(0, U, k_body, T)
            return (T, T[0])

        return lax.cond(_any_gt(w, tmin), do_insert, lambda c: c, (T, tmin))

    T, _ = lax.fori_loop(0, GROUPS, g_body, (T, T[0]))
    return T


def _ysplat(ybuf, rl):
    half = jnp.full((16,), rl // 16, jnp.int32)
    yva = ybuf[pl.ds(0, 16)]
    yvb = ybuf[pl.ds(16, 16)]
    yh = jnp.where(half == 0, yva, yvb)
    return jnp.take(yh, jnp.full((16,), rl % 16, jnp.int32))


def _track_gt(buf3, ybuf, gtbuf, rl, i, c0):
    lane0 = lax.iota(jnp.int32, 16) == 0
    o = _ysplat(ybuf, rl) - c0
    inr = (o >= 0) & (o < CW)
    oc = jnp.clip(o, 0, CW - 1)
    gat = plsc.load_gather(
        buf3, [oc // 128, jnp.full((16,), i, jnp.int32), oc % 128])
    plsc.store_scatter(gtbuf, [jnp.full((16,), rl, jnp.int32)], gat,
                       mask=lane0 & inr)


def _track_gt_tail(tbuf, ybuf, gtbuf, rl, i):
    lane0 = lax.iota(jnp.int32, 16) == 0
    o = _ysplat(ybuf, rl) - TAILC
    inr = (o >= 0) & (o < 32)
    oc = jnp.clip(o, 0, 31)
    gat = plsc.load_gather(tbuf, [jnp.full((16,), i, jnp.int32), oc])
    plsc.store_scatter(gtbuf, [jnp.full((16,), rl, jnp.int32)], gat,
                       mask=lane0 & inr)


def _sc_body(x2, y, gt_out, tk_out,
             ybuf, gtbuf, tkbuf, buf0, buf1, tbuf, sem0, sem1, semt):
    c = lax.axis_index("c")
    s = lax.axis_index("s")
    wid = s * NCORE + c
    row0 = wid * RPW

    pltpu.sync_copy(y.at[pl.ds(row0, RPW)], ybuf)

    bufs = (buf0, buf1)
    sems = (sem0, sem1)

    def dma_tiles(step, b):
        rb = step // NCHUNK
        ci = step % NCHUNK
        r8 = row0 + rb * 8
        return [pltpu.make_async_copy(
                    x2.at[pl.ds(r8, 8), pl.ds((ci * NT + t) * 128, 128)],
                    bufs[b].at[t], sems[b])
                for t in range(NT)]

    for d in dma_tiles(0, 0):
        d.start()

    neg = jnp.full((16,), -jnp.inf, jnp.float32)

    def pair_body(p, carry):
        for j2 in range(2):
            step = p * 2 + j2
            b = j2
            nb = (j2 + 1) % 2

            @pl.when(step + 1 < TOT)
            def _(step=step, nb=nb):
                for d in dma_tiles(step + 1, nb):
                    d.start()

            for d in dma_tiles(step, b):
                d.wait()
            rb = step // NCHUNK
            ci = step % NCHUNK
            c0 = ci * CW

            def row_body(i, carry, b=b):
                rl = rb * 8 + i
                T = jnp.where(ci == 0, neg, tkbuf[rl, :])
                T = _scan_row(bufs[b], i, T)
                tkbuf[rl, :] = T
                _track_gt(bufs[b], ybuf, gtbuf, rl, i, c0)
                return carry

            lax.fori_loop(0, 8, row_body, 0)
        return carry

    lax.fori_loop(0, TOT // 2, pair_body, 0)

    def tail_body(rb, carry):
        pltpu.make_async_copy(
            x2.at[pl.ds((row0 + rb * 8), 8), pl.ds(TAILC, 32)],
            tbuf, semt).start()
        pltpu.make_async_copy(
            x2.at[pl.ds((row0 + rb * 8), 8), pl.ds(TAILC, 32)],
            tbuf, semt).wait()
        for i in range(8):
            rl = rb * 8 + i
            T = tkbuf[rl, :]
            T = _merge_top16(T, tbuf[i, pl.ds(0, 16)])
            T = _merge_top16(T, tbuf[i, pl.ds(16, 16)])
            tkbuf[rl, :] = T
            _track_gt_tail(tbuf, ybuf, gtbuf, rl, i)
        return carry

    lax.fori_loop(0, NRB, tail_body, 0)

    pltpu.sync_copy(gtbuf, gt_out.at[pl.ds(row0, RPW)])
    pltpu.sync_copy(tkbuf, tk_out.at[pl.ds(row0, RPW)])


def _tc_body(gt_ref, tk_ref, out_ref):
    g = gt_ref[:, :]
    t = tk_ref[:, :]
    m = jnp.maximum(t[:, 15:16], g)
    s16 = jnp.sum(jnp.exp(t - m), axis=1, keepdims=True)
    v16 = t[:, 0:1]
    removed = jnp.where(g >= v16, g, v16)
    s15 = s16 - jnp.exp(removed - m)
    lse = m + jnp.log(s15 + jnp.exp(g - m))
    out_ref[:, :] = jnp.broadcast_to(jnp.mean(lse - g), (1, 1))


def kernel(x, y):
    yi = y.astype(jnp.int32)
    sc = pl.kernel(
        _sc_body,
        out_type=(jax.ShapeDtypeStruct((B,), jnp.float32),
                  jax.ShapeDtypeStruct((B, 16), jnp.float32)),
        mesh=plsc.VectorSubcoreMesh(core_axis_name="c", subcore_axis_name="s",
                                    num_cores=NCORE, num_subcores=NSUB),
        scratch_types=[
            pltpu.VMEM((RPW,), jnp.int32),
            pltpu.VMEM((RPW,), jnp.float32),
            pltpu.VMEM((RPW, 16), jnp.float32),
            pltpu.VMEM((NT, 8, 128), jnp.float32),
            pltpu.VMEM((NT, 8, 128), jnp.float32),
            pltpu.VMEM((8, 32), jnp.float32),
            pltpu.SemaphoreType.DMA,
            pltpu.SemaphoreType.DMA,
            pltpu.SemaphoreType.DMA,
        ],
        compiler_params=pltpu.CompilerParams(needs_layout_passes=False),
    )
    gt, tk = sc(x, yi)
    loss = pl.pallas_call(
        _tc_body,
        out_shape=jax.ShapeDtypeStruct((1, 1), jnp.float32),
    )(gt.reshape(B, 1), tk)
    return loss[0, 0]

# --- scband reference (transcript-rebuilt; emitter-appended) ---
"""Pipeline reference for scband-gbloss-8942121910839 (READ-ONLY COPY).

The authoritative reference and input builder live on the scoring server;
editing this copy changes nothing except your own understanding.
"""

import jax, jax.numpy as jnp
import numpy as np

B = 1024
V = 100000
K = 15


def setup_inputs(seed: int = 0) -> dict:
    key = jax.random.key(seed)
    k1, k2 = jax.random.split(key)
    x = jax.random.normal(k1, (B, V), dtype=jnp.float32)
    y = jax.random.randint(k2, (B,), 0, V)
    return {"x": x, "y": y}


def reference(x, y):
    # GBLoss forward:
    # 1) mask out the ground-truth logit with -inf
    rows = jnp.arange(x.shape[0])
    x1 = x.at[rows, y].set(-jnp.inf)
    # 2) gather the ground-truth logit from the original logits
    x_gt = x[rows, y][:, None]
    # 3) top-15 of the masked logits (hard negatives)
    x_topk, _ = jax.lax.top_k(x1, K)
    # 4) concat [gt, top15] -> new (B, 16) logits; target class is always 0
    x_new = jnp.concatenate([x_gt, x_topk], axis=1)
    # 5) cross-entropy with target = 0 (mean reduction)
    lse = jax.scipy.special.logsumexp(x_new, axis=1)
    loss = jnp.mean(lse - x_new[:, 0])
    return loss

if __name__ == "__main__":
    import jax
    _d = setup_inputs()
    print(jax.jit(kernel)(*tuple(_d.values())))

</pallas_src>

<mosaic_0001>
#map = affine_map<(d0, d1) -> (0, 0)>
#map1 = affine_map<(d0, d1) -> (0)>
module attributes {stable_mosaic.version = 14 : i64} {
  func.func @_sc_body(%arg0: i32, %arg1: i32, %arg2: memref<1024x100000xf32, #tpu.memory_space<hbm>>, %arg3: memref<1024xi32, #tpu.memory_space<hbm>>, %arg4: memref<1024xf32, #tpu.memory_space<hbm>>, %arg5: memref<1024x16xf32, #tpu.memory_space<hbm>>, %arg6: memref<32xi32, #tpu.memory_space<vmem>>, %arg7: memref<32xf32, #tpu.memory_space<vmem>>, %arg8: memref<32x16xf32, #tpu.memory_space<vmem>>, %arg9: memref<11x8x128xf32, #tpu.memory_space<vmem>>, %arg10: memref<11x8x128xf32, #tpu.memory_space<vmem>>, %arg11: memref<8x32xf32, #tpu.memory_space<vmem>>, %arg12: memref<!tpu.dma_semaphore, #tpu.memory_space<semaphore_mem>>, %arg13: memref<!tpu.dma_semaphore, #tpu.memory_space<semaphore_mem>>, %arg14: memref<!tpu.dma_semaphore, #tpu.memory_space<semaphore_mem>>) attributes {dimension_semantics = [#tpu.dimension_semantics<core_parallel>, #tpu.dimension_semantics<subcore_parallel>], iteration_bounds = array<i64: 2, 16>, scalar_prefetch = 0 : i64, scratch_operands = 9 : i64, tpu.core_type = #tpu.core_type<sc_vector_subcore>, window_params = [{transform_indices = #map}, {transform_indices = #map1}, {transform_indices = #map1}, {transform_indices = #map}]} {
    %mul3A = arith.constant 2 : i32
    %mul3A_0 = arith.muli %arg1, %mul3A : i32
    %add3A = arith.addi %mul3A_0, %arg0 : i32
    %mul3A_1 = arith.constant 32 : i32
    %mul3A_2 = arith.muli %add3A, %mul3A_1 : i32
    "tpu.region"() ({
      %run_scoped3A = tpu.sem_alloc : memref<!tpu.dma_semaphore, #tpu.memory_space<semaphore_mem>>
      %dma_start3A_159 = tpu.memref_slice %arg3[%mul3A_2] : memref<1024xi32, #tpu.memory_space<hbm>> -> memref<32xi32, #tpu.memory_space<hbm>>
      %dma_start3A_160 = tpu.memref_slice %arg3[%mul3A_2] : memref<1024xi32, #tpu.memory_space<hbm>> -> memref<32xi32, #tpu.memory_space<hbm>>
      tpu.enqueue_dma source(%dma_start3A_160 : memref<32xi32, #tpu.memory_space<hbm>>) target(%arg6 : memref<32xi32, #tpu.memory_space<vmem>>) target_semaphore(%run_scoped3A : memref<!tpu.dma_semaphore, #tpu.memory_space<semaphore_mem>>)
      %dma_wait3A = tpu.memref_slice %arg3[%mul3A_2] : memref<1024xi32, #tpu.memory_space<hbm>> -> memref<32xi32, #tpu.memory_space<hbm>>
      %dma_wait3A_161 = tpu.memref_slice %arg3[%mul3A_2] : memref<1024xi32, #tpu.memory_space<hbm>> -> memref<32xi32, #tpu.memory_space<hbm>>
      tpu.wait_dma2 semaphore(%run_scoped3A : memref<!tpu.dma_semaphore, #tpu.memory_space<semaphore_mem>>) src(%dma_wait3A_161 : memref<32xi32, #tpu.memory_space<hbm>>) dst(%arg6 : memref<32xi32, #tpu.memory_space<vmem>>)
      tpu.yield
    }) : () -> ()
    %add3A_3 = arith.constant 0 : i32
    %add3A_4 = arith.addi %mul3A_2, %add3A_3 : i32
    %dma_start3A = arith.constant 0 : i32
    %dma_start3A_5 = arith.constant 0 : i32
    %dma_start3A_6 = arith.constant 0 : i32
    %dma_start3A_7 = tpu.memref_slice %arg9[%dma_start3A, %dma_start3A_5, %dma_start3A_6] : memref<11x8x128xf32, #tpu.memory_space<vmem>> -> memref<1x8x128xf32, #tpu.memory_space<vmem>>
    %dma_start3A_8 = tpu.memref_squeeze %dma_start3A_7 : memref<1x8x128xf32, #tpu.memory_space<vmem>> -> memref<8x128xf32, #tpu.memory_space<vmem>>
    %dma_start3A_9 = arith.constant 0 : i32
    %dma_start3A_10 = tpu.memref_slice %arg2[%add3A_4, %dma_start3A_9] : memref<1024x100000xf32, #tpu.memory_space<hbm>> -> memref<8x128xf32, #tpu.memory_space<hbm>>
    %dma_start3A_11 = arith.constant 0 : i32
    %dma_start3A_12 = arith.constant 0 : i32
    %dma_start3A_13 = tpu.memref_slice %arg9[%dma_start3A, %dma_start3A_11, %dma_start3A_12] : memref<11x8x128xf32, #tpu.memory_space<vmem>> -> memref<1x8x128xf32, #tpu.memory_space<vmem>>
    %dma_start3A_14 = tpu.memref_squeeze %dma_start3A_13 : memref<1x8x128xf32, #tpu.memory_space<vmem>> -> memref<8x128xf32, #tpu.memory_space<vmem>>
    %dma_start3A_15 = arith.constant 0 : i32
    %dma_start3A_16 = tpu.memref_slice %arg2[%add3A_4, %dma_start3A_15] : memref<1024x100000xf32, #tpu.memory_space<hbm>> -> memref<8x128xf32, #tpu.memory_space<hbm>>
    tpu.enqueue_dma source(%dma_start3A_16 : memref<8x128xf32, #tpu.memory_space<hbm>>) target(%dma_start3A_14 : memref<8x128xf32, #tpu.memory_space<vmem>>) target_semaphore(%arg12 : memref<!tpu.dma_semaphore, #tpu.memory_space<semaphore_mem>>)
    %dma_start3A_17 = arith.constant 1 : i32
    %dma_start3A_18 = arith.constant 0 : i32
    %dma_start3A_19 = arith.constant 0 : i32
    %dma_start3A_20 = tpu.memref_slice %arg9[%dma_start3A_17, %dma_start3A_18, %dma_start3A_19] : memref<11x8x128xf32, #tpu.memory_space<vmem>> -> memref<1x8x128xf32, #tpu.memory_space<vmem>>
    %dma_start3A_21 = tpu.memref_squeeze %dma_start3A_20 : memref<1x8x128xf32, #tpu.memory_space<vmem>> -> memref<8x128xf32, #tpu.memory_space<vmem>>
    %dma_start3A_22 = arith.constant 128 : i32
    %dma_start3A_23 = tpu.memref_slice %arg2[%add3A_4, %dma_start3A_22] : memref<1024x100000xf32, #tpu.memory_space<hbm>> -> memref<8x128xf32, #tpu.memory_space<hbm>>
    %dma_start3A_24 = arith.constant 0 : i32
    %dma_start3A_25 = arith.constant 0 : i32
    %dma_start3A_26 = tpu.memref_slice %arg9[%dma_start3A_17, %dma_start3A_24, %dma_start3A_25] : memref<11x8x128xf32, #tpu.memory_space<vmem>> -> memref<1x8x128xf32, #tpu.memory_space<vmem>>
    %dma_start3A_27 = tpu.memref_squeeze %dma_start3A_26 : memref<1x8x128xf32, #tpu.memory_space<vmem>> -> memref<8x128xf32, #tpu.memory_space<vmem>>
    %dma_start3A_28 = arith.constant 128 : i32
    %dma_start3A_29 = tpu.memref_slice %arg2[%add3A_4, %dma_start3A_28] : memref<1024x100000xf32, #tpu.memory_space<hbm>> -> memref<8x128xf32, #tpu.memory_space<hbm>>
    tpu.enqueue_dma source(%dma_start3A_29 : memref<8x128xf32, #tpu.memory_space<hbm>>) target(%dma_start3A_27 : memref<8x128xf32, #tpu.memory_space<vmem>>) target_semaphore(%arg12 : memref<!tpu.dma_semaphore, #tpu.memory_space<semaphore_mem>>)
    %dma_start3A_30 = arith.constant 2 : i32
    %dma_start3A_31 = arith.constant 0 : i32
    %dma_start3A_32 = arith.constant 0 : i32
    %dma_start3A_33 = tpu.memref_slice %arg9[%dma_start3A_30, %dma_start3A_31, %dma_start3A_32] : memref<11x8x128xf32, #tpu.memory_space<vmem>> -> memref<1x8x128xf32, #tpu.memory_space<vmem>>
    %dma_start3A_34 = tpu.memref_squeeze %dma_start3A_33 : memref<1x8x128xf32, #tpu.memory_space<vmem>> -> memref<8x128xf32, #tpu.memory_space<vmem>>
    %dma_start3A_35 = arith.constant 256 : i32
    %dma_start3A_36 = tpu.memref_slice %arg2[%add3A_4, %dma_start3A_35] : memref<1024x100000xf32, #tpu.memory_space<hbm>> -> memref<8x128xf32, #tpu.memory_space<hbm>>
    %dma_start3A_37 = arith.constant 0 : i32
    %dma_start3A_38 = arith.constant 0 : i32
    %dma_start3A_39 = tpu.memref_slice %arg9[%dma_start3A_30, %dma_start3A_37, %dma_start3A_38] : memref<11x8x128xf32, #tpu.memory_space<vmem>> -> memref<1x8x128xf32, #tpu.memory_space<vmem>>
    %dma_start3A_40 = tpu.memref_squeeze %dma_start3A_39 : memref<1x8x128xf32, #tpu.memory_space<vmem>> -> memref<8x128xf32, #tpu.memory_space<vmem>>
    %dma_start3A_41 = arith.constant 256 : i32
    %dma_start3A_42 = tpu.memref_slice %arg2[%add3A_4, %dma_start3A_41] : memref<1024x100000xf32, #tpu.memory_space<hbm>> -> memref<8x128xf32, #tpu.memory_space<hbm>>
    tpu.enqueue_dma source(%dma_start3A_42 : memref<8x128xf32, #tpu.memory_space<hbm>>) target(%dma_start3A_40 : memref<8x128xf32, #tpu.memory_space<vmem>>) target_semaphore(%arg12 : memref<!tpu.dma_semaphore, #tpu.memory_space<semaphore_mem>>)
    %dma_start3A_43 = arith.constant 3 : i32
    %dma_start3A_44 = arith.constant 0 : i32
    %dma_start3A_45 = arith.constant 0 : i32
    %dma_start3A_46 = tpu.memref_slice %arg9[%dma_start3A_43, %dma_start3A_44, %dma_start3A_45] : memref<11x8x128xf32, #tpu.memory_space<vmem>> -> memref<1x8x128xf32, #tpu.memory_space<vmem>>
    %dma_start3A_47 = tpu.memref_squeeze %dma_start3A_46 : memref<1x8x128xf32, #tpu.memory_space<vmem>> -> memref<8x128xf32, #tpu.memory_space<vmem>>
    %dma_start3A_48 = arith.constant 384 : i32
    %dma_start3A_49 = tpu.memref_slice %arg2[%add3A_4, %dma_start3A_48] : memref<1024x100000xf32, #tpu.memory_space<hbm>> -> memref<8x128xf32, #tpu.memory_space<hbm>>
    %dma_start3A_50 = arith.constant 0 : i32
    %dma_start3A_51 = arith.constant 0 : i32
    %dma_start3A_52 = tpu.memref_slice %arg9[%dma_start3A_43, %dma_start3A_50, %dma_start3A_51] : memref<11x8x128xf32, #tpu.memory_space<vmem>> -> memref<1x8x128xf32, #tpu.memory_space<vmem>>
    %dma_start3A_53 = tpu.memref_squeeze %dma_start3A_52 : memref<1x8x128xf32, #tpu.memory_space<vmem>> -> memref<8x128xf32, #tpu.memory_space<vmem>>
    %dma_start3A_54 = arith.constant 384 : i32
    %dma_start3A_55 = tpu.memref_slice %arg2[%add3A_4, %dma_start3A_54] : memref<1024x100000xf32, #tpu.memory_space<hbm>> -> memref<8x128xf32, #tpu.memory_space<hbm>>
    tpu.enqueue_dma source(%dma_start3A_55 : memref<8x128xf32, #tpu.memory_space<hbm>>) target(%dma_start3A_53 : memref<8x128xf32, #tpu.memory_space<vmem>>) target_semaphore(%arg12 : memref<!tpu.dma_semaphore, #tpu.memory_space<semaphore_mem>>)
    %dma_start3A_56 = arith.constant 4 : i32
    %dma_start3A_57 = arith.constant 0 : i32
    %dma_start3A_58 = arith.constant 0 : i32
    %dma_start3A_59 = tpu.memref_slice %arg9[%dma_start3A_56, %dma_start3A_57, %dma_start3A_58] : memref<11x8x128xf32, #tpu.memory_space<vmem>> -> memref<1x8x128xf32, #tpu.memory_space<vmem>>
    %dma_start3A_60 = tpu.memref_squeeze %dma_start3A_59 : memref<1x8x128xf32, #tpu.memory_space<vmem>> -> memref<8x128xf32, #tpu.memory_space<vmem>>
    %dma_start3A_61 = arith.constant 512 : i32
    %dma_start3A_62 = tpu.memref_slice %arg2[%add3A_4, %dma_start3A_61] : memref<1024x100000xf32, #tpu.memory_space<hbm>> -> memref<8x128xf32, #tpu.memory_space<hbm>>
    %dma_start3A_63 = arith.constant 0 : i32
    %dma_start3A_64 = arith.constant 0 : i32
    %dma_start3A_65 = tpu.memref_slice %arg9[%dma_start3A_56, %dma_start3A_63, %dma_start3A_64] : memref<11x8x128xf32, #tpu.memory_space<vmem>> -> memref<1x8x128xf32, #tpu.memory_space<vmem>>
    %dma_start3A_66 = tpu.memref_squeeze %dma_start3A_65 : memref<1x8x128xf32, #tpu.memory_space<vmem>> -> memref<8x128xf32, #tpu.memory_space<vmem>>
    %dma_start3A_67 = arith.constant 512 : i32
    %dma_start3A_68 = tpu.memref_slice %arg2[%add3A_4, %dma_start3A_67] : memref<1024x100000xf32, #tpu.memory_space<hbm>> -> memref<8x128xf32, #tpu.memory_space<hbm>>
    tpu.enqueue_dma source(%dma_start3A_68 : memref<8x128xf32, #tpu.memory_space<hbm>>) target(%dma_start3A_66 : memref<8x128xf32, #tpu.memory_space<vmem>>) target_semaphore(%arg12 : memref<!tpu.dma_semaphore, #tpu.memory_space<semaphore_mem>>)
    %dma_start3A_69 = arith.constant 5 : i32
    %dma_start3A_70 = arith.constant 0 : i32
    %dma_start3A_71 = arith.constant 0 : i32
    %dma_start3A_72 = tpu.memref_slice %arg9[%dma_start3A_69, %dma_start3A_70, %dma_start3A_71] : memref<11x8x128xf32, #tpu.memory_space<vmem>> -> memref<1x8x128xf32, #tpu.memory_space<vmem>>
    %dma_start3A_73 = tpu.memref_squeeze %dma_start3A_72 : memref<1x8x128xf32, #tpu.memory_space<vmem>> -> memref<8x128xf32, #tpu.memory_space<vmem>>
    %dma_start3A_74 = arith.constant 640 : i32
    %dma_start3A_75 = tpu.memref_slice %arg2[%add3A_4, %dma_start3A_74] : memref<1024x100000xf32, #tpu.memory_space<hbm>> -> memref<8x128xf32, #tpu.memory_space<hbm>>
    %dma_start3A_76 = arith.constant 0 : i32
    %dma_start3A_77 = arith.constant 0 : i32
    %dma_start3A_78 = tpu.memref_slice %arg9[%dma_start3A_69, %dma_start3A_76, %dma_start3A_77] : memref<11x8x128xf32, #tpu.memory_space<vmem>> -> memref<1x8x128xf32, #tpu.memory_space<vmem>>
    %dma_start3A_79 = tpu.memref_squeeze %dma_start3A_78 : memref<1x8x128xf32, #tpu.memory_space<vmem>> -> memref<8x128xf32, #tpu.memory_space<vmem>>
    %dma_start3A_80 = arith.constant 640 : i32
    %dma_start3A_81 = tpu.memref_slice %arg2[%add3A_4, %dma_start3A_80] : memref<1024x100000xf32, #tpu.memory_space<hbm>> -> memref<8x128xf32, #tpu.memory_space<hbm>>
    tpu.enqueue_dma source(%dma_start3A_81 : memref<8x128xf32, #tpu.memory_space<hbm>>) target(%dma_start3A_79 : memref<8x128xf32, #tpu.memory_space<vmem>>) target_semaphore(%arg12 : memref<!tpu.dma_semaphore, #tpu.memory_space<semaphore_mem>>)
    %dma_start3A_82 = arith.constant 6 : i32
    %dma_start3A_83 = arith.constant 0 : i32
    %dma_start3A_84 = arith.constant 0 : i32
    %dma_start3A_85 = tpu.memref_slice %arg9[%dma_start3A_82, %dma_start3A_83, %dma_start3A_84] : memref<11x8x128xf32, #tpu.memory_space<vmem>> -> memref<1x8x128xf32, #tpu.memory_space<vmem>>
    %dma_start3A_86 = tpu.memref_squeeze %dma_start3A_85 : memref<1x8x128xf32, #tpu.memory_space<vmem>> -> memref<8x128xf32, #tpu.memory_space<vmem>>
    %dma_start3A_87 = arith.constant 768 : i32
    %dma_start3A_88 = tpu.memref_slice %arg2[%add3A_4, %dma_start3A_87] : memref<1024x100000xf32, #tpu.memory_space<hbm>> -> memref<8x128xf32, #tpu.memory_space<hbm>>
    %dma_start3A_89 = arith.constant 0 : i32
    %dma_start3A_90 = arith.constant 0 : i32
    %dma_start3A_91 = tpu.memref_slice %arg9[%dma_start3A_82, %dma_start3A_89, %dma_start3A_90] : memref<11x8x128xf32, #tpu.memory_space<vmem>> -> memref<1x8x128xf32, #tpu.memory_space<vmem>>
    %dma_start3A_92 = tpu.memref_squeeze %dma_start3A_91 : memref<1x8x128xf32, #tpu.memory_space<vmem>> -> memref<8x128xf32, #tpu.memory_space<vmem>>
    %dma_start3A_93 = arith.constant 768 : i32
    %dma_start3A_94 = tpu.memref_slice %arg2[%add3A_4, %dma_start3A_93] : memref<1024x100000xf32, #tpu.memory_space<hbm>> -> memref<8x128xf32, #tpu.memory_space<hbm>>
    tpu.enqueue_dma source(%dma_start3A_94 : memref<8x128xf32, #tpu.memory_space<hbm>>) target(%dma_start3A_92 : memref<8x128xf32, #tpu.memory_space<vmem>>) target_semaphore(%arg12 : memref<!tpu.dma_semaphore, #tpu.memory_space<semaphore_mem>>)
    %dma_start3A_95 = arith.constant 7 : i32
    %dma_start3A_96 = arith.constant 0 : i32
    %dma_start3A_97 = arith.constant 0 : i32
    %dma_start3A_98 = tpu.memref_slice %arg9[%dma_start3A_95, %dma_start3A_96, %dma_start3A_97] : memref<11x8x128xf32, #tpu.memory_space<vmem>> -> memref<1x8x128xf32, #tpu.memory_space<vmem>>
    %dma_start3A_99 = tpu.memref_squeeze %dma_start3A_98 : memref<1x8x128xf32, #tpu.memory_space<vmem>> -> memref<8x128xf32, #tpu.memory_space<vmem>>
    %dma_start3A_100 = arith.constant 896 : i32
    %dma_start3A_101 = tpu.memref_slice %arg2[%add3A_4, %dma_start3A_100] : memref<1024x100000xf32, #tpu.memory_space<hbm>> -> memref<8x128xf32, #tpu.memory_space<hbm>>
    %dma_start3A_102 = arith.constant 0 : i32
    %dma_start3A_103 = arith.constant 0 : i32
    %dma_start3A_104 = tpu.memref_slice %arg9[%dma_start3A_95, %dma_start3A_102, %dma_start3A_103] : memref<11x8x128xf32, #tpu.memory_space<vmem>> -> memref<1x8x128xf32, #tpu.memory_space<vmem>>
    %dma_start3A_105 = tpu.memref_squeeze %dma_start3A_104 : memref<1x8x128xf32, #tpu.memory_space<vmem>> -> memref<8x128xf32, #tpu.memory_space<vmem>>
    %dma_start3A_106 = arith.constant 896 : i32
    %dma_start3A_107 = tpu.memref_slice %arg2[%add3A_4, %dma_start3A_106] : memref<1024x100000xf32, #tpu.memory_space<hbm>> -> memref<8x128xf32, #tpu.memory_space<hbm>>
    tpu.enqueue_dma source(%dma_start3A_107 : memref<8x128xf32, #tpu.memory_space<hbm>>) target(%dma_start3A_105 : memref<8x128xf32, #tpu.memory_space<vmem>>) target_semaphore(%arg12 : memref<!tpu.dma_semaphore, #tpu.memory_space<semaphore_mem>>)
    %dma_start3A_108 = arith.constant 8 : i32
    %dma_start3A_109 = arith.constant 0 : i32
    %dma_start3A_110 = arith.constant 0 : i32
    %dma_start3A_111 = tpu.memref_slice %arg9[%dma_start3A_108, %dma_start3A_109, %dma_start3A_110] : memref<11x8x128xf32, #tpu.memory_space<vmem>> -> memref<1x8x128xf32, #tpu.memory_space<vmem>>
    %dma_start3A_112 = tpu.memref_squeeze %dma_start3A_111 : memref<1x8x128xf32, #tpu.memory_space<vmem>> -> memref<8x128xf32, #tpu.memory_space<vmem>>
    %dma_start3A_113 = arith.constant 1024 : i32
    %dma_start3A_114 = tpu.memref_slice %arg2[%add3A_4, %dma_start3A_113] : memref<1024x100000xf32, #tpu.memory_space<hbm>> -> memref<8x128xf32, #tpu.memory_space<hbm>>
    %dma_start3A_115 = arith.constant 0 : i32
    %dma_start3A_116 = arith.constant 0 : i32
    %dma_start3A_117 = tpu.memref_slice %arg9[%dma_start3A_108, %dma_start3A_115, %dma_start3A_116] : memref<11x8x128xf32, #tpu.memory_space<vmem>> -> memref<1x8x128xf32, #tpu.memory_space<vmem>>
    %dma_start3A_118 = tpu.memref_squeeze %dma_start3A_117 : memref<1x8x128xf32, #tpu.memory_space<vmem>> -> memref<8x128xf32, #tpu.memory_space<vmem>>
    %dma_start3A_119 = arith.constant 1024 : i32
    %dma_start3A_120 = tpu.memref_slice %arg2[%add3A_4, %dma_start3A_119] : memref<1024x100000xf32, #tpu.memory_space<hbm>> -> memref<8x128xf32, #tpu.memory_space<hbm>>
    tpu.enqueue_dma source(%dma_start3A_120 : memref<8x128xf32, #tpu.memory_space<hbm>>) target(%dma_start3A_118 : memref<8x128xf32, #tpu.memory_space<vmem>>) target_semaphore(%arg12 : memref<!tpu.dma_semaphore, #tpu.memory_space<semaphore_mem>>)
    %dma_start3A_121 = arith.constant 9 : i32
    %dma_start3A_122 = arith.constant 0 : i32
    %dma_start3A_123 = arith.constant 0 : i32
    %dma_start3A_124 = tpu.memref_slice %arg9[%dma_start3A_121, %dma_start3A_122, %dma_start3A_123] : memref<11x8x128xf32, #tpu.memory_space<vmem>> -> memref<1x8x128xf32, #tpu.memory_space<vmem>>
    %dma_start3A_125 = tpu.memref_squeeze %dma_start3A_124 : memref<1x8x128xf32, #tpu.memory_space<vmem>> -> memref<8x128xf32, #tpu.memory_space<vmem>>
    %dma_start3A_126 = arith.constant 1152 : i32
    %dma_start3A_127 = tpu.memref_slice %arg2[%add3A_4, %dma_start3A_126] : memref<1024x100000xf32, #tpu.memory_space<hbm>> -> memref<8x128xf32, #tpu.memory_space<hbm>>
    %dma_start3A_128 = arith.constant 0 : i32
    %dma_start3A_129 = arith.constant 0 : i32
    %dma_start3A_130 = tpu.memref_slice %arg9[%dma_start3A_121, %dma_start3A_128, %dma_start3A_129] : memref<11x8x128xf32, #tpu.memory_space<vmem>> -> memref<1x8x128xf32, #tpu.memory_space<vmem>>
    %dma_start3A_131 = tpu.memref_squeeze %dma_start3A_130 : memref<1x8x128xf32, #tpu.memory_space<vmem>> -> memref<8x128xf32, #tpu.memory_space<vmem>>
    %dma_start3A_132 = arith.constant 1152 : i32
    %dma_start3A_133 = tpu.memref_slice %arg2[%add3A_4, %dma_start3A_132] : memref<1024x100000xf32, #tpu.memory_space<hbm>> -> memref<8x128xf32, #tpu.memory_space<hbm>>
    tpu.enqueue_dma source(%dma_start3A_133 : memref<8x128xf32, #tpu.memory_space<hbm>>) target(%dma_start3A_131 : memref<8x128xf32, #tpu.memory_space<vmem>>) target_semaphore(%arg12 : memref<!tpu.dma_semaphore, #tpu.memory_space<semaphore_mem>>)
    %dma_start3A_134 = arith.constant 10 : i32
    %dma_start3A_135 = arith.constant 0 : i32
    %dma_start3A_136 = arith.constant 0 : i32
    %dma_start3A_137 = tpu.memref_slice %arg9[%dma_start3A_134, %dma_start3A_135, %dma_start3A_136] : memref<11x8x128xf32, #tpu.memory_space<vmem>> -> memref<1x8x128xf32, #tpu.memory_space<vmem>>
    %dma_start3A_138 = tpu.memref_squeeze %dma_start3A_137 : memref<1x8x128xf32, #tpu.memory_space<vmem>> -> memref<8x128xf32, #tpu.memory_space<vmem>>
    %dma_start3A_139 = arith.constant 1280 : i32
    %dma_start3A_140 = tpu.memref_slice %arg2[%add3A_4, %dma_start3A_139] : memref<1024x100000xf32, #tpu.memory_space<hbm>> -> memref<8x128xf32, #tpu.memory_space<hbm>>
    %dma_start3A_141 = arith.constant 0 : i32
    %dma_start3A_142 = arith.constant 0 : i32
    %dma_start3A_143 = tpu.memref_slice %arg9[%dma_start3A_134, %dma_start3A_141, %dma_start3A_142] : memref<11x8x128xf32, #tpu.memory_space<vmem>> -> memref<1x8x128xf32, #tpu.memory_space<vmem>>
    %dma_start3A_144 = tpu.memref_squeeze %dma_start3A_143 : memref<1x8x128xf32, #tpu.memory_space<vmem>> -> memref<8x128xf32, #tpu.memory_space<vmem>>
    %dma_start3A_145 = arith.constant 1280 : i32
    %dma_start3A_146 = tpu.memref_slice %arg2[%add3A_4, %dma_start3A_145] : memref<1024x100000xf32, #tpu.memory_space<hbm>> -> memref<8x128xf32, #tpu.memory_space<hbm>>
    tpu.enqueue_dma source(%dma_start3A_146 : memref<8x128xf32, #tpu.memory_space<hbm>>) target(%dma_start3A_144 : memref<8x128xf32, #tpu.memory_space<vmem>>) target_semaphore(%arg12 : memref<!tpu.dma_semaphore, #tpu.memory_space<semaphore_mem>>)
    %broadcast_in_dim3A = arith.constant 0xFF800000 : f32
    %broadcast_in_dim3A_147 = vector.broadcast %broadcast_in_dim3A : f32 to vector<16xf32>
    %scan3A = arith.constant 0 : i32
    %scan3A_148 = arith.constant 0 : i32
    %scan3A_149 = arith.constant 142 : i32
    %scan3A_150 = arith.addi %scan3A_148, %scan3A_149 : i32
    %scan3A_151 = arith.constant 1 : i32
    scf.for %scan3A_159 = %scan3A_148 to %scan3A_150 step %scan3A_151  : i32 {
      %mul3A_160 = arith.constant 2 : i32
      %mul3A_161 = arith.muli %scan3A_159, %mul3A_160 : i32
      %add3A_162 = arith.constant 0 : i32
      %add3A_163 = arith.addi %mul3A_161, %add3A_162 : i32
      %add3A_164 = arith.constant 1 : i32
      %add3A_165 = arith.addi %add3A_163, %add3A_164 : i32
      %lt3A = arith.constant 284 : i32
      %lt3A_166 = arith.cmpi slt, %add3A_165, %lt3A : i32
      %convert_element_type3A = arith.extui %lt3A_166 : i1 to i32
      %cond3A = arith.constant 0 : i32
      %cond3A_167 = arith.cmpi ne, %convert_element_type3A, %cond3A : i32
      scf.if %cond3A_167 {
        %add3A_725 = arith.constant 1 : i32
        %add3A_726 = arith.addi %add3A_163, %add3A_725 : i32
        %jit3A_727 = arith.constant 71 : i32
        %div3A_728 = arith.divsi %add3A_726, %jit3A_727 : i32
        %sign3A_729 = arith.constant 0 : i32
        %sign3A_730 = arith.cmpi sgt, %add3A_726, %sign3A_729 : i32
        %sign3A_731 = arith.extui %sign3A_730 : i1 to i32
        %sign3A_732 = arith.constant 0 : i32
        %sign3A_733 = arith.cmpi slt, %add3A_726, %sign3A_732 : i32
        %sign3A_734 = arith.extui %sign3A_733 : i1 to i32
        %sign3A_735 = arith.subi %sign3A_731, %sign3A_734 : i32
        %sign3A_736 = arith.constant 0 : i32
        %sign3A_737 = arith.cmpi sgt, %jit3A_727, %sign3A_736 : i32
        %sign3A_738 = arith.extui %sign3A_737 : i1 to i32
        %sign3A_739 = arith.constant 0 : i32
        %sign3A_740 = arith.cmpi slt, %jit3A_727, %sign3A_739 : i32
        %sign3A_741 = arith.extui %sign3A_740 : i1 to i32
        %sign3A_742 = arith.subi %sign3A_738, %sign3A_741 : i32
        %ne3A_743 = arith.cmpi ne, %sign3A_735, %sign3A_742 : i32
        %rem3A_744 = arith.remsi %add3A_726, %jit3A_727 : i32
        %ne3A_745 = arith.constant 0 : i32
        %ne3A_746 = arith.cmpi ne, %rem3A_744, %ne3A_745 : i32
        %and3A_747 = arith.andi %ne3A_743, %ne3A_746 : i1
        %sub3A_748 = arith.constant 1 : i32
        %sub3A_749 = arith.subi %div3A_728, %sub3A_748 : i32
        %select_n3A_750 = arith.select %and3A_747, %sub3A_749, %div3A_728 : i32
        %jit3A_751 = arith.constant 71 : i32
        %eq3A_752 = arith.constant 0 : i32
        %eq3A_753 = arith.cmpi eq, %jit3A_751, %eq3A_752 : i32
        %jit3A_754 = arith.constant 1 : i32
        %select_n3A_755 = arith.select %eq3A_753, %jit3A_754, %jit3A_751 : i32
        %rem3A_756 = arith.remsi %add3A_726, %select_n3A_755 : i32
        %ne3A_757 = arith.constant 0 : i32
        %ne3A_758 = arith.cmpi ne, %rem3A_756, %ne3A_757 : i32
        %lt3A_759 = arith.constant 0 : i32
        %lt3A_760 = arith.cmpi slt, %rem3A_756, %lt3A_759 : i32
        %lt3A_761 = arith.constant 0 : i32
        %lt3A_762 = arith.cmpi slt, %select_n3A_755, %lt3A_761 : i32
        %ne3A_763 = arith.xori %lt3A_760, %lt3A_762 : i1
        %and3A_764 = arith.andi %ne3A_763, %ne3A_758 : i1
        %add3A_765 = arith.addi %rem3A_756, %select_n3A_755 : i32
        %select_n3A_766 = arith.select %and3A_764, %add3A_765, %rem3A_756 : i32
        %mul3A_767 = arith.constant 8 : i32
        %mul3A_768 = arith.muli %select_n3A_750, %mul3A_767 : i32
        %add3A_769 = arith.addi %mul3A_2, %mul3A_768 : i32
        %mul3A_770 = arith.constant 11 : i32
        %mul3A_771 = arith.muli %select_n3A_766, %mul3A_770 : i32
        %add3A_772 = arith.constant 0 : i32
        %add3A_773 = arith.addi %mul3A_771, %add3A_772 : i32
        %mul3A_774 = arith.constant 128 : i32
        %mul3A_775 = arith.muli %add3A_773, %mul3A_774 : i32
        %mul3A_776 = arith.constant 11 : i32
        %mul3A_777 = arith.muli %select_n3A_766, %mul3A_776 : i32
        %add3A_778 = arith.constant 1 : i32
        %add3A_779 = arith.addi %mul3A_777, %add3A_778 : i32
        %mul3A_780 = arith.constant 128 : i32
        %mul3A_781 = arith.muli %add3A_779, %mul3A_780 : i32
        %mul3A_782 = arith.constant 11 : i32
        %mul3A_783 = arith.muli %select_n3A_766, %mul3A_782 : i32
        %add3A_784 = arith.constant 2 : i32
        %add3A_785 = arith.addi %mul3A_783, %add3A_784 : i32
        %mul3A_786 = arith.constant 128 : i32
        %mul3A_787 = arith.muli %add3A_785, %mul3A_786 : i32
        %mul3A_788 = arith.constant 11 : i32
        %mul3A_789 = arith.muli %select_n3A_766, %mul3A_788 : i32
        %add3A_790 = arith.constant 3 : i32
        %add3A_791 = arith.addi %mul3A_789, %add3A_790 : i32
        %mul3A_792 = arith.constant 128 : i32
        %mul3A_793 = arith.muli %add3A_791, %mul3A_792 : i32
        %mul3A_794 = arith.constant 11 : i32
        %mul3A_795 = arith.muli %select_n3A_766, %mul3A_794 : i32
        %add3A_796 = arith.constant 4 : i32
        %add3A_797 = arith.addi %mul3A_795, %add3A_796 : i32
        %mul3A_798 = arith.constant 128 : i32
        %mul3A_799 = arith.muli %add3A_797, %mul3A_798 : i32
        %mul3A_800 = arith.constant 11 : i32
        %mul3A_801 = arith.muli %select_n3A_766, %mul3A_800 : i32
        %add3A_802 = arith.constant 5 : i32
        %add3A_803 = arith.addi %mul3A_801, %add3A_802 : i32
        %mul3A_804 = arith.constant 128 : i32
        %mul3A_805 = arith.muli %add3A_803, %mul3A_804 : i32
        %mul3A_806 = arith.constant 11 : i32
        %mul3A_807 = arith.muli %select_n3A_766, %mul3A_806 : i32
        %add3A_808 = arith.constant 6 : i32
        %add3A_809 = arith.addi %mul3A_807, %add3A_808 : i32
        %mul3A_810 = arith.constant 128 : i32
        %mul3A_811 = arith.muli %add3A_809, %mul3A_810 : i32
        %mul3A_812 = arith.constant 11 : i32
        %mul3A_813 = arith.muli %select_n3A_766, %mul3A_812 : i32
        %add3A_814 = arith.constant 7 : i32
        %add3A_815 = arith.addi %mul3A_813, %add3A_814 : i32
        %mul3A_816 = arith.constant 128 : i32
        %mul3A_817 = arith.muli %add3A_815, %mul3A_816 : i32
        %mul3A_818 = arith.constant 11 : i32
        %mul3A_819 = arith.muli %select_n3A_766, %mul3A_818 : i32
        %add3A_820 = arith.constant 8 : i32
        %add3A_821 = arith.addi %mul3A_819, %add3A_820 : i32
        %mul3A_822 = arith.constant 128 : i32
        %mul3A_823 = arith.muli %add3A_821, %mul3A_822 : i32
        %mul3A_824 = arith.constant 11 : i32
        %mul3A_825 = arith.muli %select_n3A_766, %mul3A_824 : i32
        %add3A_826 = arith.constant 9 : i32
        %add3A_827 = arith.addi %mul3A_825, %add3A_826 : i32
        %mul3A_828 = arith.constant 128 : i32
        %mul3A_829 = arith.muli %add3A_827, %mul3A_828 : i32
        %mul3A_830 = arith.constant 11 : i32
        %mul3A_831 = arith.muli %select_n3A_766, %mul3A_830 : i32
        %add3A_832 = arith.constant 10 : i32
        %add3A_833 = arith.addi %mul3A_831, %add3A_832 : i32
        %mul3A_834 = arith.constant 128 : i32
        %mul3A_835 = arith.muli %add3A_833, %mul3A_834 : i32
        %dma_start3A_836 = arith.constant 0 : i32
        %dma_start3A_837 = arith.constant 0 : i32
        %dma_start3A_838 = arith.constant 0 : i32
        %dma_start3A_839 = tpu.memref_slice %arg10[%dma_start3A_836, %dma_start3A_837, %dma_start3A_838] : memref<11x8x128xf32, #tpu.memory_space<vmem>> -> memref<1x8x128xf32, #tpu.memory_space<vmem>>
        %dma_start3A_840 = tpu.memref_squeeze %dma_start3A_839 : memref<1x8x128xf32, #tpu.memory_space<vmem>> -> memref<8x128xf32, #tpu.memory_space<vmem>>
        %dma_start3A_841 = tpu.memref_slice %arg2[%add3A_769, %mul3A_775] : memref<1024x100000xf32, #tpu.memory_space<hbm>> -> memref<8x128xf32, #tpu.memory_space<hbm>>
        %dma_start3A_842 = arith.constant 0 : i32
        %dma_start3A_843 = arith.constant 0 : i32
        %dma_start3A_844 = tpu.memref_slice %arg10[%dma_start3A_836, %dma_start3A_842, %dma_start3A_843] : memref<11x8x128xf32, #tpu.memory_space<vmem>> -> memref<1x8x128xf32, #tpu.memory_space<vmem>>
        %dma_start3A_845 = tpu.memref_squeeze %dma_start3A_844 : memref<1x8x128xf32, #tpu.memory_space<vmem>> -> memref<8x128xf32, #tpu.memory_space<vmem>>
        %dma_start3A_846 = tpu.memref_slice %arg2[%add3A_769, %mul3A_775] : memref<1024x100000xf32, #tpu.memory_space<hbm>> -> memref<8x128xf32, #tpu.memory_space<hbm>>
        tpu.enqueue_dma source(%dma_start3A_846 : memref<8x128xf32, #tpu.memory_space<hbm>>) target(%dma_start3A_845 : memref<8x128xf32, #tpu.memory_space<vmem>>) target_semaphore(%arg13 : memref<!tpu.dma_semaphore, #tpu.memory_space<semaphore_mem>>)
        %dma_start3A_847 = arith.constant 1 : i32
        %dma_start3A_848 = arith.constant 0 : i32
        %dma_start3A_849 = arith.constant 0 : i32
        %dma_start3A_850 = tpu.memref_slice %arg10[%dma_start3A_847, %dma_start3A_848, %dma_start3A_849] : memref<11x8x128xf32, #tpu.memory_space<vmem>> -> memref<1x8x128xf32, #tpu.memory_space<vmem>>
        %dma_start3A_851 = tpu.memref_squeeze %dma_start3A_850 : memref<1x8x128xf32, #tpu.memory_space<vmem>> -> memref<8x128xf32, #tpu.memory_space<vmem>>
        %dma_start3A_852 = tpu.memref_slice %arg2[%add3A_769, %mul3A_781] : memref<1024x100000xf32, #tpu.memory_space<hbm>> -> memref<8x128xf32, #tpu.memory_space<hbm>>
        %dma_start3A_853 = arith.constant 0 : i32
        %dma_start3A_854 = arith.constant 0 : i32
        %dma_start3A_855 = tpu.memref_slice %arg10[%dma_start3A_847, %dma_start3A_853, %dma_start3A_854] : memref<11x8x128xf32, #tpu.memory_space<vmem>> -> memref<1x8x128xf32, #tpu.memory_space<vmem>>
        %dma_start3A_856 = tpu.memref_squeeze %dma_start3A_855 : memref<1x8x128xf32, #tpu.memory_space<vmem>> -> memref<8x128xf32, #tpu.memory_space<vmem>>
        %dma_start3A_857 = tpu.memref_slice %arg2[%add3A_769, %mul3A_781] : memref<1024x100000xf32, #tpu.memory_space<hbm>> -> memref<8x128xf32, #tpu.memory_space<hbm>>
        tpu.enqueue_dma source(%dma_start3A_857 : memref<8x128xf32, #tpu.memory_space<hbm>>) target(%dma_start3A_856 : memref<8x128xf32, #tpu.memory_space<vmem>>) target_semaphore(%arg13 : memref<!tpu.dma_semaphore, #tpu.memory_space<semaphore_mem>>)
        %dma_start3A_858 = arith.constant 2 : i32
        %dma_start3A_859 = arith.constant 0 : i32
        %dma_start3A_860 = arith.constant 0 : i32
        %dma_start3A_861 = tpu.memref_slice %arg10[%dma_start3A_858, %dma_start3A_859, %dma_start3A_860] : memref<11x8x128xf32, #tpu.memory_space<vmem>> -> memref<1x8x128xf32, #tpu.memory_space<vmem>>
        %dma_start3A_862 = tpu.memref_squeeze %dma_start3A_861 : memref<1x8x128xf32, #tpu.memory_space<vmem>> -> memref<8x128xf32, #tpu.memory_space<vmem>>
        %dma_start3A_863 = tpu.memref_slice %arg2[%add3A_769, %mul3A_787] : memref<1024x100000xf32, #tpu.memory_space<hbm>> -> memref<8x128xf32, #tpu.memory_space<hbm>>
        %dma_start3A_864 = arith.constant 0 : i32
        %dma_start3A_865 = arith.constant 0 : i32
        %dma_start3A_866 = tpu.memref_slice %arg10[%dma_start3A_858, %dma_start3A_864, %dma_start3A_865] : memref<11x8x128xf32, #tpu.memory_space<vmem>> -> memref<1x8x128xf32, #tpu.memory_space<vmem>>
        %dma_start3A_867 = tpu.memref_squeeze %dma_start3A_866 : memref<1x8x128xf32, #tpu.memory_space<vmem>> -> memref<8x128xf32, #tpu.memory_space<vmem>>
        %dma_start3A_868 = tpu.memref_slice %arg2[%add3A_769, %mul3A_787] : memref<1024x100000xf32, #tpu.memory_space<hbm>> -> memref<8x128xf32, #tpu.memory_space<hbm>>
        tpu.enqueue_dma source(%dma_start3A_868 : memref<8x128xf32, #tpu.memory_space<hbm>>) target(%dma_start3A_867 : memref<8x128xf32, #tpu.memory_space<vmem>>) target_semaphore(%arg13 : memref<!tpu.dma_semaphore, #tpu.memory_space<semaphore_mem>>)
        %dma_start3A_869 = arith.constant 3 : i32
        %dma_start3A_870 = arith.constant 0 : i32
        %dma_start3A_871 = arith.constant 0 : i32
        %dma_start3A_872 = tpu.memref_slice %arg10[%dma_start3A_869, %dma_start3A_870, %dma_start3A_871] : memref<11x8x128xf32, #tpu.memory_space<vmem>> -> memref<1x8x128xf32, #tpu.memory_space<vmem>>
        %dma_start3A_873 = tpu.memref_squeeze %dma_start3A_872 : memref<1x8x128xf32, #tpu.memory_space<vmem>> -> memref<8x128xf32, #tpu.memory_space<vmem>>
        %dma_start3A_874 = tpu.memref_slice %arg2[%add3A_769, %mul3A_793] : memref<1024x100000xf32, #tpu.memory_space<hbm>> -> memref<8x128xf32, #tpu.memory_space<hbm>>
        %dma_start3A_875 = arith.constant 0 : i32
        %dma_start3A_876 = arith.constant 0 : i32
        %dma_start3A_877 = tpu.memref_slice %arg10[%dma_start3A_869, %dma_start3A_875, %dma_start3A_876] : memref<11x8x128xf32, #tpu.memory_space<vmem>> -> memref<1x8x128xf32, #tpu.memory_space<vmem>>
        %dma_start3A_878 = tpu.memref_squeeze %dma_start3A_877 : memref<1x8x128xf32, #tpu.memory_space<vmem>> -> memref<8x128xf32, #tpu.memory_space<vmem>>
        %dma_start3A_879 = tpu.memref_slice %arg2[%add3A_769, %mul3A_793] : memref<1024x100000xf32, #tpu.memory_space<hbm>> -> memref<8x128xf32, #tpu.memory_space<hbm>>
        tpu.enqueue_dma source(%dma_start3A_879 : memref<8x128xf32, #tpu.memory_space<hbm>>) target(%dma_start3A_878 : memref<8x128xf32, #tpu.memory_space<vmem>>) target_semaphore(%arg13 : memref<!tpu.dma_semaphore, #tpu.memory_space<semaphore_mem>>)
        %dma_start3A_880 = arith.constant 4 : i32
        %dma_start3A_881 = arith.constant 0 : i32
        %dma_start3A_882 = arith.constant 0 : i32
        %dma_start3A_883 = tpu.memref_slice %arg10[%dma_start3A_880, %dma_start3A_881, %dma_start3A_882] : memref<11x8x128xf32, #tpu.memory_space<vmem>> -> memref<1x8x128xf32, #tpu.memory_space<vmem>>
        %dma_start3A_884 = tpu.memref_squeeze %dma_start3A_883 : memref<1x8x128xf32, #tpu.memory_space<vmem>> -> memref<8x128xf32, #tpu.memory_space<vmem>>
        %dma_start3A_885 = tpu.memref_slice %arg2[%add3A_769, %mul3A_799] : memref<1024x100000xf32, #tpu.memory_space<hbm>> -> memref<8x128xf32, #tpu.memory_space<hbm>>
        %dma_start3A_886 = arith.constant 0 : i32
        %dma_start3A_887 = arith.constant 0 : i32
        %dma_start3A_888 = tpu.memref_slice %arg10[%dma_start3A_880, %dma_start3A_886, %dma_start3A_887] : memref<11x8x128xf32, #tpu.memory_space<vmem>> -> memref<1x8x128xf32, #tpu.memory_space<vmem>>
        %dma_start3A_889 = tpu.memref_squeeze %dma_start3A_888 : memref<1x8x128xf32, #tpu.memory_space<vmem>> -> memref<8x128xf32, #tpu.memory_space<vmem>>
        %dma_start3A_890 = tpu.memref_slice %arg2[%add3A_769, %mul3A_799] : memref<1024x100000xf32, #tpu.memory_space<hbm>> -> memref<8x128xf32, #tpu.memory_space<hbm>>
        tpu.enqueue_dma source(%dma_start3A_890 : memref<8x128xf32, #tpu.memory_space<hbm>>) target(%dma_start3A_889 : memref<8x128xf32, #tpu.memory_space<vmem>>) target_semaphore(%arg13 : memref<!tpu.dma_semaphore, #tpu.memory_space<semaphore_mem>>)
        %dma_start3A_891 = arith.constant 5 : i32
        %dma_start3A_892 = arith.constant 0 : i32
        %dma_start3A_893 = arith.constant 0 : i32
        %dma_start3A_894 = tpu.memref_slice %arg10[%dma_start3A_891, %dma_start3A_892, %dma_start3A_893] : memref<11x8x128xf32, #tpu.memory_space<vmem>> -> memref<1x8x128xf32, #tpu.memory_space<vmem>>
        %dma_start3A_895 = tpu.memref_squeeze %dma_start3A_894 : memref<1x8x128xf32, #tpu.memory_space<vmem>> -> memref<8x128xf32, #tpu.memory_space<vmem>>
        %dma_start3A_896 = tpu.memref_slice %arg2[%add3A_769, %mul3A_805] : memref<1024x100000xf32, #tpu.memory_space<hbm>> -> memref<8x128xf32, #tpu.memory_space<hbm>>
        %dma_start3A_897 = arith.constant 0 : i32
        %dma_start3A_898 = arith.constant 0 : i32
        %dma_start3A_899 = tpu.memref_slice %arg10[%dma_start3A_891, %dma_start3A_897, %dma_start3A_898] : memref<11x8x128xf32, #tpu.memory_space<vmem>> -> memref<1x8x128xf32, #tpu.memory_space<vmem>>
        %dma_start3A_900 = tpu.memref_squeeze %dma_start3A_899 : memref<1x8x128xf32, #tpu.memory_space<vmem>> -> memref<8x128xf32, #tpu.memory_space<vmem>>
        %dma_start3A_901 = tpu.memref_slice %arg2[%add3A_769, %mul3A_805] : memref<1024x100000xf32, #tpu.memory_space<hbm>> -> memref<8x128xf32, #tpu.memory_space<hbm>>
        tpu.enqueue_dma source(%dma_start3A_901 : memref<8x128xf32, #tpu.memory_space<hbm>>) target(%dma_start3A_900 : memref<8x128xf32, #tpu.memory_space<vmem>>) target_semaphore(%arg13 : memref<!tpu.dma_semaphore, #tpu.memory_space<semaphore_mem>>)
        %dma_start3A_902 = arith.constant 6 : i32
        %dma_start3A_903 = arith.constant 0 : i32
        %dma_start3A_904 = arith.constant 0 : i32
        %dma_start3A_905 = tpu.memref_slice %arg10[%dma_start3A_902, %dma_start3A_903, %dma_start3A_904] : memref<11x8x128xf32, #tpu.memory_space<vmem>> -> memref<1x8x128xf32, #tpu.memory_space<vmem>>
        %dma_start3A_906 = tpu.memref_squeeze %dma_start3A_905 : memref<1x8x128xf32, #tpu.memory_space<vmem>> -> memref<8x128xf32, #tpu.memory_space<vmem>>
        %dma_start3A_907 = tpu.memref_slice %arg2[%add3A_769, %mul3A_811] : memref<1024x100000xf32, #tpu.memory_space<hbm>> -> memref<8x128xf32, #tpu.memory_space<hbm>>
        %dma_start3A_908 = arith.constant 0 : i32
        %dma_start3A_909 = arith.constant 0 : i32
        %dma_start3A_910 = tpu.memref_slice %arg10[%dma_start3A_902, %dma_start3A_908, %dma_start3A_909] : memref<11x8x128xf32, #tpu.memory_space<vmem>> -> memref<1x8x128xf32, #tpu.memory_space<vmem>>
        %dma_start3A_911 = tpu.memref_squeeze %dma_start3A_910 : memref<1x8x128xf32, #tpu.memory_space<vmem>> -> memref<8x128xf32, #tpu.memory_space<vmem>>
        %dma_start3A_912 = tpu.memref_slice %arg2[%add3A_769, %mul3A_811] : memref<1024x100000xf32, #tpu.memory_space<hbm>> -> memref<8x128xf32, #tpu.memory_space<hbm>>
        tpu.enqueue_dma source(%dma_start3A_912 : memref<8x128xf32, #tpu.memory_space<hbm>>) target(%dma_start3A_911 : memref<8x128xf32, #tpu.memory_space<vmem>>) target_semaphore(%arg13 : memref<!tpu.dma_semaphore, #tpu.memory_space<semaphore_mem>>)
        %dma_start3A_913 = arith.constant 7 : i32
        %dma_start3A_914 = arith.constant 0 : i32
        %dma_start3A_915 = arith.constant 0 : i32
        %dma_start3A_916 = tpu.memref_slice %arg10[%dma_start3A_913, %dma_start3A_914, %dma_start3A_915] : memref<11x8x128xf32, #tpu.memory_space<vmem>> -> memref<1x8x128xf32, #tpu.memory_space<vmem>>
        %dma_start3A_917 = tpu.memref_squeeze %dma_start3A_916 : memref<1x8x128xf32, #tpu.memory_space<vmem>> -> memref<8x128xf32, #tpu.memory_space<vmem>>
        %dma_start3A_918 = tpu.memref_slice %arg2[%add3A_769, %mul3A_817] : memref<1024x100000xf32, #tpu.memory_space<hbm>> -> memref<8x128xf32, #tpu.memory_space<hbm>>
        %dma_start3A_919 = arith.constant 0 : i32
        %dma_start3A_920 = arith.constant 0 : i32
        %dma_start3A_921 = tpu.memref_slice %arg10[%dma_start3A_913, %dma_start3A_919, %dma_start3A_920] : memref<11x8x128xf32, #tpu.memory_space<vmem>> -> memref<1x8x128xf32, #tpu.memory_space<vmem>>
        %dma_start3A_922 = tpu.memref_squeeze %dma_start3A_921 : memref<1x8x128xf32, #tpu.memory_space<vmem>> -> memref<8x128xf32, #tpu.memory_space<vmem>>
        %dma_start3A_923 = tpu.memref_slice %arg2[%add3A_769, %mul3A_817] : memref<1024x100000xf32, #tpu.memory_space<hbm>> -> memref<8x128xf32, #tpu.memory_space<hbm>>
        tpu.enqueue_dma source(%dma_start3A_923 : memref<8x128xf32, #tpu.memory_space<hbm>>) target(%dma_start3A_922 : memref<8x128xf32, #tpu.memory_space<vmem>>) target_semaphore(%arg13 : memref<!tpu.dma_semaphore, #tpu.memory_space<semaphore_mem>>)
        %dma_start3A_924 = arith.constant 8 : i32
        %dma_start3A_925 = arith.constant 0 : i32
        %dma_start3A_926 = arith.constant 0 : i32
        %dma_start3A_927 = tpu.memref_slice %arg10[%dma_start3A_924, %dma_start3A_925, %dma_start3A_926] : memref<11x8x128xf32, #tpu.memory_space<vmem>> -> memref<1x8x128xf32, #tpu.memory_space<vmem>>
        %dma_start3A_928 = tpu.memref_squeeze %dma_start3A_927 : memref<1x8x128xf32, #tpu.memory_space<vmem>> -> memref<8x128xf32, #tpu.memory_space<vmem>>
        %dma_start3A_929 = tpu.memref_slice %arg2[%add3A_769, %mul3A_823] : memref<1024x100000xf32, #tpu.memory_space<hbm>> -> memref<8x128xf32, #tpu.memory_space<hbm>>
        %dma_start3A_930 = arith.constant 0 : i32
        %dma_start3A_931 = arith.constant 0 : i32
        %dma_start3A_932 = tpu.memref_slice %arg10[%dma_start3A_924, %dma_start3A_930, %dma_start3A_931] : memref<11x8x128xf32, #tpu.memory_space<vmem>> -> memref<1x8x128xf32, #tpu.memory_space<vmem>>
        %dma_start3A_933 = tpu.memref_squeeze %dma_start3A_932 : memref<1x8x128xf32, #tpu.memory_space<vmem>> -> memref<8x128xf32, #tpu.memory_space<vmem>>
        %dma_start3A_934 = tpu.memref_slice %arg2[%add3A_769, %mul3A_823] : memref<1024x100000xf32, #tpu.memory_space<hbm>> -> memref<8x128xf32, #tpu.memory_space<hbm>>
        tpu.enqueue_dma source(%dma_start3A_934 : memref<8x128xf32, #tpu.memory_space<hbm>>) target(%dma_start3A_933 : memref<8x128xf32, #tpu.memory_space<vmem>>) target_semaphore(%arg13 : memref<!tpu.dma_semaphore, #tpu.memory_space<semaphore_mem>>)
        %dma_start3A_935 = arith.constant 9 : i32
        %dma_start3A_936 = arith.constant 0 : i32
        %dma_start3A_937 = arith.constant 0 : i32
        %dma_start3A_938 = tpu.memref_slice %arg10[%dma_start3A_935, %dma_start3A_936, %dma_start3A_937] : memref<11x8x128xf32, #tpu.memory_space<vmem>> -> memref<1x8x128xf32, #tpu.memory_space<vmem>>
        %dma_start3A_939 = tpu.memref_squeeze %dma_start3A_938 : memref<1x8x128xf32, #tpu.memory_space<vmem>> -> memref<8x128xf32, #tpu.memory_space<vmem>>
        %dma_start3A_940 = tpu.memref_slice %arg2[%add3A_769, %mul3A_829] : memref<1024x100000xf32, #tpu.memory_space<hbm>> -> memref<8x128xf32, #tpu.memory_space<hbm>>
        %dma_start3A_941 = arith.constant 0 : i32
        %dma_start3A_942 = arith.constant 0 : i32
        %dma_start3A_943 = tpu.memref_slice %arg10[%dma_start3A_935, %dma_start3A_941, %dma_start3A_942] : memref<11x8x128xf32, #tpu.memory_space<vmem>> -> memref<1x8x128xf32, #tpu.memory_space<vmem>>
        %dma_start3A_944 = tpu.memref_squeeze %dma_start3A_943 : memref<1x8x128xf32, #tpu.memory_space<vmem>> -> memref<8x128xf32, #tpu.memory_space<vmem>>
        %dma_start3A_945 = tpu.memref_slice %arg2[%add3A_769, %mul3A_829] : memref<1024x100000xf32, #tpu.memory_space<hbm>> -> memref<8x128xf32, #tpu.memory_space<hbm>>
        tpu.enqueue_dma source(%dma_start3A_945 : memref<8x128xf32, #tpu.memory_space<hbm>>) target(%dma_start3A_944 : memref<8x128xf32, #tpu.memory_space<vmem>>) target_semaphore(%arg13 : memref<!tpu.dma_semaphore, #tpu.memory_space<semaphore_mem>>)
        %dma_start3A_946 = arith.constant 10 : i32
        %dma_start3A_947 = arith.constant 0 : i32
        %dma_start3A_948 = arith.constant 0 : i32
        %dma_start3A_949 = tpu.memref_slice %arg10[%dma_start3A_946, %dma_start3A_947, %dma_start3A_948] : memref<11x8x128xf32, #tpu.memory_space<vmem>> -> memref<1x8x128xf32, #tpu.memory_space<vmem>>
        %dma_start3A_950 = tpu.memref_squeeze %dma_start3A_949 : memref<1x8x128xf32, #tpu.memory_space<vmem>> -> memref<8x128xf32, #tpu.memory_space<vmem>>
        %dma_start3A_951 = tpu.memref_slice %arg2[%add3A_769, %mul3A_835] : memref<1024x100000xf32, #tpu.memory_space<hbm>> -> memref<8x128xf32, #tpu.memory_space<hbm>>
        %dma_start3A_952 = arith.constant 0 : i32
        %dma_start3A_953 = arith.constant 0 : i32
        %dma_start3A_954 = tpu.memref_slice %arg10[%dma_start3A_946, %dma_start3A_952, %dma_start3A_953] : memref<11x8x128xf32, #tpu.memory_space<vmem>> -> memref<1x8x128xf32, #tpu.memory_space<vmem>>
        %dma_start3A_955 = tpu.memref_squeeze %dma_start3A_954 : memref<1x8x128xf32, #tpu.memory_space<vmem>> -> memref<8x128xf32, #tpu.memory_space<vmem>>
        %dma_start3A_956 = tpu.memref_slice %arg2[%add3A_769, %mul3A_835] : memref<1024x100000xf32, #tpu.memory_space<hbm>> -> memref<8x128xf32, #tpu.memory_space<hbm>>
        tpu.enqueue_dma source(%dma_start3A_956 : memref<8x128xf32, #tpu.memory_space<hbm>>) target(%dma_start3A_955 : memref<8x128xf32, #tpu.memory_space<vmem>>) target_semaphore(%arg13 : memref<!tpu.dma_semaphore, #tpu.memory_space<semaphore_mem>>)
      } else {
      }
      %jit3A = arith.constant 71 : i32
      %div3A = arith.divsi %add3A_163, %jit3A : i32
      %sign3A = arith.constant 0 : i32
      %sign3A_168 = arith.cmpi sgt, %add3A_163, %sign3A : i32
      %sign3A_169 = arith.extui %sign3A_168 : i1 to i32
      %sign3A_170 = arith.constant 0 : i32
      %sign3A_171 = arith.cmpi slt, %add3A_163, %sign3A_170 : i32
      %sign3A_172 = arith.extui %sign3A_171 : i1 to i32
      %sign3A_173 = arith.subi %sign3A_169, %sign3A_172 : i32
      %sign3A_174 = arith.constant 0 : i32
      %sign3A_175 = arith.cmpi sgt, %jit3A, %sign3A_174 : i32
      %sign3A_176 = arith.extui %sign3A_175 : i1 to i32
      %sign3A_177 = arith.constant 0 : i32
      %sign3A_178 = arith.cmpi slt, %jit3A, %sign3A_177 : i32
      %sign3A_179 = arith.extui %sign3A_178 : i1 to i32
      %sign3A_180 = arith.subi %sign3A_176, %sign3A_179 : i32
      %ne3A = arith.cmpi ne, %sign3A_173, %sign3A_180 : i32
      %rem3A = arith.remsi %add3A_163, %jit3A : i32
      %ne3A_181 = arith.constant 0 : i32
      %ne3A_182 = arith.cmpi ne, %rem3A, %ne3A_181 : i32
      %and3A = arith.andi %ne3A, %ne3A_182 : i1
      %sub3A = arith.constant 1 : i32
      %sub3A_183 = arith.subi %div3A, %sub3A : i32
      %select_n3A = arith.select %and3A, %sub3A_183, %div3A : i32
      %jit3A_184 = arith.constant 71 : i32
      %eq3A = arith.constant 0 : i32
      %eq3A_185 = arith.cmpi eq, %jit3A_184, %eq3A : i32
      %jit3A_186 = arith.constant 1 : i32
      %select_n3A_187 = arith.select %eq3A_185, %jit3A_186, %jit3A_184 : i32
      %rem3A_188 = arith.remsi %add3A_163, %select_n3A_187 : i32
      %ne3A_189 = arith.constant 0 : i32
      %ne3A_190 = arith.cmpi ne, %rem3A_188, %ne3A_189 : i32
      %lt3A_191 = arith.constant 0 : i32
      %lt3A_192 = arith.cmpi slt, %rem3A_188, %lt3A_191 : i32
      %lt3A_193 = arith.constant 0 : i32
      %lt3A_194 = arith.cmpi slt, %select_n3A_187, %lt3A_193 : i32
      %ne3A_195 = arith.xori %lt3A_192, %lt3A_194 : i1
      %and3A_196 = arith.andi %ne3A_195, %ne3A_190 : i1
      %add3A_197 = arith.addi %rem3A_188, %select_n3A_187 : i32
      %select_n3A_198 = arith.select %and3A_196, %add3A_197, %rem3A_188 : i32
      %mul3A_199 = arith.constant 8 : i32
      %mul3A_200 = arith.muli %select_n3A, %mul3A_199 : i32
      %add3A_201 = arith.addi %mul3A_2, %mul3A_200 : i32
      %mul3A_202 = arith.constant 11 : i32
      %mul3A_203 = arith.muli %select_n3A_198, %mul3A_202 : i32
      %add3A_204 = arith.constant 0 : i32
      %add3A_205 = arith.addi %mul3A_203, %add3A_204 : i32
      %mul3A_206 = arith.constant 128 : i32
      %mul3A_207 = arith.muli %add3A_205, %mul3A_206 : i32
      %mul3A_208 = arith.constant 11 : i32
      %mul3A_209 = arith.muli %select_n3A_198, %mul3A_208 : i32
      %add3A_210 = arith.constant 1 : i32
      %add3A_211 = arith.addi %mul3A_209, %add3A_210 : i32
      %mul3A_212 = arith.constant 128 : i32
      %mul3A_213 = arith.muli %add3A_211, %mul3A_212 : i32
      %mul3A_214 = arith.constant 11 : i32
      %mul3A_215 = arith.muli %select_n3A_198, %mul3A_214 : i32
      %add3A_216 = arith.constant 2 : i32
      %add3A_217 = arith.addi %mul3A_215, %add3A_216 : i32
      %mul3A_218 = arith.constant 128 : i32
      %mul3A_219 = arith.muli %add3A_217, %mul3A_218 : i32
      %mul3A_220 = arith.constant 11 : i32
      %mul3A_221 = arith.muli %select_n3A_198, %mul3A_220 : i32
      %add3A_222 = arith.constant 3 : i32
      %add3A_223 = arith.addi %mul3A_221, %add3A_222 : i32
      %mul3A_224 = arith.constant 128 : i32
      %mul3A_225 = arith.muli %add3A_223, %mul3A_224 : i32
      %mul3A_226 = arith.constant 11 : i32
      %mul3A_227 = arith.muli %select_n3A_198, %mul3A_226 : i32
      %add3A_228 = arith.constant 4 : i32
      %add3A_229 = arith.addi %mul3A_227, %add3A_228 : i32
      %mul3A_230 = arith.constant 128 : i32
      %mul3A_231 = arith.muli %add3A_229, %mul3A_230 : i32
      %mul3A_232 = arith.constant 11 : i32
      %mul3A_233 = arith.muli %select_n3A_198, %mul3A_232 : i32
      %add3A_234 = arith.constant 5 : i32
      %add3A_235 = arith.addi %mul3A_233, %add3A_234 : i32
      %mul3A_236 = arith.constant 128 : i32
      %mul3A_237 = arith.muli %add3A_235, %mul3A_236 : i32
      %mul3A_238 = arith.constant 11 : i32
      %mul3A_239 = arith.muli %select_n3A_198, %mul3A_238 : i32
      %add3A_240 = arith.constant 6 : i32
      %add3A_241 = arith.addi %mul3A_239, %add3A_240 : i32
      %mul3A_242 = arith.constant 128 : i32
      %mul3A_243 = arith.muli %add3A_241, %mul3A_242 : i32
      %mul3A_244 = arith.constant 11 : i32
      %mul3A_245 = arith.muli %select_n3A_198, %mul3A_244 : i32
      %add3A_246 = arith.constant 7 : i32
      %add3A_247 = arith.addi %mul3A_245, %add3A_246 : i32
      %mul3A_248 = arith.constant 128 : i32
      %mul3A_249 = arith.muli %add3A_247, %mul3A_248 : i32
      %mul3A_250 = arith.constant 11 : i32
      %mul3A_251 = arith.muli %select_n3A_198, %mul3A_250 : i32
      %add3A_252 = arith.constant 8 : i32
      %add3A_253 = arith.addi %mul3A_251, %add3A_252 : i32
      %mul3A_254 = arith.constant 128 : i32
      %mul3A_255 = arith.muli %add3A_253, %mul3A_254 : i32
      %mul3A_256 = arith.constant 11 : i32
      %mul3A_257 = arith.muli %select_n3A_198, %mul3A_256 : i32
      %add3A_258 = arith.constant 9 : i32
      %add3A_259 = arith.addi %mul3A_257, %add3A_258 : i32
      %mul3A_260 = arith.constant 128 : i32
      %mul3A_261 = arith.muli %add3A_259, %mul3A_260 : i32
      %mul3A_262 = arith.constant 11 : i32
      %mul3A_263 = arith.muli %select_n3A_198, %mul3A_262 : i32
      %add3A_264 = arith.constant 10 : i32
      %add3A_265 = arith.addi %mul3A_263, %add3A_264 : i32
      %mul3A_266 = arith.constant 128 : i32
      %mul3A_267 = arith.muli %add3A_265, %mul3A_266 : i32
      %dma_wait3A = arith.constant 0 : i32
      %dma_wait3A_268 = arith.constant 0 : i32
      %dma_wait3A_269 = arith.constant 0 : i32
      %dma_wait3A_270 = tpu.memref_slice %arg9[%dma_wait3A, %dma_wait3A_268, %dma_wait3A_269] : memref<11x8x128xf32, #tpu.memory_space<vmem>> -> memref<1x8x128xf32, #tpu.memory_space<vmem>>
      %dma_wait3A_271 = tpu.memref_squeeze %dma_wait3A_270 : memref<1x8x128xf32, #tpu.memory_space<vmem>> -> memref<8x128xf32, #tpu.memory_space<vmem>>
      %dma_wait3A_272 = tpu.memref_slice %arg2[%add3A_201, %mul3A_207] : memref<1024x100000xf32, #tpu.memory_space<hbm>> -> memref<8x128xf32, #tpu.memory_space<hbm>>
      %dma_wait3A_273 = arith.constant 0 : i32
      %dma_wait3A_274 = arith.constant 0 : i32
      %dma_wait3A_275 = tpu.memref_slice %arg9[%dma_wait3A, %dma_wait3A_273, %dma_wait3A_274] : memref<11x8x128xf32, #tpu.memory_space<vmem>> -> memref<1x8x128xf32, #tpu.memory_space<vmem>>
      %dma_wait3A_276 = tpu.memref_squeeze %dma_wait3A_275 : memref<1x8x128xf32, #tpu.memory_space<vmem>> -> memref<8x128xf32, #tpu.memory_space<vmem>>
      %dma_wait3A_277 = tpu.memref_slice %arg2[%add3A_201, %mul3A_207] : memref<1024x100000xf32, #tpu.memory_space<hbm>> -> memref<8x128xf32, #tpu.memory_space<hbm>>
      tpu.wait_dma2 semaphore(%arg12 : memref<!tpu.dma_semaphore, #tpu.memory_space<semaphore_mem>>) src(%dma_wait3A_277 : memref<8x128xf32, #tpu.memory_space<hbm>>) dst(%dma_wait3A_276 : memref<8x128xf32, #tpu.memory_space<vmem>>)
      %dma_wait3A_278 = arith.constant 1 : i32
      %dma_wait3A_279 = arith.constant 0 : i32
      %dma_wait3A_280 = arith.constant 0 : i32
      %dma_wait3A_281 = tpu.memref_slice %arg9[%dma_wait3A_278, %dma_wait3A_279, %dma_wait3A_280] : memref<11x8x128xf32, #tpu.memory_space<vmem>> -> memref<1x8x128xf32, #tpu.memory_space<vmem>>
      %dma_wait3A_282 = tpu.memref_squeeze %dma_wait3A_281 : memref<1x8x128xf32, #tpu.memory_space<vmem>> -> memref<8x128xf32, #tpu.memory_space<vmem>>
      %dma_wait3A_283 = tpu.memref_slice %arg2[%add3A_201, %mul3A_213] : memref<1024x100000xf32, #tpu.memory_space<hbm>> -> memref<8x128xf32, #tpu.memory_space<hbm>>
      %dma_wait3A_284 = arith.constant 0 : i32
      %dma_wait3A_285 = arith.constant 0 : i32
      %dma_wait3A_286 = tpu.memref_slice %arg9[%dma_wait3A_278, %dma_wait3A_284, %dma_wait3A_285] : memref<11x8x128xf32, #tpu.memory_space<vmem>> -> memref<1x8x128xf32, #tpu.memory_space<vmem>>
      %dma_wait3A_287 = tpu.memref_squeeze %dma_wait3A_286 : memref<1x8x128xf32, #tpu.memory_space<vmem>> -> memref<8x128xf32, #tpu.memory_space<vmem>>
      %dma_wait3A_288 = tpu.memref_slice %arg2[%add3A_201, %mul3A_213] : memref<1024x100000xf32, #tpu.memory_space<hbm>> -> memref<8x128xf32, #tpu.memory_space<hbm>>
      tpu.wait_dma2 semaphore(%arg12 : memref<!tpu.dma_semaphore, #tpu.memory_space<semaphore_mem>>) src(%dma_wait3A_288 : memref<8x128xf32, #tpu.memory_space<hbm>>) dst(%dma_wait3A_287 : memref<8x128xf32, #tpu.memory_space<vmem>>)
      %dma_wait3A_289 = arith.constant 2 : i32
      %dma_wait3A_290 = arith.constant 0 : i32
      %dma_wait3A_291 = arith.constant 0 : i32
      %dma_wait3A_292 = tpu.memref_slice %arg9[%dma_wait3A_289, %dma_wait3A_290, %dma_wait3A_291] : memref<11x8x128xf32, #tpu.memory_space<vmem>> -> memref<1x8x128xf32, #tpu.memory_space<vmem>>
      %dma_wait3A_293 = tpu.memref_squeeze %dma_wait3A_292 : memref<1x8x128xf32, #tpu.memory_space<vmem>> -> memref<8x128xf32, #tpu.memory_space<vmem>>
      %dma_wait3A_294 = tpu.memref_slice %arg2[%add3A_201, %mul3A_219] : memref<1024x100000xf32, #tpu.memory_space<hbm>> -> memref<8x128xf32, #tpu.memory_space<hbm>>
      %dma_wait3A_295 = arith.constant 0 : i32
      %dma_wait3A_296 = arith.constant 0 : i32
      %dma_wait3A_297 = tpu.memref_slice %arg9[%dma_wait3A_289, %dma_wait3A_295, %dma_wait3A_296] : memref<11x8x128xf32, #tpu.memory_space<vmem>> -> memref<1x8x128xf32, #tpu.memory_space<vmem>>
      %dma_wait3A_298 = tpu.memref_squeeze %dma_wait3A_297 : memref<1x8x128xf32, #tpu.memory_space<vmem>> -> memref<8x128xf32, #tpu.memory_space<vmem>>
      %dma_wait3A_299 = tpu.memref_slice %arg2[%add3A_201, %mul3A_219] : memref<1024x100000xf32, #tpu.memory_space<hbm>> -> memref<8x128xf32, #tpu.memory_space<hbm>>
      tpu.wait_dma2 semaphore(%arg12 : memref<!tpu.dma_semaphore, #tpu.memory_space<semaphore_mem>>) src(%dma_wait3A_299 : memref<8x128xf32, #tpu.memory_space<hbm>>) dst(%dma_wait3A_298 : memref<8x128xf32, #tpu.memory_space<vmem>>)
      %dma_wait3A_300 = arith.constant 3 : i32
      %dma_wait3A_301 = arith.constant 0 : i32
      %dma_wait3A_302 = arith.constant 0 : i32
      %dma_wait3A_303 = tpu.memref_slice %arg9[%dma_wait3A_300, %dma_wait3A_301, %dma_wait3A_302] : memref<11x8x128xf32, #tpu.memory_space<vmem>> -> memref<1x8x128xf32, #tpu.memory_space<vmem>>
      %dma_wait3A_304 = tpu.memref_squeeze %dma_wait3A_303 : memref<1x8x128xf32, #tpu.memory_space<vmem>> -> memref<8x128xf32, #tpu.memory_space<vmem>>
      %dma_wait3A_305 = tpu.memref_slice %arg2[%add3A_201, %mul3A_225] : memref<1024x100000xf32, #tpu.memory_space<hbm>> -> memref<8x128xf32, #tpu.memory_space<hbm>>
      %dma_wait3A_306 = arith.constant 0 : i32
      %dma_wait3A_307 = arith.constant 0 : i32
      %dma_wait3A_308 = tpu.memref_slice %arg9[%dma_wait3A_300, %dma_wait3A_306, %dma_wait3A_307] : memref<11x8x128xf32, #tpu.memory_space<vmem>> -> memref<1x8x128xf32, #tpu.memory_space<vmem>>
      %dma_wait3A_309 = tpu.memref_squeeze %dma_wait3A_308 : memref<1x8x128xf32, #tpu.memory_space<vmem>> -> memref<8x128xf32, #tpu.memory_space<vmem>>
      %dma_wait3A_310 = tpu.memref_slice %arg2[%add3A_201, %mul3A_225] : memref<1024x100000xf32, #tpu.memory_space<hbm>> -> memref<8x128xf32, #tpu.memory_space<hbm>>
      tpu.wait_dma2 semaphore(%arg12 : memref<!tpu.dma_semaphore, #tpu.memory_space<semaphore_mem>>) src(%dma_wait3A_310 : memref<8x128xf32, #tpu.memory_space<hbm>>) dst(%dma_wait3A_309 : memref<8x128xf32, #tpu.memory_space<vmem>>)
      %dma_wait3A_311 = arith.constant 4 : i32
      %dma_wait3A_312 = arith.constant 0 : i32
      %dma_wait3A_313 = arith.constant 0 : i32
      %dma_wait3A_314 = tpu.memref_slice %arg9[%dma_wait3A_311, %dma_wait3A_312, %dma_wait3A_313] : memref<11x8x128xf32, #tpu.memory_space<vmem>> -> memref<1x8x128xf32, #tpu.memory_space<vmem>>
      %dma_wait3A_315 = tpu.memref_squeeze %dma_wait3A_314 : memref<1x8x128xf32, #tpu.memory_space<vmem>> -> memref<8x128xf32, #tpu.memory_space<vmem>>
      %dma_wait3A_316 = tpu.memref_slice %arg2[%add3A_201, %mul3A_231] : memref<1024x100000xf32, #tpu.memory_space<hbm>> -> memref<8x128xf32, #tpu.memory_space<hbm>>
      %dma_wait3A_317 = arith.constant 0 : i32
      %dma_wait3A_318 = arith.constant 0 : i32
      %dma_wait3A_319 = tpu.memref_slice %arg9[%dma_wait3A_311, %dma_wait3A_317, %dma_wait3A_318] : memref<11x8x128xf32, #tpu.memory_space<vmem>> -> memref<1x8x128xf32, #tpu.memory_space<vmem>>
      %dma_wait3A_320 = tpu.memref_squeeze %dma_wait3A_319 : memref<1x8x128xf32, #tpu.memory_space<vmem>> -> memref<8x128xf32, #tpu.memory_space<vmem>>
      %dma_wait3A_321 = tpu.memref_slice %arg2[%add3A_201, %mul3A_231] : memref<1024x100000xf32, #tpu.memory_space<hbm>> -> memref<8x128xf32, #tpu.memory_space<hbm>>
      tpu.wait_dma2 semaphore(%arg12 : memref<!tpu.dma_semaphore, #tpu.memory_space<semaphore_mem>>) src(%dma_wait3A_321 : memref<8x128xf32, #tpu.memory_space<hbm>>) dst(%dma_wait3A_320 : memref<8x128xf32, #tpu.memory_space<vmem>>)
      %dma_wait3A_322 = arith.constant 5 : i32
      %dma_wait3A_323 = arith.constant 0 : i32
      %dma_wait3A_324 = arith.constant 0 : i32
      %dma_wait3A_325 = tpu.memref_slice %arg9[%dma_wait3A_322, %dma_wait3A_323, %dma_wait3A_324] : memref<11x8x128xf32, #tpu.memory_space<vmem>> -> memref<1x8x128xf32, #tpu.memory_space<vmem>>
      %dma_wait3A_326 = tpu.memref_squeeze %dma_wait3A_325 : memref<1x8x128xf32, #tpu.memory_space<vmem>> -> memref<8x128xf32, #tpu.memory_space<vmem>>
      %dma_wait3A_327 = tpu.memref_slice %arg2[%add3A_201, %mul3A_237] : memref<1024x100000xf32, #tpu.memory_space<hbm>> -> memref<8x128xf32, #tpu.memory_space<hbm>>
      %dma_wait3A_328 = arith.constant 0 : i32
      %dma_wait3A_329 = arith.constant 0 : i32
      %dma_wait3A_330 = tpu.memref_slice %arg9[%dma_wait3A_322, %dma_wait3A_328, %dma_wait3A_329] : memref<11x8x128xf32, #tpu.memory_space<vmem>> -> memref<1x8x128xf32, #tpu.memory_space<vmem>>
      %dma_wait3A_331 = tpu.memref_squeeze %dma_wait3A_330 : memref<1x8x128xf32, #tpu.memory_space<vmem>> -> memref<8x128xf32, #tpu.memory_space<vmem>>
      %dma_wait3A_332 = tpu.memref_slice %arg2[%add3A_201, %mul3A_237] : memref<1024x100000xf32, #tpu.memory_space<hbm>> -> memref<8x128xf32, #tpu.memory_space<hbm>>
      tpu.wait_dma2 semaphore(%arg12 : memref<!tpu.dma_semaphore, #tpu.memory_space<semaphore_mem>>) src(%dma_wait3A_332 : memref<8x128xf32, #tpu.memory_space<hbm>>) dst(%dma_wait3A_331 : memref<8x128xf32, #tpu.memory_space<vmem>>)
      %dma_wait3A_333 = arith.constant 6 : i32
      %dma_wait3A_334 = arith.constant 0 : i32
      %dma_wait3A_335 = arith.constant 0 : i32
      %dma_wait3A_336 = tpu.memref_slice %arg9[%dma_wait3A_333, %dma_wait3A_334, %dma_wait3A_335] : memref<11x8x128xf32, #tpu.memory_space<vmem>> -> memref<1x8x128xf32, #tpu.memory_space<vmem>>
      %dma_wait3A_337 = tpu.memref_squeeze %dma_wait3A_336 : memref<1x8x128xf32, #tpu.memory_space<vmem>> -> memref<8x128xf32, #tpu.memory_space<vmem>>
      %dma_wait3A_338 = tpu.memref_slice %arg2[%add3A_201, %mul3A_243] : memref<1024x100000xf32, #tpu.memory_space<hbm>> -> memref<8x128xf32, #tpu.memory_space<hbm>>
      %dma_wait3A_339 = arith.constant 0 : i32
      %dma_wait3A_340 = arith.constant 0 : i32
      %dma_wait3A_341 = tpu.memref_slice %arg9[%dma_wait3A_333, %dma_wait3A_339, %dma_wait3A_340] : memref<11x8x128xf32, #tpu.memory_space<vmem>> -> memref<1x8x128xf32, #tpu.memory_space<vmem>>
      %dma_wait3A_342 = tpu.memref_squeeze %dma_wait3A_341 : memref<1x8x128xf32, #tpu.memory_space<vmem>> -> memref<8x128xf32, #tpu.memory_space<vmem>>
      %dma_wait3A_343 = tpu.memref_slice %arg2[%add3A_201, %mul3A_243] : memref<1024x100000xf32, #tpu.memory_space<hbm>> -> memref<8x128xf32, #tpu.memory_space<hbm>>
      tpu.wait_dma2 semaphore(%arg12 : memref<!tpu.dma_semaphore, #tpu.memory_space<semaphore_mem>>) src(%dma_wait3A_343 : memref<8x128xf32, #tpu.memory_space<hbm>>) dst(%dma_wait3A_342 : memref<8x128xf32, #tpu.memory_space<vmem>>)
      %dma_wait3A_344 = arith.constant 7 : i32
      %dma_wait3A_345 = arith.constant 0 : i32
      %dma_wait3A_346 = arith.constant 0 : i32
      %dma_wait3A_347 = tpu.memref_slice %arg9[%dma_wait3A_344, %dma_wait3A_345, %dma_wait3A_346] : memref<11x8x128xf32, #tpu.memory_space<vmem>> -> memref<1x8x128xf32, #tpu.memory_space<vmem>>
      %dma_wait3A_348 = tpu.memref_squeeze %dma_wait3A_347 : memref<1x8x128xf32, #tpu.memory_space<vmem>> -> memref<8x128xf32, #tpu.memory_space<vmem>>
      %dma_wait3A_349 = tpu.memref_slice %arg2[%add3A_201, %mul3A_249] : memref<1024x100000xf32, #tpu.memory_space<hbm>> -> memref<8x128xf32, #tpu.memory_space<hbm>>
      %dma_wait3A_350 = arith.constant 0 : i32
      %dma_wait3A_351 = arith.constant 0 : i32
      %dma_wait3A_352 = tpu.memref_slice %arg9[%dma_wait3A_344, %dma_wait3A_350, %dma_wait3A_351] : memref<11x8x128xf32, #tpu.memory_space<vmem>> -> memref<1x8x128xf32, #tpu.memory_space<vmem>>
      %dma_wait3A_353 = tpu.memref_squeeze %dma_wait3A_352 : memref<1x8x128xf32, #tpu.memory_space<vmem>> -> memref<8x128xf32, #tpu.memory_space<vmem>>
      %dma_wait3A_354 = tpu.memref_slice %arg2[%add3A_201, %mul3A_249] : memref<1024x100000xf32, #tpu.memory_space<hbm>> -> memref<8x128xf32, #tpu.memory_space<hbm>>
      tpu.wait_dma2 semaphore(%arg12 : memref<!tpu.dma_semaphore, #tpu.memory_space<semaphore_mem>>) src(%dma_wait3A_354 : memref<8x128xf32, #tpu.memory_space<hbm>>) dst(%dma_wait3A_353 : memref<8x128xf32, #tpu.memory_space<vmem>>)
      %dma_wait3A_355 = arith.constant 8 : i32
      %dma_wait3A_356 = arith.constant 0 : i32
      %dma_wait3A_357 = arith.constant 0 : i32
      %dma_wait3A_358 = tpu.memref_slice %arg9[%dma_wait3A_355, %dma_wait3A_356, %dma_wait3A_357] : memref<11x8x128xf32, #tpu.memory_space<vmem>> -> memref<1x8x128xf32, #tpu.memory_space<vmem>>
      %dma_wait3A_359 = tpu.memref_squeeze %dma_wait3A_358 : memref<1x8x128xf32, #tpu.memory_space<vmem>> -> memref<8x128xf32, #tpu.memory_space<vmem>>
      %dma_wait3A_360 = tpu.memref_slice %arg2[%add3A_201, %mul3A_255] : memref<1024x100000xf32, #tpu.memory_space<hbm>> -> memref<8x128xf32, #tpu.memory_space<hbm>>
      %dma_wait3A_361 = arith.constant 0 : i32
      %dma_wait3A_362 = arith.constant 0 : i32
      %dma_wait3A_363 = tpu.memref_slice %arg9[%dma_wait3A_355, %dma_wait3A_361, %dma_wait3A_362] : memref<11x8x128xf32, #tpu.memory_space<vmem>> -> memref<1x8x128xf32, #tpu.memory_space<vmem>>
      %dma_wait3A_364 = tpu.memref_squeeze %dma_wait3A_363 : memref<1x8x128xf32, #tpu.memory_space<vmem>> -> memref<8x128xf32, #tpu.memory_space<vmem>>
      %dma_wait3A_365 = tpu.memref_slice %arg2[%add3A_201, %mul3A_255] : memref<1024x100000xf32, #tpu.memory_space<hbm>> -> memref<8x128xf32, #tpu.memory_space<hbm>>
      tpu.wait_dma2 semaphore(%arg12 : memref<!tpu.dma_semaphore, #tpu.memory_space<semaphore_mem>>) src(%dma_wait3A_365 : memref<8x128xf32, #tpu.memory_space<hbm>>) dst(%dma_wait3A_364 : memref<8x128xf32, #tpu.memory_space<vmem>>)
      %dma_wait3A_366 = arith.constant 9 : i32
      %dma_wait3A_367 = arith.constant 0 : i32
      %dma_wait3A_368 = arith.constant 0 : i32
      %dma_wait3A_369 = tpu.memref_slice %arg9[%dma_wait3A_366, %dma_wait3A_367, %dma_wait3A_368] : memref<11x8x128xf32, #tpu.memory_space<vmem>> -> memref<1x8x128xf32, #tpu.memory_space<vmem>>
      %dma_wait3A_370 = tpu.memref_squeeze %dma_wait3A_369 : memref<1x8x128xf32, #tpu.memory_space<vmem>> -> memref<8x128xf32, #tpu.memory_space<vmem>>
      %dma_wait3A_371 = tpu.memref_slice %arg2[%add3A_201, %mul3A_261] : memref<1024x100000xf32, #tpu.memory_space<hbm>> -> memref<8x128xf32, #tpu.memory_space<hbm>>
      %dma_wait3A_372 = arith.constant 0 : i32
      %dma_wait3A_373 = arith.constant 0 : i32
      %dma_wait3A_374 = tpu.memref_slice %arg9[%dma_wait3A_366, %dma_wait3A_372, %dma_wait3A_373] : memref<11x8x128xf32, #tpu.memory_space<vmem>> -> memref<1x8x128xf32, #tpu.memory_space<vmem>>
      %dma_wait3A_375 = tpu.memref_squeeze %dma_wait3A_374 : memref<1x8x128xf32, #tpu.memory_space<vmem>> -> memref<8x128xf32, #tpu.memory_space<vmem>>
      %dma_wait3A_376 = tpu.memref_slice %arg2[%add3A_201, %mul3A_261] : memref<1024x100000xf32, #tpu.memory_space<hbm>> -> memref<8x128xf32, #tpu.memory_space<hbm>>
      tpu.wait_dma2 semaphore(%arg12 : memref<!tpu.dma_semaphore, #tpu.memory_space<semaphore_mem>>) src(%dma_wait3A_376 : memref<8x128xf32, #tpu.memory_space<hbm>>) dst(%dma_wait3A_375 : memref<8x128xf32, #tpu.memory_space<vmem>>)
      %dma_wait3A_377 = arith.constant 10 : i32
      %dma_wait3A_378 = arith.constant 0 : i32
      %dma_wait3A_379 = arith.constant 0 : i32
      %dma_wait3A_380 = tpu.memref_slice %arg9[%dma_wait3A_377, %dma_wait3A_378, %dma_wait3A_379] : memref<11x8x128xf32, #tpu.memory_space<vmem>> -> memref<1x8x128xf32, #tpu.memory_space<vmem>>
      %dma_wait3A_381 = tpu.memref_squeeze %dma_wait3A_380 : memref<1x8x128xf32, #tpu.memory_space<vmem>> -> memref<8x128xf32, #tpu.memory_space<vmem>>
      %dma_wait3A_382 = tpu.memref_slice %arg2[%add3A_201, %mul3A_267] : memref<1024x100000xf32, #tpu.memory_space<hbm>> -> memref<8x128xf32, #tpu.memory_space<hbm>>
      %dma_wait3A_383 = arith.constant 0 : i32
      %dma_wait3A_384 = arith.constant 0 : i32
      %dma_wait3A_385 = tpu.memref_slice %arg9[%dma_wait3A_377, %dma_wait3A_383, %dma_wait3A_384] : memref<11x8x128xf32, #tpu.memory_space<vmem>> -> memref<1x8x128xf32, #tpu.memory_space<vmem>>
      %dma_wait3A_386 = tpu.memref_squeeze %dma_wait3A_385 : memref<1x8x128xf32, #tpu.memory_space<vmem>> -> memref<8x128xf32, #tpu.memory_space<vmem>>
      %dma_wait3A_387 = tpu.memref_slice %arg2[%add3A_201, %mul3A_267] : memref<1024x100000xf32, #tpu.memory_space<hbm>> -> memref<8x128xf32, #tpu.memory_space<hbm>>
      tpu.wait_dma2 semaphore(%arg12 : memref<!tpu.dma_semaphore, #tpu.memory_space<semaphore_mem>>) src(%dma_wait3A_387 : memref<8x128xf32, #tpu.memory_space<hbm>>) dst(%dma_wait3A_386 : memref<8x128xf32, #tpu.memory_space<vmem>>)
      %jit3A_388 = arith.constant 71 : i32
      %div3A_389 = arith.divsi %add3A_163, %jit3A_388 : i32
      %sign3A_390 = arith.constant 0 : i32
      %sign3A_391 = arith.cmpi sgt, %add3A_163, %sign3A_390 : i32
      %sign3A_392 = arith.extui %sign3A_391 : i1 to i32
      %sign3A_393 = arith.constant 0 : i32
      %sign3A_394 = arith.cmpi slt, %add3A_163, %sign3A_393 : i32
      %sign3A_395 = arith.extui %sign3A_394 : i1 to i32
      %sign3A_396 = arith.subi %sign3A_392, %sign3A_395 : i32
      %sign3A_397 = arith.constant 0 : i32
      %sign3A_398 = arith.cmpi sgt, %jit3A_388, %sign3A_397 : i32
      %sign3A_399 = arith.extui %sign3A_398 : i1 to i32
      %sign3A_400 = arith.constant 0 : i32
      %sign3A_401 = arith.cmpi slt, %jit3A_388, %sign3A_400 : i32
      %sign3A_402 = arith.extui %sign3A_401 : i1 to i32
      %sign3A_403 = arith.subi %sign3A_399, %sign3A_402 : i32
      %ne3A_404 = arith.cmpi ne, %sign3A_396, %sign3A_403 : i32
      %rem3A_405 = arith.remsi %add3A_163, %jit3A_388 : i32
      %ne3A_406 = arith.constant 0 : i32
      %ne3A_407 = arith.cmpi ne, %rem3A_405, %ne3A_406 : i32
      %and3A_408 = arith.andi %ne3A_404, %ne3A_407 : i1
      %sub3A_409 = arith.constant 1 : i32
      %sub3A_410 = arith.subi %div3A_389, %sub3A_409 : i32
      %select_n3A_411 = arith.select %and3A_408, %sub3A_410, %div3A_389 : i32
      %jit3A_412 = arith.constant 71 : i32
      %eq3A_413 = arith.constant 0 : i32
      %eq3A_414 = arith.cmpi eq, %jit3A_412, %eq3A_413 : i32
      %jit3A_415 = arith.constant 1 : i32
      %select_n3A_416 = arith.select %eq3A_414, %jit3A_415, %jit3A_412 : i32
      %rem3A_417 = arith.remsi %add3A_163, %select_n3A_416 : i32
      %ne3A_418 = arith.constant 0 : i32
      %ne3A_419 = arith.cmpi ne, %rem3A_417, %ne3A_418 : i32
      %lt3A_420 = arith.constant 0 : i32
      %lt3A_421 = arith.cmpi slt, %rem3A_417, %lt3A_420 : i32
      %lt3A_422 = arith.constant 0 : i32
      %lt3A_423 = arith.cmpi slt, %select_n3A_416, %lt3A_422 : i32
      %ne3A_424 = arith.xori %lt3A_421, %lt3A_423 : i1
      %and3A_425 = arith.andi %ne3A_424, %ne3A_419 : i1
      %add3A_426 = arith.addi %rem3A_417, %select_n3A_416 : i32
      %select_n3A_427 = arith.select %and3A_425, %add3A_426, %rem3A_417 : i32
      %mul3A_428 = arith.constant 1408 : i32
      %mul3A_429 = arith.muli %select_n3A_427, %mul3A_428 : i32
      %scan3A_430 = arith.constant 0 : i32
      %scan3A_431 = arith.constant 0 : i32
      %scan3A_432 = arith.constant 8 : i32
      %scan3A_433 = arith.addi %scan3A_431, %scan3A_432 : i32
      %scan3A_434 = arith.constant 1 : i32
      scf.for %scan3A_725 = %scan3A_431 to %scan3A_433 step %scan3A_434  : i32 {
        %mul3A_726 = arith.constant 8 : i32
        %mul3A_727 = arith.muli %select_n3A_411, %mul3A_726 : i32
        %add3A_728 = arith.addi %mul3A_727, %scan3A_725 : i32
        %eq3A_729 = arith.constant 0 : i32
        %eq3A_730 = arith.cmpi eq, %select_n3A_427, %eq3A_729 : i32
        %get3A = arith.index_cast %add3A_728 : i32 to index
        %get3A_731 = arith.constant 0 : index
        %get3A_732 = tpu.vector_load %arg8[%get3A, %get3A_731] {strides = array<i32>} : memref<32x16xf32, #tpu.memory_space<vmem>>, vector<16xf32>,
        %select_n3A_733 = arith.select %eq3A_730, %broadcast_in_dim3A_147, %get3A_732 : vector<16xf32>
        %slice3A = vector.extract_strided_slice %select_n3A_733 {offsets = [0], sizes = [1], strides = [1]} : vector<16xf32> to vector<1xf32>
        %squeeze3A = vector.extract %slice3A[0] : f32 from vector<1xf32>
        %scan3A_734 = arith.constant 0 : i32
        %scan3A_735 = arith.constant 11 : i32
        %scan3A_736 = arith.addi %scan3A_734, %scan3A_735 : i32
        %scan3A_737 = arith.constant 1 : i32
        %scan3A_738:2 = scf.for %scan3A_873 = %scan3A_734 to %scan3A_736 step %scan3A_737 iter_args(%scan3A_874 = %select_n3A_733, %scan3A_875 = %squeeze3A) -> (vector<16xf32>, f32)  : i32 {
          %get3A_876 = arith.index_cast %scan3A_873 : i32 to index
          %get3A_877 = arith.index_cast %scan3A_725 : i32 to index
          %get3A_878 = arith.constant 0 : index
          %get3A_879 = tpu.vector_load %arg9[%get3A_876, %get3A_877, %get3A_878] {strides = array<i32>} : memref<11x8x128xf32, #tpu.memory_space<vmem>>, vector<16xf32>,
          %get3A_880 = arith.index_cast %scan3A_873 : i32 to index
          %get3A_881 = arith.index_cast %scan3A_725 : i32 to index
          %get3A_882 = arith.constant 16 : index
          %get3A_883 = tpu.vector_load %arg9[%get3A_880, %get3A_881, %get3A_882] {strides = array<i32>} : memref<11x8x128xf32, #tpu.memory_space<vmem>>, vector<16xf32>,
          %get3A_884 = arith.index_cast %scan3A_873 : i32 to index
          %get3A_885 = arith.index_cast %scan3A_725 : i32 to index
          %get3A_886 = arith.constant 32 : index
          %get3A_887 = tpu.vector_load %arg9[%get3A_884, %get3A_885, %get3A_886] {strides = array<i32>} : memref<11x8x128xf32, #tpu.memory_space<vmem>>, vector<16xf32>,
          %get3A_888 = arith.index_cast %scan3A_873 : i32 to index
          %get3A_889 = arith.index_cast %scan3A_725 : i32 to index
          %get3A_890 = arith.constant 48 : index
          %get3A_891 = tpu.vector_load %arg9[%get3A_888, %get3A_889, %get3A_890] {strides = array<i32>} : memref<11x8x128xf32, #tpu.memory_space<vmem>>, vector<16xf32>,
          %get3A_892 = arith.index_cast %scan3A_873 : i32 to index
          %get3A_893 = arith.index_cast %scan3A_725 : i32 to index
          %get3A_894 = arith.constant 64 : index
          %get3A_895 = tpu.vector_load %arg9[%get3A_892, %get3A_893, %get3A_894] {strides = array<i32>} : memref<11x8x128xf32, #tpu.memory_space<vmem>>, vector<16xf32>,
          %get3A_896 = arith.index_cast %scan3A_873 : i32 to index
          %get3A_897 = arith.index_cast %scan3A_725 : i32 to index
          %get3A_898 = arith.constant 80 : index
          %get3A_899 = tpu.vector_load %arg9[%get3A_896, %get3A_897, %get3A_898] {strides = array<i32>} : memref<11x8x128xf32, #tpu.memory_space<vmem>>, vector<16xf32>,
          %get3A_900 = arith.index_cast %scan3A_873 : i32 to index
          %get3A_901 = arith.index_cast %scan3A_725 : i32 to index
          %get3A_902 = arith.constant 96 : index
          %get3A_903 = tpu.vector_load %arg9[%get3A_900, %get3A_901, %get3A_902] {strides = array<i32>} : memref<11x8x128xf32, #tpu.memory_space<vmem>>, vector<16xf32>,
          %get3A_904 = arith.index_cast %scan3A_873 : i32 to index
          %get3A_905 = arith.index_cast %scan3A_725 : i32 to index
          %get3A_906 = arith.constant 112 : index
          %get3A_907 = tpu.vector_load %arg9[%get3A_904, %get3A_905, %get3A_906] {strides = array<i32>} : memref<11x8x128xf32, #tpu.memory_space<vmem>>, vector<16xf32>,
          %max3A_908 = arith.maximumf %get3A_879, %get3A_883 : vector<16xf32>
          %max3A_909 = arith.maximumf %max3A_908, %get3A_887 : vector<16xf32>
          %max3A_910 = arith.maximumf %max3A_909, %get3A_891 : vector<16xf32>
          %max3A_911 = arith.maximumf %max3A_910, %get3A_895 : vector<16xf32>
          %max3A_912 = arith.maximumf %max3A_911, %get3A_899 : vector<16xf32>
          %max3A_913 = arith.maximumf %max3A_912, %get3A_903 : vector<16xf32>
          %max3A_914 = arith.maximumf %max3A_913, %get3A_907 : vector<16xf32>
          %gt3A = vector.broadcast %scan3A_875 : f32 to vector<16xf32>
          %gt3A_915 = arith.cmpf ogt, %max3A_914, %gt3A : vector<16xf32>
          %all_reduce_population_count3A = tpu.all_reduce %gt3A_915 {dim = 0 : i64, kind = #tpu.reduction_kind<sum>} : vector<16xi1> -> vector<16xi32>
          %slice3A_916 = vector.extract_strided_slice %all_reduce_population_count3A {offsets = [0], sizes = [1], strides = [1]} : vector<16xi32> to vector<1xi32>
          %squeeze3A_917 = vector.extract %slice3A_916[0] : i32 from vector<1xi32>
          %gt3A_918 = arith.constant 0 : i32
          %gt3A_919 = arith.cmpi sgt, %squeeze3A_917, %gt3A_918 : i32
          %convert_element_type3A_920 = arith.extui %gt3A_919 : i1 to i32
          %cond3A_921 = arith.constant 0 : i32
          %cond3A_922 = arith.cmpi ne, %convert_element_type3A_920, %cond3A_921 : i32
          %cond3A_923:2 = scf.if %cond3A_922 -> (vector<16xf32>, f32) {
            %scan3A_924 = arith.constant 0 : i32
            %scan3A_925 = arith.constant 8 : i32
            %scan3A_926 = arith.addi %scan3A_924, %scan3A_925 : i32
            %scan3A_927 = arith.constant 1 : i32
            %scan3A_928 = scf.for %scan3A_932 = %scan3A_924 to %scan3A_926 step %scan3A_927 iter_args(%scan3A_933 = %scan3A_874) -> (vector<16xf32>)  : i32 {
              %mul3A_934 = arith.constant 16 : i32
              %mul3A_935 = arith.muli %scan3A_932, %mul3A_934 : i32
              %get3A_936 = arith.index_cast %scan3A_873 : i32 to index
              %get3A_937 = arith.index_cast %scan3A_725 : i32 to index
              %get3A_938 = arith.index_cast %mul3A_935 : i32 to index
              %get3A_939 = tpu.vector_load %arg9[%get3A_936, %get3A_937, %get3A_938] {strides = array<i32>} : memref<11x8x128xf32, #tpu.memory_space<vmem>>, vector<16xf32>,
              %slice3A_940 = vector.extract_strided_slice %scan3A_933 {offsets = [0], sizes = [1], strides = [1]} : vector<16xf32> to vector<1xf32>
              %squeeze3A_941 = vector.extract %slice3A_940[0] : f32 from vector<1xf32>
              %gt3A_942 = vector.broadcast %squeeze3A_941 : f32 to vector<16xf32>
              %gt3A_943 = arith.cmpf ogt, %get3A_939, %gt3A_942 : vector<16xf32>
              %all_reduce_population_count3A_944 = tpu.all_reduce %gt3A_943 {dim = 0 : i64, kind = #tpu.reduction_kind<sum>} : vector<16xi1> -> vector<16xi32>
              %slice3A_945 = vector.extract_strided_slice %all_reduce_population_count3A_944 {offsets = [0], sizes = [1], strides = [1]} : vector<16xi32> to vector<1xi32>
              %squeeze3A_946 = vector.extract %slice3A_945[0] : i32 from vector<1xi32>
              %gt3A_947 = arith.constant 0 : i32
              %gt3A_948 = arith.cmpi sgt, %squeeze3A_946, %gt3A_947 : i32
              %convert_element_type3A_949 = arith.extui %gt3A_948 : i1 to i32
              %cond3A_950 = arith.constant 0 : i32
              %cond3A_951 = arith.cmpi ne, %convert_element_type3A_949, %cond3A_950 : i32
              %cond3A_952 = scf.if %cond3A_951 -> (vector<16xf32>) {
                %masked_sort3A = arith.constant dense<true> : vector<16xi1>
                %masked_sort3A_953, %masked_sort3A_954, %masked_sort3A_955 = tpu.sort %get3A_939, %get3A_939 masked %masked_sort3A {descending = true} : (vector<16xf32>, vector<16xf32>, vector<16xi1>) -> (vector<16xi1>, vector<16xf32>, vector<16xf32>)
                %max3A_956 = arith.maximumf %scan3A_933, %masked_sort3A_954 : vector<16xf32>
                %masked_sort3A_957 = arith.constant dense<true> : vector<16xi1>
                %masked_sort3A_958, %masked_sort3A_959, %masked_sort3A_960 = tpu.sort %max3A_956, %max3A_956 masked %masked_sort3A_957 : (vector<16xf32>, vector<16xf32>, vector<16xi1>) -> (vector<16xi1>, vector<16xf32>, vector<16xf32>)
                scf.yield %masked_sort3A_959 : vector<16xf32>
              } else {
                scf.yield %scan3A_933 : vector<16xf32>
              }
              scf.yield %cond3A_952 : vector<16xf32>
            }
            %scan3A_929 = arith.constant 8 : i32
            %slice3A_930 = vector.extract_strided_slice %scan3A_928 {offsets = [0], sizes = [1], strides = [1]} : vector<16xf32> to vector<1xf32>
            %squeeze3A_931 = vector.extract %slice3A_930[0] : f32 from vector<1xf32>
            scf.yield %scan3A_928, %squeeze3A_931 : vector<16xf32>, f32
          } else {
            scf.yield %scan3A_874, %scan3A_875 : vector<16xf32>, f32
          }
          scf.yield %cond3A_923#0, %cond3A_923#1 : vector<16xf32>, f32
        }
        %scan3A_739 = arith.constant 11 : i32
        %swap3A = arith.index_cast %add3A_728 : i32 to index
        %swap3A_740 = arith.constant 0 : index
        %swap3A_741 = tpu.vector_load %arg8[%swap3A, %swap3A_740] {strides = array<i32>} : memref<32x16xf32, #tpu.memory_space<vmem>>, vector<16xf32>,
        tpu.vector_store %arg8[%swap3A, %swap3A_740], %scan3A_738#0 {strides = array<i32>} : memref<32x16xf32, #tpu.memory_space<vmem>>, vector<16xf32>,
        %iota3A = tpu.iota {dimensions = array<i32: 0>} : vector<16xi32>
        %eq3A_742 = arith.constant 0 : i32
        %eq3A_743 = vector.broadcast %eq3A_742 : i32 to vector<16xi32>
        %eq3A_744 = arith.cmpi eq, %iota3A, %eq3A_743 : vector<16xi32>
        %jit3A_745 = arith.constant 16 : i32
        %div3A_746 = arith.divsi %add3A_728, %jit3A_745 : i32
        %sign3A_747 = arith.constant 0 : i32
        %sign3A_748 = arith.cmpi sgt, %add3A_728, %sign3A_747 : i32
        %sign3A_749 = arith.extui %sign3A_748 : i1 to i32
        %sign3A_750 = arith.constant 0 : i32
        %sign3A_751 = arith.cmpi slt, %add3A_728, %sign3A_750 : i32
        %sign3A_752 = arith.extui %sign3A_751 : i1 to i32
        %sign3A_753 = arith.subi %sign3A_749, %sign3A_752 : i32
        %sign3A_754 = arith.constant 0 : i32
        %sign3A_755 = arith.cmpi sgt, %jit3A_745, %sign3A_754 : i32
        %sign3A_756 = arith.extui %sign3A_755 : i1 to i32
        %sign3A_757 = arith.constant 0 : i32
        %sign3A_758 = arith.cmpi slt, %jit3A_745, %sign3A_757 : i32
        %sign3A_759 = arith.extui %sign3A_758 : i1 to i32
        %sign3A_760 = arith.subi %sign3A_756, %sign3A_759 : i32
        %ne3A_761 = arith.cmpi ne, %sign3A_753, %sign3A_760 : i32
        %rem3A_762 = arith.remsi %add3A_728, %jit3A_745 : i32
        %ne3A_763 = arith.constant 0 : i32
        %ne3A_764 = arith.cmpi ne, %rem3A_762, %ne3A_763 : i32
        %and3A_765 = arith.andi %ne3A_761, %ne3A_764 : i1
        %sub3A_766 = arith.constant 1 : i32
        %sub3A_767 = arith.subi %div3A_746, %sub3A_766 : i32
        %select_n3A_768 = arith.select %and3A_765, %sub3A_767, %div3A_746 : i32
        %broadcast_in_dim3A_769 = vector.broadcast %select_n3A_768 : i32 to vector<16xi32>
        %get3A_770 = arith.constant 0 : index
        %get3A_771 = tpu.vector_load %arg6[%get3A_770] {strides = array<i32>} : memref<32xi32, #tpu.memory_space<vmem>>, vector<16xi32>,
        %get3A_772 = arith.constant 16 : index
        %get3A_773 = tpu.vector_load %arg6[%get3A_772] {strides = array<i32>} : memref<32xi32, #tpu.memory_space<vmem>>, vector<16xi32>,
        %eq3A_774 = arith.constant 0 : i32
        %eq3A_775 = vector.broadcast %eq3A_774 : i32 to vector<16xi32>
        %eq3A_776 = arith.cmpi eq, %broadcast_in_dim3A_769, %eq3A_775 : vector<16xi32>
        %select_n3A_777 = arith.select %eq3A_776, %get3A_771, %get3A_773 : vector<16xi1>, vector<16xi32>
        %jit3A_778 = arith.constant 16 : i32
        %eq3A_779 = arith.constant 0 : i32
        %eq3A_780 = arith.cmpi eq, %jit3A_778, %eq3A_779 : i32
        %jit3A_781 = arith.constant 1 : i32
        %select_n3A_782 = arith.select %eq3A_780, %jit3A_781, %jit3A_778 : i32
        %rem3A_783 = arith.remsi %add3A_728, %select_n3A_782 : i32
        %ne3A_784 = arith.constant 0 : i32
        %ne3A_785 = arith.cmpi ne, %rem3A_783, %ne3A_784 : i32
        %lt3A_786 = arith.constant 0 : i32
        %lt3A_787 = arith.cmpi slt, %rem3A_783, %lt3A_786 : i32
        %lt3A_788 = arith.constant 0 : i32
        %lt3A_789 = arith.cmpi slt, %select_n3A_782, %lt3A_788 : i32
        %ne3A_790 = arith.xori %lt3A_787, %lt3A_789 : i1
        %and3A_791 = arith.andi %ne3A_790, %ne3A_785 : i1
        %add3A_792 = arith.addi %rem3A_783, %select_n3A_782 : i32
        %select_n3A_793 = arith.select %and3A_791, %add3A_792, %rem3A_783 : i32
        %broadcast_in_dim3A_794 = vector.broadcast %select_n3A_793 : i32 to vector<16xi32>
        %lt3A_795 = arith.constant 0 : i32
        %lt3A_796 = vector.broadcast %lt3A_795 : i32 to vector<16xi32>
        %lt3A_797 = arith.cmpi slt, %broadcast_in_dim3A_794, %lt3A_796 : vector<16xi32>
        %add3A_798 = arith.constant 16 : i32
        %add3A_799 = vector.broadcast %add3A_798 : i32 to vector<16xi32>
        %add3A_800 = arith.addi %broadcast_in_dim3A_794, %add3A_799 : vector<16xi32>
        %select_n3A_801 = arith.select %lt3A_797, %add3A_800, %broadcast_in_dim3A_794 : vector<16xi1>, vector<16xi32>
        %broadcast_in_dim3A_802 = vector.shape_cast %select_n3A_801 : vector<16xi32> to vector<16x1xi32>
        %gather3A = vector.shape_cast %broadcast_in_dim3A_802 : vector<16x1xi32> to vector<16xi32>
        %gather3A_803 = tpu.dynamic_gather %select_n3A_777[%gather3A] in [0] : vector<16xi32>, vector<16xi32> -> vector<16xi32>
        %sub3A_804 = vector.broadcast %mul3A_429 : i32 to vector<16xi32>
        %sub3A_805 = arith.subi %gather3A_803, %sub3A_804 : vector<16xi32>
        %ge3A = arith.constant 0 : i32
        %ge3A_806 = vector.broadcast %ge3A : i32 to vector<16xi32>
        %ge3A_807 = arith.cmpi sge, %sub3A_805, %ge3A_806 : vector<16xi32>
        %lt3A_808 = arith.constant 1408 : i32
        %lt3A_809 = vector.broadcast %lt3A_808 : i32 to vector<16xi32>
        %lt3A_810 = arith.cmpi slt, %sub3A_805, %lt3A_809 : vector<16xi32>
        %and3A_811 = arith.andi %ge3A_807, %lt3A_810 : vector<16xi1>
        %jit3A_812 = arith.constant 0 : i32
        %jit3A_813 = arith.constant 1407 : i32
        %max3A = vector.broadcast %jit3A_812 : i32 to vector<16xi32>
        %max3A_814 = arith.maxsi %max3A, %sub3A_805 : vector<16xi32>
        %min3A = vector.broadcast %jit3A_813 : i32 to vector<16xi32>
        %min3A_815 = arith.minsi %min3A, %max3A_814 : vector<16xi32>
        %jit3A_816 = arith.constant 128 : i32
        %div3A_817 = vector.broadcast %jit3A_816 : i32 to vector<16xi32>
        %div3A_818 = arith.divsi %min3A_815, %div3A_817 : vector<16xi32>
        %sign3A_819 = arith.constant 0 : i32
        %sign3A_820 = vector.broadcast %sign3A_819 : i32 to vector<16xi32>
        %sign3A_821 = arith.cmpi sgt, %min3A_815, %sign3A_820 : vector<16xi32>
        %sign3A_822 = arith.extui %sign3A_821 : vector<16xi1> to vector<16xi32>
        %sign3A_823 = arith.constant 0 : i32
        %sign3A_824 = vector.broadcast %sign3A_823 : i32 to vector<16xi32>
        %sign3A_825 = arith.cmpi slt, %min3A_815, %sign3A_824 : vector<16xi32>
        %sign3A_826 = arith.extui %sign3A_825 : vector<16xi1> to vector<16xi32>
        %sign3A_827 = arith.subi %sign3A_822, %sign3A_826 : vector<16xi32>
        %sign3A_828 = arith.constant 0 : i32
        %sign3A_829 = arith.cmpi sgt, %jit3A_816, %sign3A_828 : i32
        %sign3A_830 = arith.extui %sign3A_829 : i1 to i32
        %sign3A_831 = arith.constant 0 : i32
        %sign3A_832 = arith.cmpi slt, %jit3A_816, %sign3A_831 : i32
        %sign3A_833 = arith.extui %sign3A_832 : i1 to i32
        %sign3A_834 = arith.subi %sign3A_830, %sign3A_833 : i32
        %ne3A_835 = vector.broadcast %sign3A_834 : i32 to vector<16xi32>
        %ne3A_836 = arith.cmpi ne, %sign3A_827, %ne3A_835 : vector<16xi32>
        %rem3A_837 = vector.broadcast %jit3A_816 : i32 to vector<16xi32>
        %rem3A_838 = arith.remsi %min3A_815, %rem3A_837 : vector<16xi32>
        %ne3A_839 = arith.constant 0 : i32
        %ne3A_840 = vector.broadcast %ne3A_839 : i32 to vector<16xi32>
        %ne3A_841 = arith.cmpi ne, %rem3A_838, %ne3A_840 : vector<16xi32>
        %and3A_842 = arith.andi %ne3A_836, %ne3A_841 : vector<16xi1>
        %sub3A_843 = arith.constant 1 : i32
        %sub3A_844 = vector.broadcast %sub3A_843 : i32 to vector<16xi32>
        %sub3A_845 = arith.subi %div3A_818, %sub3A_844 : vector<16xi32>
        %select_n3A_846 = arith.select %and3A_842, %sub3A_845, %div3A_818 : vector<16xi1>, vector<16xi32>
        %broadcast_in_dim3A_847 = vector.broadcast %scan3A_725 : i32 to vector<16xi32>
        %jit3A_848 = arith.constant 128 : i32
        %eq3A_849 = arith.constant 0 : i32
        %eq3A_850 = arith.cmpi eq, %jit3A_848, %eq3A_849 : i32
        %jit3A_851 = arith.constant 1 : i32
        %select_n3A_852 = arith.select %eq3A_850, %jit3A_851, %jit3A_848 : i32
        %rem3A_853 = vector.broadcast %select_n3A_852 : i32 to vector<16xi32>
        %rem3A_854 = arith.remsi %min3A_815, %rem3A_853 : vector<16xi32>
        %ne3A_855 = arith.constant 0 : i32
        %ne3A_856 = vector.broadcast %ne3A_855 : i32 to vector<16xi32>
        %ne3A_857 = arith.cmpi ne, %rem3A_854, %ne3A_856 : vector<16xi32>
        %lt3A_858 = arith.constant 0 : i32
        %lt3A_859 = vector.broadcast %lt3A_858 : i32 to vector<16xi32>
        %lt3A_860 = arith.cmpi slt, %rem3A_854, %lt3A_859 : vector<16xi32>
        %lt3A_861 = arith.constant 0 : i32
        %lt3A_862 = arith.cmpi slt, %select_n3A_852, %lt3A_861 : i32
        %ne3A_863 = vector.broadcast %lt3A_862 : i1 to vector<16xi1>
        %ne3A_864 = vector.broadcast %ne3A_863 : vector<16xi1> to vector<16xi1>
        %ne3A_865 = arith.xori %lt3A_860, %ne3A_864 : vector<16xi1>
        %and3A_866 = arith.andi %ne3A_865, %ne3A_857 : vector<16xi1>
        %add3A_867 = vector.broadcast %select_n3A_852 : i32 to vector<16xi32>
        %add3A_868 = arith.addi %rem3A_854, %add3A_867 : vector<16xi32>
        %select_n3A_869 = arith.select %and3A_866, %add3A_868, %rem3A_854 : vector<16xi1>, vector<16xi32>
        %gather3A_870 = tpu.vector_load_idx %arg9[%select_n3A_846, %broadcast_in_dim3A_847, %select_n3A_869] : memref<11x8x128xf32, #tpu.memory_space<vmem>>[vector<16xi32>, vector<16xi32>, vector<16xi32>], vector<16xf32>,
        %broadcast_in_dim3A_871 = vector.broadcast %add3A_728 : i32 to vector<16xi32>
        %and3A_872 = arith.andi %eq3A_744, %and3A_811 : vector<16xi1>
        tpu.vector_store_idx %arg7[%broadcast_in_dim3A_871], %gather3A_870 masked %and3A_872 : memref<32xf32, #tpu.memory_space<vmem>>[vector<16xi32>], vector<16xf32>, vector<16xi1>
      }
      %scan3A_435 = arith.constant 8 : i32
      %mul3A_436 = arith.constant 2 : i32
      %mul3A_437 = arith.muli %scan3A_159, %mul3A_436 : i32
      %add3A_438 = arith.constant 1 : i32
      %add3A_439 = arith.addi %mul3A_437, %add3A_438 : i32
      %add3A_440 = arith.constant 1 : i32
      %add3A_441 = arith.addi %add3A_439, %add3A_440 : i32
      %lt3A_442 = arith.constant 284 : i32
      %lt3A_443 = arith.cmpi slt, %add3A_441, %lt3A_442 : i32
      %convert_element_type3A_444 = arith.extui %lt3A_443 : i1 to i32
      %cond3A_445 = arith.constant 0 : i32
      %cond3A_446 = arith.cmpi ne, %convert_element_type3A_444, %cond3A_445 : i32
      scf.if %cond3A_446 {
        %add3A_725 = arith.constant 1 : i32
        %add3A_726 = arith.addi %add3A_439, %add3A_725 : i32
        %jit3A_727 = arith.constant 71 : i32
        %div3A_728 = arith.divsi %add3A_726, %jit3A_727 : i32
        %sign3A_729 = arith.constant 0 : i32
        %sign3A_730 = arith.cmpi sgt, %add3A_726, %sign3A_729 : i32
        %sign3A_731 = arith.extui %sign3A_730 : i1 to i32
        %sign3A_732 = arith.constant 0 : i32
        %sign3A_733 = arith.cmpi slt, %add3A_726, %sign3A_732 : i32
        %sign3A_734 = arith.extui %sign3A_733 : i1 to i32
        %sign3A_735 = arith.subi %sign3A_731, %sign3A_734 : i32
        %sign3A_736 = arith.constant 0 : i32
        %sign3A_737 = arith.cmpi sgt, %jit3A_727, %sign3A_736 : i32
        %sign3A_738 = arith.extui %sign3A_737 : i1 to i32
        %sign3A_739 = arith.constant 0 : i32
        %sign3A_740 = arith.cmpi slt, %jit3A_727, %sign3A_739 : i32
        %sign3A_741 = arith.extui %sign3A_740 : i1 to i32
        %sign3A_742 = arith.subi %sign3A_738, %sign3A_741 : i32
        %ne3A_743 = arith.cmpi ne, %sign3A_735, %sign3A_742 : i32
        %rem3A_744 = arith.remsi %add3A_726, %jit3A_727 : i32
        %ne3A_745 = arith.constant 0 : i32
        %ne3A_746 = arith.cmpi ne, %rem3A_744, %ne3A_745 : i32
        %and3A_747 = arith.andi %ne3A_743, %ne3A_746 : i1
        %sub3A_748 = arith.constant 1 : i32
        %sub3A_749 = arith.subi %div3A_728, %sub3A_748 : i32
        %select_n3A_750 = arith.select %and3A_747, %sub3A_749, %div3A_728 : i32
        %jit3A_751 = arith.constant 71 : i32
        %eq3A_752 = arith.constant 0 : i32
        %eq3A_753 = arith.cmpi eq, %jit3A_751, %eq3A_752 : i32
        %jit3A_754 = arith.constant 1 : i32
        %select_n3A_755 = arith.select %eq3A_753, %jit3A_754, %jit3A_751 : i32
        %rem3A_756 = arith.remsi %add3A_726, %select_n3A_755 : i32
        %ne3A_757 = arith.constant 0 : i32
        %ne3A_758 = arith.cmpi ne, %rem3A_756, %ne3A_757 : i32
        %lt3A_759 = arith.constant 0 : i32
        %lt3A_760 = arith.cmpi slt, %rem3A_756, %lt3A_759 : i32
        %lt3A_761 = arith.constant 0 : i32
        %lt3A_762 = arith.cmpi slt, %select_n3A_755, %lt3A_761 : i32
        %ne3A_763 = arith.xori %lt3A_760, %lt3A_762 : i1
        %and3A_764 = arith.andi %ne3A_763, %ne3A_758 : i1
        %add3A_765 = arith.addi %rem3A_756, %select_n3A_755 : i32
        %select_n3A_766 = arith.select %and3A_764, %add3A_765, %rem3A_756 : i32
        %mul3A_767 = arith.constant 8 : i32
        %mul3A_768 = arith.muli %select_n3A_750, %mul3A_767 : i32
        %add3A_769 = arith.addi %mul3A_2, %mul3A_768 : i32
        %mul3A_770 = arith.constant 11 : i32
        %mul3A_771 = arith.muli %select_n3A_766, %mul3A_770 : i32
        %add3A_772 = arith.constant 0 : i32
        %add3A_773 = arith.addi %mul3A_771, %add3A_772 : i32
        %mul3A_774 = arith.constant 128 : i32
        %mul3A_775 = arith.muli %add3A_773, %mul3A_774 : i32
        %mul3A_776 = arith.constant 11 : i32
        %mul3A_777 = arith.muli %select_n3A_766, %mul3A_776 : i32
        %add3A_778 = arith.constant 1 : i32
        %add3A_779 = arith.addi %mul3A_777, %add3A_778 : i32
        %mul3A_780 = arith.constant 128 : i32
        %mul3A_781 = arith.muli %add3A_779, %mul3A_780 : i32
        %mul3A_782 = arith.constant 11 : i32
        %mul3A_783 = arith.muli %select_n3A_766, %mul3A_782 : i32
        %add3A_784 = arith.constant 2 : i32
        %add3A_785 = arith.addi %mul3A_783, %add3A_784 : i32
        %mul3A_786 = arith.constant 128 : i32
        %mul3A_787 = arith.muli %add3A_785, %mul3A_786 : i32
        %mul3A_788 = arith.constant 11 : i32
        %mul3A_789 = arith.muli %select_n3A_766, %mul3A_788 : i32
        %add3A_790 = arith.constant 3 : i32
        %add3A_791 = arith.addi %mul3A_789, %add3A_790 : i32
        %mul3A_792 = arith.constant 128 : i32
        %mul3A_793 = arith.muli %add3A_791, %mul3A_792 : i32
        %mul3A_794 = arith.constant 11 : i32
        %mul3A_795 = arith.muli %select_n3A_766, %mul3A_794 : i32
        %add3A_796 = arith.constant 4 : i32
        %add3A_797 = arith.addi %mul3A_795, %add3A_796 : i32
        %mul3A_798 = arith.constant 128 : i32
        %mul3A_799 = arith.muli %add3A_797, %mul3A_798 : i32
        %mul3A_800 = arith.constant 11 : i32
        %mul3A_801 = arith.muli %select_n3A_766, %mul3A_800 : i32
        %add3A_802 = arith.constant 5 : i32
        %add3A_803 = arith.addi %mul3A_801, %add3A_802 : i32
        %mul3A_804 = arith.constant 128 : i32
        %mul3A_805 = arith.muli %add3A_803, %mul3A_804 : i32
        %mul3A_806 = arith.constant 11 : i32
        %mul3A_807 = arith.muli %select_n3A_766, %mul3A_806 : i32
        %add3A_808 = arith.constant 6 : i32
        %add3A_809 = arith.addi %mul3A_807, %add3A_808 : i32
        %mul3A_810 = arith.constant 128 : i32
        %mul3A_811 = arith.muli %add3A_809, %mul3A_810 : i32
        %mul3A_812 = arith.constant 11 : i32
        %mul3A_813 = arith.muli %select_n3A_766, %mul3A_812 : i32
        %add3A_814 = arith.constant 7 : i32
        %add3A_815 = arith.addi %mul3A_813, %add3A_814 : i32
        %mul3A_816 = arith.constant 128 : i32
        %mul3A_817 = arith.muli %add3A_815, %mul3A_816 : i32
        %mul3A_818 = arith.constant 11 : i32
        %mul3A_819 = arith.muli %select_n3A_766, %mul3A_818 : i32
        %add3A_820 = arith.constant 8 : i32
        %add3A_821 = arith.addi %mul3A_819, %add3A_820 : i32
        %mul3A_822 = arith.constant 128 : i32
        %mul3A_823 = arith.muli %add3A_821, %mul3A_822 : i32
        %mul3A_824 = arith.constant 11 : i32
        %mul3A_825 = arith.muli %select_n3A_766, %mul3A_824 : i32
        %add3A_826 = arith.constant 9 : i32
        %add3A_827 = arith.addi %mul3A_825, %add3A_826 : i32
        %mul3A_828 = arith.constant 128 : i32
        %mul3A_829 = arith.muli %add3A_827, %mul3A_828 : i32
        %mul3A_830 = arith.constant 11 : i32
        %mul3A_831 = arith.muli %select_n3A_766, %mul3A_830 : i32
        %add3A_832 = arith.constant 10 : i32
        %add3A_833 = arith.addi %mul3A_831, %add3A_832 : i32
        %mul3A_834 = arith.constant 128 : i32
        %mul3A_835 = arith.muli %add3A_833, %mul3A_834 : i32
        %dma_start3A_836 = arith.constant 0 : i32
        %dma_start3A_837 = arith.constant 0 : i32
        %dma_start3A_838 = arith.constant 0 : i32
        %dma_start3A_839 = tpu.memref_slice %arg9[%dma_start3A_836, %dma_start3A_837, %dma_start3A_838] : memref<11x8x128xf32, #tpu.memory_space<vmem>> -> memref<1x8x128xf32, #tpu.memory_space<vmem>>
        %dma_start3A_840 = tpu.memref_squeeze %dma_start3A_839 : memref<1x8x128xf32, #tpu.memory_space<vmem>> -> memref<8x128xf32, #tpu.memory_space<vmem>>
        %dma_start3A_841 = tpu.memref_slice %arg2[%add3A_769, %mul3A_775] : memref<1024x100000xf32, #tpu.memory_space<hbm>> -> memref<8x128xf32, #tpu.memory_space<hbm>>
        %dma_start3A_842 = arith.constant 0 : i32
        %dma_start3A_843 = arith.constant 0 : i32
        %dma_start3A_844 = tpu.memref_slice %arg9[%dma_start3A_836, %dma_start3A_842, %dma_start3A_843] : memref<11x8x128xf32, #tpu.memory_space<vmem>> -> memref<1x8x128xf32, #tpu.memory_space<vmem>>
        %dma_start3A_845 = tpu.memref_squeeze %dma_start3A_844 : memref<1x8x128xf32, #tpu.memory_space<vmem>> -> memref<8x128xf32, #tpu.memory_space<vmem>>
        %dma_start3A_846 = tpu.memref_slice %arg2[%add3A_769, %mul3A_775] : memref<1024x100000xf32, #tpu.memory_space<hbm>> -> memref<8x128xf32, #tpu.memory_space<hbm>>
        tpu.enqueue_dma source(%dma_start3A_846 : memref<8x128xf32, #tpu.memory_space<hbm>>) target(%dma_start3A_845 : memref<8x128xf32, #tpu.memory_space<vmem>>) target_semaphore(%arg12 : memref<!tpu.dma_semaphore, #tpu.memory_space<semaphore_mem>>)
        %dma_start3A_847 = arith.constant 1 : i32
        %dma_start3A_848 = arith.constant 0 : i32
        %dma_start3A_849 = arith.constant 0 : i32
        %dma_start3A_850 = tpu.memref_slice %arg9[%dma_start3A_847, %dma_start3A_848, %dma_start3A_849] : memref<11x8x128xf32, #tpu.memory_space<vmem>> -> memref<1x8x128xf32, #tpu.memory_space<vmem>>
        %dma_start3A_851 = tpu.memref_squeeze %dma_start3A_850 : memref<1x8x128xf32, #tpu.memory_space<vmem>> -> memref<8x128xf32, #tpu.memory_space<vmem>>
        %dma_start3A_852 = tpu.memref_slice %arg2[%add3A_769, %mul3A_781] : memref<1024x100000xf32, #tpu.memory_space<hbm>> -> memref<8x128xf32, #tpu.memory_space<hbm>>
        %dma_start3A_853 = arith.constant 0 : i32
        %dma_start3A_854 = arith.constant 0 : i32
        %dma_start3A_855 = tpu.memref_slice %arg9[%dma_start3A_847, %dma_start3A_853, %dma_start3A_854] : memref<11x8x128xf32, #tpu.memory_space<vmem>> -> memref<1x8x128xf32, #tpu.memory_space<vmem>>
        %dma_start3A_856 = tpu.memref_squeeze %dma_start3A_855 : memref<1x8x128xf32, #tpu.memory_space<vmem>> -> memref<8x128xf32, #tpu.memory_space<vmem>>
        %dma_start3A_857 = tpu.memref_slice %arg2[%add3A_769, %mul3A_781] : memref<1024x100000xf32, #tpu.memory_space<hbm>> -> memref<8x128xf32, #tpu.memory_space<hbm>>
        tpu.enqueue_dma source(%dma_start3A_857 : memref<8x128xf32, #tpu.memory_space<hbm>>) target(%dma_start3A_856 : memref<8x128xf32, #tpu.memory_space<vmem>>) target_semaphore(%arg12 : memref<!tpu.dma_semaphore, #tpu.memory_space<semaphore_mem>>)
        %dma_start3A_858 = arith.constant 2 : i32
        %dma_start3A_859 = arith.constant 0 : i32
        %dma_start3A_860 = arith.constant 0 : i32
        %dma_start3A_861 = tpu.memref_slice %arg9[%dma_start3A_858, %dma_start3A_859, %dma_start3A_860] : memref<11x8x128xf32, #tpu.memory_space<vmem>> -> memref<1x8x128xf32, #tpu.memory_space<vmem>>
        %dma_start3A_862 = tpu.memref_squeeze %dma_start3A_861 : memref<1x8x128xf32, #tpu.memory_space<vmem>> -> memref<8x128xf32, #tpu.memory_space<vmem>>
        %dma_start3A_863 = tpu.memref_slice %arg2[%add3A_769, %mul3A_787] : memref<1024x100000xf32, #tpu.memory_space<hbm>> -> memref<8x128xf32, #tpu.memory_space<hbm>>
        %dma_start3A_864 = arith.constant 0 : i32
        %dma_start3A_865 = arith.constant 0 : i32
        %dma_start3A_866 = tpu.memref_slice %arg9[%dma_start3A_858, %dma_start3A_864, %dma_start3A_865] : memref<11x8x128xf32, #tpu.memory_space<vmem>> -> memref<1x8x128xf32, #tpu.memory_space<vmem>>
        %dma_start3A_867 = tpu.memref_squeeze %dma_start3A_866 : memref<1x8x128xf32, #tpu.memory_space<vmem>> -> memref<8x128xf32, #tpu.memory_space<vmem>>
        %dma_start3A_868 = tpu.memref_slice %arg2[%add3A_769, %mul3A_787] : memref<1024x100000xf32, #tpu.memory_space<hbm>> -> memref<8x128xf32, #tpu.memory_space<hbm>>
        tpu.enqueue_dma source(%dma_start3A_868 : memref<8x128xf32, #tpu.memory_space<hbm>>) target(%dma_start3A_867 : memref<8x128xf32, #tpu.memory_space<vmem>>) target_semaphore(%arg12 : memref<!tpu.dma_semaphore, #tpu.memory_space<semaphore_mem>>)
        %dma_start3A_869 = arith.constant 3 : i32
        %dma_start3A_870 = arith.constant 0 : i32
        %dma_start3A_871 = arith.constant 0 : i32
        %dma_start3A_872 = tpu.memref_slice %arg9[%dma_start3A_869, %dma_start3A_870, %dma_start3A_871] : memref<11x8x128xf32, #tpu.memory_space<vmem>> -> memref<1x8x128xf32, #tpu.memory_space<vmem>>
        %dma_start3A_873 = tpu.memref_squeeze %dma_start3A_872 : memref<1x8x128xf32, #tpu.memory_space<vmem>> -> memref<8x128xf32, #tpu.memory_space<vmem>>
        %dma_start3A_874 = tpu.memref_slice %arg2[%add3A_769, %mul3A_793] : memref<1024x100000xf32, #tpu.memory_space<hbm>> -> memref<8x128xf32, #tpu.memory_space<hbm>>
        %dma_start3A_875 = arith.constant 0 : i32
        %dma_start3A_876 = arith.constant 0 : i32
        %dma_start3A_877 = tpu.memref_slice %arg9[%dma_start3A_869, %dma_start3A_875, %dma_start3A_876] : memref<11x8x128xf32, #tpu.memory_space<vmem>> -> memref<1x8x128xf32, #tpu.memory_space<vmem>>
        %dma_start3A_878 = tpu.memref_squeeze %dma_start3A_877 : memref<1x8x128xf32, #tpu.memory_space<vmem>> -> memref<8x128xf32, #tpu.memory_space<vmem>>
        %dma_start3A_879 = tpu.memref_slice %arg2[%add3A_769, %mul3A_793] : memref<1024x100000xf32, #tpu.memory_space<hbm>> -> memref<8x128xf32, #tpu.memory_space<hbm>>
        tpu.enqueue_dma source(%dma_start3A_879 : memref<8x128xf32, #tpu.memory_space<hbm>>) target(%dma_start3A_878 : memref<8x128xf32, #tpu.memory_space<vmem>>) target_semaphore(%arg12 : memref<!tpu.dma_semaphore, #tpu.memory_space<semaphore_mem>>)
        %dma_start3A_880 = arith.constant 4 : i32
        %dma_start3A_881 = arith.constant 0 : i32
        %dma_start3A_882 = arith.constant 0 : i32
        %dma_start3A_883 = tpu.memref_slice %arg9[%dma_start3A_880, %dma_start3A_881, %dma_start3A_882] : memref<11x8x128xf32, #tpu.memory_space<vmem>> -> memref<1x8x128xf32, #tpu.memory_space<vmem>>
        %dma_start3A_884 = tpu.memref_squeeze %dma_start3A_883 : memref<1x8x128xf32, #tpu.memory_space<vmem>> -> memref<8x128xf32, #tpu.memory_space<vmem>>
        %dma_start3A_885 = tpu.memref_slice %arg2[%add3A_769, %mul3A_799] : memref<1024x100000xf32, #tpu.memory_space<hbm>> -> memref<8x128xf32, #tpu.memory_space<hbm>>
        %dma_start3A_886 = arith.constant 0 : i32
        %dma_start3A_887 = arith.constant 0 : i32
        %dma_start3A_888 = tpu.memref_slice %arg9[%dma_start3A_880, %dma_start3A_886, %dma_start3A_887] : memref<11x8x128xf32, #tpu.memory_space<vmem>> -> memref<1x8x128xf32, #tpu.memory_space<vmem>>
        %dma_start3A_889 = tpu.memref_squeeze %dma_start3A_888 : memref<1x8x128xf32, #tpu.memory_space<vmem>> -> memref<8x128xf32, #tpu.memory_space<vmem>>
        %dma_start3A_890 = tpu.memref_slice %arg2[%add3A_769, %mul3A_799] : memref<1024x100000xf32, #tpu.memory_space<hbm>> -> memref<8x128xf32, #tpu.memory_space<hbm>>
        tpu.enqueue_dma source(%dma_start3A_890 : memref<8x128xf32, #tpu.memory_space<hbm>>) target(%dma_start3A_889 : memref<8x128xf32, #tpu.memory_space<vmem>>) target_semaphore(%arg12 : memref<!tpu.dma_semaphore, #tpu.memory_space<semaphore_mem>>)
        %dma_start3A_891 = arith.constant 5 : i32
        %dma_start3A_892 = arith.constant 0 : i32
        %dma_start3A_893 = arith.constant 0 : i32
        %dma_start3A_894 = tpu.memref_slice %arg9[%dma_start3A_891, %dma_start3A_892, %dma_start3A_893] : memref<11x8x128xf32, #tpu.memory_space<vmem>> -> memref<1x8x128xf32, #tpu.memory_space<vmem>>
        %dma_start3A_895 = tpu.memref_squeeze %dma_start3A_894 : memref<1x8x128xf32, #tpu.memory_space<vmem>> -> memref<8x128xf32, #tpu.memory_space<vmem>>
        %dma_start3A_896 = tpu.memref_slice %arg2[%add3A_769, %mul3A_805] : memref<1024x100000xf32, #tpu.memory_space<hbm>> -> memref<8x128xf32, #tpu.memory_space<hbm>>
        %dma_start3A_897 = arith.constant 0 : i32
        %dma_start3A_898 = arith.constant 0 : i32
        %dma_start3A_899 = tpu.memref_slice %arg9[%dma_start3A_891, %dma_start3A_897, %dma_start3A_898] : memref<11x8x128xf32, #tpu.memory_space<vmem>> -> memref<1x8x128xf32, #tpu.memory_space<vmem>>
        %dma_start3A_900 = tpu.memref_squeeze %dma_start3A_899 : memref<1x8x128xf32, #tpu.memory_space<vmem>> -> memref<8x128xf32, #tpu.memory_space<vmem>>
        %dma_start3A_901 = tpu.memref_slice %arg2[%add3A_769, %mul3A_805] : memref<1024x100000xf32, #tpu.memory_space<hbm>> -> memref<8x128xf32, #tpu.memory_space<hbm>>
        tpu.enqueue_dma source(%dma_start3A_901 : memref<8x128xf32, #tpu.memory_space<hbm>>) target(%dma_start3A_900 : memref<8x128xf32, #tpu.memory_space<vmem>>) target_semaphore(%arg12 : memref<!tpu.dma_semaphore, #tpu.memory_space<semaphore_mem>>)
        %dma_start3A_902 = arith.constant 6 : i32
        %dma_start3A_903 = arith.constant 0 : i32
        %dma_start3A_904 = arith.constant 0 : i32
        %dma_start3A_905 = tpu.memref_slice %arg9[%dma_start3A_902, %dma_start3A_903, %dma_start3A_904] : memref<11x8x128xf32, #tpu.memory_space<vmem>> -> memref<1x8x128xf32, #tpu.memory_space<vmem>>
        %dma_start3A_906 = tpu.memref_squeeze %dma_start3A_905 : memref<1x8x128xf32, #tpu.memory_space<vmem>> -> memref<8x128xf32, #tpu.memory_space<vmem>>
        %dma_start3A_907 = tpu.memref_slice %arg2[%add3A_769, %mul3A_811] : memref<1024x100000xf32, #tpu.memory_space<hbm>> -> memref<8x128xf32, #tpu.memory_space<hbm>>
        %dma_start3A_908 = arith.constant 0 : i32
        %dma_start3A_909 = arith.constant 0 : i32
        %dma_start3A_910 = tpu.memref_slice %arg9[%dma_start3A_902, %dma_start3A_908, %dma_start3A_909] : memref<11x8x128xf32, #tpu.memory_space<vmem>> -> memref<1x8x128xf32, #tpu.memory_space<vmem>>
        %dma_start3A_911 = tpu.memref_squeeze %dma_start3A_910 : memref<1x8x128xf32, #tpu.memory_space<vmem>> -> memref<8x128xf32, #tpu.memory_space<vmem>>
        %dma_start3A_912 = tpu.memref_slice %arg2[%add3A_769, %mul3A_811] : memref<1024x100000xf32, #tpu.memory_space<hbm>> -> memref<8x128xf32, #tpu.memory_space<hbm>>
        tpu.enqueue_dma source(%dma_start3A_912 : memref<8x128xf32, #tpu.memory_space<hbm>>) target(%dma_start3A_911 : memref<8x128xf32, #tpu.memory_space<vmem>>) target_semaphore(%arg12 : memref<!tpu.dma_semaphore, #tpu.memory_space<semaphore_mem>>)
        %dma_start3A_913 = arith.constant 7 : i32
        %dma_start3A_914 = arith.constant 0 : i32
        %dma_start3A_915 = arith.constant 0 : i32
        %dma_start3A_916 = tpu.memref_slice %arg9[%dma_start3A_913, %dma_start3A_914, %dma_start3A_915] : memref<11x8x128xf32, #tpu.memory_space<vmem>> -> memref<1x8x128xf32, #tpu.memory_space<vmem>>
        %dma_start3A_917 = tpu.memref_squeeze %dma_start3A_916 : memref<1x8x128xf32, #tpu.memory_space<vmem>> -> memref<8x128xf32, #tpu.memory_space<vmem>>
        %dma_start3A_918 = tpu.memref_slice %arg2[%add3A_769, %mul3A_817] : memref<1024x100000xf32, #tpu.memory_space<hbm>> -> memref<8x128xf32, #tpu.memory_space<hbm>>
        %dma_start3A_919 = arith.constant 0 : i32
        %dma_start3A_920 = arith.constant 0 : i32
        %dma_start3A_921 = tpu.memref_slice %arg9[%dma_start3A_913, %dma_start3A_919, %dma_start3A_920] : memref<11x8x128xf32, #tpu.memory_space<vmem>> -> memref<1x8x128xf32, #tpu.memory_space<vmem>>
        %dma_start3A_922 = tpu.memref_squeeze %dma_start3A_921 : memref<1x8x128xf32, #tpu.memory_space<vmem>> -> memref<8x128xf32, #tpu.memory_space<vmem>>
        %dma_start3A_923 = tpu.memref_slice %arg2[%add3A_769, %mul3A_817] : memref<1024x100000xf32, #tpu.memory_space<hbm>> -> memref<8x128xf32, #tpu.memory_space<hbm>>
        tpu.enqueue_dma source(%dma_start3A_923 : memref<8x128xf32, #tpu.memory_space<hbm>>) target(%dma_start3A_922 : memref<8x128xf32, #tpu.memory_space<vmem>>) target_semaphore(%arg12 : memref<!tpu.dma_semaphore, #tpu.memory_space<semaphore_mem>>)
        %dma_start3A_924 = arith.constant 8 : i32
        %dma_start3A_925 = arith.constant 0 : i32
        %dma_start3A_926 = arith.constant 0 : i32
        %dma_start3A_927 = tpu.memref_slice %arg9[%dma_start3A_924, %dma_start3A_925, %dma_start3A_926] : memref<11x8x128xf32, #tpu.memory_space<vmem>> -> memref<1x8x128xf32, #tpu.memory_space<vmem>>
        %dma_start3A_928 = tpu.memref_squeeze %dma_start3A_927 : memref<1x8x128xf32, #tpu.memory_space<vmem>> -> memref<8x128xf32, #tpu.memory_space<vmem>>
        %dma_start3A_929 = tpu.memref_slice %arg2[%add3A_769, %mul3A_823] : memref<1024x100000xf32, #tpu.memory_space<hbm>> -> memref<8x128xf32, #tpu.memory_space<hbm>>
        %dma_start3A_930 = arith.constant 0 : i32
        %dma_start3A_931 = arith.constant 0 : i32
        %dma_start3A_932 = tpu.memref_slice %arg9[%dma_start3A_924, %dma_start3A_930, %dma_start3A_931] : memref<11x8x128xf32, #tpu.memory_space<vmem>> -> memref<1x8x128xf32, #tpu.memory_space<vmem>>
        %dma_start3A_933 = tpu.memref_squeeze %dma_start3A_932 : memref<1x8x128xf32, #tpu.memory_space<vmem>> -> memref<8x128xf32, #tpu.memory_space<vmem>>
        %dma_start3A_934 = tpu.memref_slice %arg2[%add3A_769, %mul3A_823] : memref<1024x100000xf32, #tpu.memory_space<hbm>> -> memref<8x128xf32, #tpu.memory_space<hbm>>
        tpu.enqueue_dma source(%dma_start3A_934 : memref<8x128xf32, #tpu.memory_space<hbm>>) target(%dma_start3A_933 : memref<8x128xf32, #tpu.memory_space<vmem>>) target_semaphore(%arg12 : memref<!tpu.dma_semaphore, #tpu.memory_space<semaphore_mem>>)
        %dma_start3A_935 = arith.constant 9 : i32
        %dma_start3A_936 = arith.constant 0 : i32
        %dma_start3A_937 = arith.constant 0 : i32
        %dma_start3A_938 = tpu.memref_slice %arg9[%dma_start3A_935, %dma_start3A_936, %dma_start3A_937] : memref<11x8x128xf32, #tpu.memory_space<vmem>> -> memref<1x8x128xf32, #tpu.memory_space<vmem>>
        %dma_start3A_939 = tpu.memref_squeeze %dma_start3A_938 : memref<1x8x128xf32, #tpu.memory_space<vmem>> -> memref<8x128xf32, #tpu.memory_space<vmem>>
        %dma_start3A_940 = tpu.memref_slice %arg2[%add3A_769, %mul3A_829] : memref<1024x100000xf32, #tpu.memory_space<hbm>> -> memref<8x128xf32, #tpu.memory_space<hbm>>
        %dma_start3A_941 = arith.constant 0 : i32
        %dma_start3A_942 = arith.constant 0 : i32
        %dma_start3A_943 = tpu.memref_slice %arg9[%dma_start3A_935, %dma_start3A_941, %dma_start3A_942] : memref<11x8x128xf32, #tpu.memory_space<vmem>> -> memref<1x8x128xf32, #tpu.memory_space<vmem>>
        %dma_start3A_944 = tpu.memref_squeeze %dma_start3A_943 : memref<1x8x128xf32, #tpu.memory_space<vmem>> -> memref<8x128xf32, #tpu.memory_space<vmem>>
        %dma_start3A_945 = tpu.memref_slice %arg2[%add3A_769, %mul3A_829] : memref<1024x100000xf32, #tpu.memory_space<hbm>> -> memref<8x128xf32, #tpu.memory_space<hbm>>
        tpu.enqueue_dma source(%dma_start3A_945 : memref<8x128xf32, #tpu.memory_space<hbm>>) target(%dma_start3A_944 : memref<8x128xf32, #tpu.memory_space<vmem>>) target_semaphore(%arg12 : memref<!tpu.dma_semaphore, #tpu.memory_space<semaphore_mem>>)
        %dma_start3A_946 = arith.constant 10 : i32
        %dma_start3A_947 = arith.constant 0 : i32
        %dma_start3A_948 = arith.constant 0 : i32
        %dma_start3A_949 = tpu.memref_slice %arg9[%dma_start3A_946, %dma_start3A_947, %dma_start3A_948] : memref<11x8x128xf32, #tpu.memory_space<vmem>> -> memref<1x8x128xf32, #tpu.memory_space<vmem>>
        %dma_start3A_950 = tpu.memref_squeeze %dma_start3A_949 : memref<1x8x128xf32, #tpu.memory_space<vmem>> -> memref<8x128xf32, #tpu.memory_space<vmem>>
        %dma_start3A_951 = tpu.memref_slice %arg2[%add3A_769, %mul3A_835] : memref<1024x100000xf32, #tpu.memory_space<hbm>> -> memref<8x128xf32, #tpu.memory_space<hbm>>
        %dma_start3A_952 = arith.constant 0 : i32
        %dma_start3A_953 = arith.constant 0 : i32
        %dma_start3A_954 = tpu.memref_slice %arg9[%dma_start3A_946, %dma_start3A_952, %dma_start3A_953] : memref<11x8x128xf32, #tpu.memory_space<vmem>> -> memref<1x8x128xf32, #tpu.memory_space<vmem>>
        %dma_start3A_955 = tpu.memref_squeeze %dma_start3A_954 : memref<1x8x128xf32, #tpu.memory_space<vmem>> -> memref<8x128xf32, #tpu.memory_space<vmem>>
        %dma_start3A_956 = tpu.memref_slice %arg2[%add3A_769, %mul3A_835] : memref<1024x100000xf32, #tpu.memory_space<hbm>> -> memref<8x128xf32, #tpu.memory_space<hbm>>
        tpu.enqueue_dma source(%dma_start3A_956 : memref<8x128xf32, #tpu.memory_space<hbm>>) target(%dma_start3A_955 : memref<8x128xf32, #tpu.memory_space<vmem>>) target_semaphore(%arg12 : memref<!tpu.dma_semaphore, #tpu.memory_space<semaphore_mem>>)
      } else {
      }
      %jit3A_447 = arith.constant 71 : i32
      %div3A_448 = arith.divsi %add3A_439, %jit3A_447 : i32
      %sign3A_449 = arith.constant 0 : i32
      %sign3A_450 = arith.cmpi sgt, %add3A_439, %sign3A_449 : i32
      %sign3A_451 = arith.extui %sign3A_450 : i1 to i32
      %sign3A_452 = arith.constant 0 : i32
      %sign3A_453 = arith.cmpi slt, %add3A_439, %sign3A_452 : i32
      %sign3A_454 = arith.extui %sign3A_453 : i1 to i32
      %sign3A_455 = arith.subi %sign3A_451, %sign3A_454 : i32
      %sign3A_456 = arith.constant 0 : i32
      %sign3A_457 = arith.cmpi sgt, %jit3A_447, %sign3A_456 : i32
      %sign3A_458 = arith.extui %sign3A_457 : i1 to i32
      %sign3A_459 = arith.constant 0 : i32
      %sign3A_460 = arith.cmpi slt, %jit3A_447, %sign3A_459 : i32
      %sign3A_461 = arith.extui %sign3A_460 : i1 to i32
      %sign3A_462 = arith.subi %sign3A_458, %sign3A_461 : i32
      %ne3A_463 = arith.cmpi ne, %sign3A_455, %sign3A_462 : i32
      %rem3A_464 = arith.remsi %add3A_439, %jit3A_447 : i32
      %ne3A_465 = arith.constant 0 : i32
      %ne3A_466 = arith.cmpi ne, %rem3A_464, %ne3A_465 : i32
      %and3A_467 = arith.andi %ne3A_463, %ne3A_466 : i1
      %sub3A_468 = arith.constant 1 : i32
      %sub3A_469 = arith.subi %div3A_448, %sub3A_468 : i32
      %select_n3A_470 = arith.select %and3A_467, %sub3A_469, %div3A_448 : i32
      %jit3A_471 = arith.constant 71 : i32
      %eq3A_472 = arith.constant 0 : i32
      %eq3A_473 = arith.cmpi eq, %jit3A_471, %eq3A_472 : i32
      %jit3A_474 = arith.constant 1 : i32
      %select_n3A_475 = arith.select %eq3A_473, %jit3A_474, %jit3A_471 : i32
      %rem3A_476 = arith.remsi %add3A_439, %select_n3A_475 : i32
      %ne3A_477 = arith.constant 0 : i32
      %ne3A_478 = arith.cmpi ne, %rem3A_476, %ne3A_477 : i32
      %lt3A_479 = arith.constant 0 : i32
      %lt3A_480 = arith.cmpi slt, %rem3A_476, %lt3A_479 : i32
      %lt3A_481 = arith.constant 0 : i32
      %lt3A_482 = arith.cmpi slt, %select_n3A_475, %lt3A_481 : i32
      %ne3A_483 = arith.xori %lt3A_480, %lt3A_482 : i1
      %and3A_484 = arith.andi %ne3A_483, %ne3A_478 : i1
      %add3A_485 = arith.addi %rem3A_476, %select_n3A_475 : i32
      %select_n3A_486 = arith.select %and3A_484, %add3A_485, %rem3A_476 : i32
      %mul3A_487 = arith.constant 8 : i32
      %mul3A_488 = arith.muli %select_n3A_470, %mul3A_487 : i32
      %add3A_489 = arith.addi %mul3A_2, %mul3A_488 : i32
      %mul3A_490 = arith.constant 11 : i32
      %mul3A_491 = arith.muli %select_n3A_486, %mul3A_490 : i32
      %add3A_492 = arith.constant 0 : i32
      %add3A_493 = arith.addi %mul3A_491, %add3A_492 : i32
      %mul3A_494 = arith.constant 128 : i32
      %mul3A_495 = arith.muli %add3A_493, %mul3A_494 : i32
      %mul3A_496 = arith.constant 11 : i32
      %mul3A_497 = arith.muli %select_n3A_486, %mul3A_496 : i32
      %add3A_498 = arith.constant 1 : i32
      %add3A_499 = arith.addi %mul3A_497, %add3A_498 : i32
      %mul3A_500 = arith.constant 128 : i32
      %mul3A_501 = arith.muli %add3A_499, %mul3A_500 : i32
      %mul3A_502 = arith.constant 11 : i32
      %mul3A_503 = arith.muli %select_n3A_486, %mul3A_502 : i32
      %add3A_504 = arith.constant 2 : i32
      %add3A_505 = arith.addi %mul3A_503, %add3A_504 : i32
      %mul3A_506 = arith.constant 128 : i32
      %mul3A_507 = arith.muli %add3A_505, %mul3A_506 : i32
      %mul3A_508 = arith.constant 11 : i32
      %mul3A_509 = arith.muli %select_n3A_486, %mul3A_508 : i32
      %add3A_510 = arith.constant 3 : i32
      %add3A_511 = arith.addi %mul3A_509, %add3A_510 : i32
      %mul3A_512 = arith.constant 128 : i32
      %mul3A_513 = arith.muli %add3A_511, %mul3A_512 : i32
      %mul3A_514 = arith.constant 11 : i32
      %mul3A_515 = arith.muli %select_n3A_486, %mul3A_514 : i32
      %add3A_516 = arith.constant 4 : i32
      %add3A_517 = arith.addi %mul3A_515, %add3A_516 : i32
      %mul3A_518 = arith.constant 128 : i32
      %mul3A_519 = arith.muli %add3A_517, %mul3A_518 : i32
      %mul3A_520 = arith.constant 11 : i32
      %mul3A_521 = arith.muli %select_n3A_486, %mul3A_520 : i32
      %add3A_522 = arith.constant 5 : i32
      %add3A_523 = arith.addi %mul3A_521, %add3A_522 : i32
      %mul3A_524 = arith.constant 128 : i32
      %mul3A_525 = arith.muli %add3A_523, %mul3A_524 : i32
      %mul3A_526 = arith.constant 11 : i32
      %mul3A_527 = arith.muli %select_n3A_486, %mul3A_526 : i32
      %add3A_528 = arith.constant 6 : i32
      %add3A_529 = arith.addi %mul3A_527, %add3A_528 : i32
      %mul3A_530 = arith.constant 128 : i32
      %mul3A_531 = arith.muli %add3A_529, %mul3A_530 : i32
      %mul3A_532 = arith.constant 11 : i32
      %mul3A_533 = arith.muli %select_n3A_486, %mul3A_532 : i32
      %add3A_534 = arith.constant 7 : i32
      %add3A_535 = arith.addi %mul3A_533, %add3A_534 : i32
      %mul3A_536 = arith.constant 128 : i32
      %mul3A_537 = arith.muli %add3A_535, %mul3A_536 : i32
      %mul3A_538 = arith.constant 11 : i32
      %mul3A_539 = arith.muli %select_n3A_486, %mul3A_538 : i32
      %add3A_540 = arith.constant 8 : i32
      %add3A_541 = arith.addi %mul3A_539, %add3A_540 : i32
      %mul3A_542 = arith.constant 128 : i32
      %mul3A_543 = arith.muli %add3A_541, %mul3A_542 : i32
      %mul3A_544 = arith.constant 11 : i32
      %mul3A_545 = arith.muli %select_n3A_486, %mul3A_544 : i32
      %add3A_546 = arith.constant 9 : i32
      %add3A_547 = arith.addi %mul3A_545, %add3A_546 : i32
      %mul3A_548 = arith.constant 128 : i32
      %mul3A_549 = arith.muli %add3A_547, %mul3A_548 : i32
      %mul3A_550 = arith.constant 11 : i32
      %mul3A_551 = arith.muli %select_n3A_486, %mul3A_550 : i32
      %add3A_552 = arith.constant 10 : i32
      %add3A_553 = arith.addi %mul3A_551, %add3A_552 : i32
      %mul3A_554 = arith.constant 128 : i32
      %mul3A_555 = arith.muli %add3A_553, %mul3A_554 : i32
      %dma_wait3A_556 = arith.constant 0 : i32
      %dma_wait3A_557 = arith.constant 0 : i32
      %dma_wait3A_558 = arith.constant 0 : i32
      %dma_wait3A_559 = tpu.memref_slice %arg10[%dma_wait3A_556, %dma_wait3A_557, %dma_wait3A_558] : memref<11x8x128xf32, #tpu.memory_space<vmem>> -> memref<1x8x128xf32, #tpu.memory_space<vmem>>
      %dma_wait3A_560 = tpu.memref_squeeze %dma_wait3A_559 : memref<1x8x128xf32, #tpu.memory_space<vmem>> -> memref<8x128xf32, #tpu.memory_space<vmem>>
      %dma_wait3A_561 = tpu.memref_slice %arg2[%add3A_489, %mul3A_495] : memref<1024x100000xf32, #tpu.memory_space<hbm>> -> memref<8x128xf32, #tpu.memory_space<hbm>>
      %dma_wait3A_562 = arith.constant 0 : i32
      %dma_wait3A_563 = arith.constant 0 : i32
      %dma_wait3A_564 = tpu.memref_slice %arg10[%dma_wait3A_556, %dma_wait3A_562, %dma_wait3A_563] : memref<11x8x128xf32, #tpu.memory_space<vmem>> -> memref<1x8x128xf32, #tpu.memory_space<vmem>>
      %dma_wait3A_565 = tpu.memref_squeeze %dma_wait3A_564 : memref<1x8x128xf32, #tpu.memory_space<vmem>> -> memref<8x128xf32, #tpu.memory_space<vmem>>
      %dma_wait3A_566 = tpu.memref_slice %arg2[%add3A_489, %mul3A_495] : memref<1024x100000xf32, #tpu.memory_space<hbm>> -> memref<8x128xf32, #tpu.memory_space<hbm>>
      tpu.wait_dma2 semaphore(%arg13 : memref<!tpu.dma_semaphore, #tpu.memory_space<semaphore_mem>>) src(%dma_wait3A_566 : memref<8x128xf32, #tpu.memory_space<hbm>>) dst(%dma_wait3A_565 : memref<8x128xf32, #tpu.memory_space<vmem>>)
      %dma_wait3A_567 = arith.constant 1 : i32
      %dma_wait3A_568 = arith.constant 0 : i32
      %dma_wait3A_569 = arith.constant 0 : i32
      %dma_wait3A_570 = tpu.memref_slice %arg10[%dma_wait3A_567, %dma_wait3A_568, %dma_wait3A_569] : memref<11x8x128xf32, #tpu.memory_space<vmem>> -> memref<1x8x128xf32, #tpu.memory_space<vmem>>
      %dma_wait3A_571 = tpu.memref_squeeze %dma_wait3A_570 : memref<1x8x128xf32, #tpu.memory_space<vmem>> -> memref<8x128xf32, #tpu.memory_space<vmem>>
      %dma_wait3A_572 = tpu.memref_slice %arg2[%add3A_489, %mul3A_501] : memref<1024x100000xf32, #tpu.memory_space<hbm>> -> memref<8x128xf32, #tpu.memory_space<hbm>>
      %dma_wait3A_573 = arith.constant 0 : i32
      %dma_wait3A_574 = arith.constant 0 : i32
      %dma_wait3A_575 = tpu.memref_slice %arg10[%dma_wait3A_567, %dma_wait3A_573, %dma_wait3A_574] : memref<11x8x128xf32, #tpu.memory_space<vmem>> -> memref<1x8x128xf32, #tpu.memory_space<vmem>>
      %dma_wait3A_576 = tpu.memref_squeeze %dma_wait3A_575 : memref<1x8x128xf32, #tpu.memory_space<vmem>> -> memref<8x128xf32, #tpu.memory_space<vmem>>
      %dma_wait3A_577 = tpu.memref_slice %arg2[%add3A_489, %mul3A_501] : memref<1024x100000xf32, #tpu.memory_space<hbm>> -> memref<8x128xf32, #tpu.memory_space<hbm>>
      tpu.wait_dma2 semaphore(%arg13 : memref<!tpu.dma_semaphore, #tpu.memory_space<semaphore_mem>>) src(%dma_wait3A_577 : memref<8x128xf32, #tpu.memory_space<hbm>>) dst(%dma_wait3A_576 : memref<8x128xf32, #tpu.memory_space<vmem>>)
      %dma_wait3A_578 = arith.constant 2 : i32
      %dma_wait3A_579 = arith.constant 0 : i32
      %dma_wait3A_580 = arith.constant 0 : i32
      %dma_wait3A_581 = tpu.memref_slice %arg10[%dma_wait3A_578, %dma_wait3A_579, %dma_wait3A_580] : memref<11x8x128xf32, #tpu.memory_space<vmem>> -> memref<1x8x128xf32, #tpu.memory_space<vmem>>
      %dma_wait3A_582 = tpu.memref_squeeze %dma_wait3A_581 : memref<1x8x128xf32, #tpu.memory_space<vmem>> -> memref<8x128xf32, #tpu.memory_space<vmem>>
      %dma_wait3A_583 = tpu.memref_slice %arg2[%add3A_489, %mul3A_507] : memref<1024x100000xf32, #tpu.memory_space<hbm>> -> memref<8x128xf32, #tpu.memory_space<hbm>>
      %dma_wait3A_584 = arith.constant 0 : i32
      %dma_wait3A_585 = arith.constant 0 : i32
      %dma_wait3A_586 = tpu.memref_slice %arg10[%dma_wait3A_578, %dma_wait3A_584, %dma_wait3A_585] : memref<11x8x128xf32, #tpu.memory_space<vmem>> -> memref<1x8x128xf32, #tpu.memory_space<vmem>>
      %dma_wait3A_587 = tpu.memref_squeeze %dma_wait3A_586 : memref<1x8x128xf32, #tpu.memory_space<vmem>> -> memref<8x128xf32, #tpu.memory_space<vmem>>
      %dma_wait3A_588 = tpu.memref_slice %arg2[%add3A_489, %mul3A_507] : memref<1024x100000xf32, #tpu.memory_space<hbm>> -> memref<8x128xf32, #tpu.memory_space<hbm>>
      tpu.wait_dma2 semaphore(%arg13 : memref<!tpu.dma_semaphore, #tpu.memory_space<semaphore_mem>>) src(%dma_wait3A_588 : memref<8x128xf32, #tpu.memory_space<hbm>>) dst(%dma_wait3A_587 : memref<8x128xf32, #tpu.memory_space<vmem>>)
      %dma_wait3A_589 = arith.constant 3 : i32
      %dma_wait3A_590 = arith.constant 0 : i32
      %dma_wait3A_591 = arith.constant 0 : i32
      %dma_wait3A_592 = tpu.memref_slice %arg10[%dma_wait3A_589, %dma_wait3A_590, %dma_wait3A_591] : memref<11x8x128xf32, #tpu.memory_space<vmem>> -> memref<1x8x128xf32, #tpu.memory_space<vmem>>
      %dma_wait3A_593 = tpu.memref_squeeze %dma_wait3A_592 : memref<1x8x128xf32, #tpu.memory_space<vmem>> -> memref<8x128xf32, #tpu.memory_space<vmem>>
      %dma_wait3A_594 = tpu.memref_slice %arg2[%add3A_489, %mul3A_513] : memref<1024x100000xf32, #tpu.memory_space<hbm>> -> memref<8x128xf32, #tpu.memory_space<hbm>>
      %dma_wait3A_595 = arith.constant 0 : i32
      %dma_wait3A_596 = arith.constant 0 : i32
      %dma_wait3A_597 = tpu.memref_slice %arg10[%dma_wait3A_589, %dma_wait3A_595, %dma_wait3A_596] : memref<11x8x128xf32, #tpu.memory_space<vmem>> -> memref<1x8x128xf32, #tpu.memory_space<vmem>>
      %dma_wait3A_598 = tpu.memref_squeeze %dma_wait3A_597 : memref<1x8x128xf32, #tpu.memory_space<vmem>> -> memref<8x128xf32, #tpu.memory_space<vmem>>
      %dma_wait3A_599 = tpu.memref_slice %arg2[%add3A_489, %mul3A_513] : memref<1024x100000xf32, #tpu.memory_space<hbm>> -> memref<8x128xf32, #tpu.memory_space<hbm>>
      tpu.wait_dma2 semaphore(%arg13 : memref<!tpu.dma_semaphore, #tpu.memory_space<semaphore_mem>>) src(%dma_wait3A_599 : memref<8x128xf32, #tpu.memory_space<hbm>>) dst(%dma_wait3A_598 : memref<8x128xf32, #tpu.memory_space<vmem>>)
      %dma_wait3A_600 = arith.constant 4 : i32
      %dma_wait3A_601 = arith.constant 0 : i32
      %dma_wait3A_602 = arith.constant 0 : i32
      %dma_wait3A_603 = tpu.memref_slice %arg10[%dma_wait3A_600, %dma_wait3A_601, %dma_wait3A_602] : memref<11x8x128xf32, #tpu.memory_space<vmem>> -> memref<1x8x128xf32, #tpu.memory_space<vmem>>
      %dma_wait3A_604 = tpu.memref_squeeze %dma_wait3A_603 : memref<1x8x128xf32, #tpu.memory_space<vmem>> -> memref<8x128xf32, #tpu.memory_space<vmem>>
      %dma_wait3A_605 = tpu.memref_slice %arg2[%add3A_489, %mul3A_519] : memref<1024x100000xf32, #tpu.memory_space<hbm>> -> memref<8x128xf32, #tpu.memory_space<hbm>>
      %dma_wait3A_606 = arith.constant 0 : i32
      %dma_wait3A_607 = arith.constant 0 : i32
      %dma_wait3A_608 = tpu.memref_slice %arg10[%dma_wait3A_600, %dma_wait3A_606, %dma_wait3A_607] : memref<11x8x128xf32, #tpu.memory_space<vmem>> -> memref<1x8x128xf32, #tpu.memory_space<vmem>>
      %dma_wait3A_609 = tpu.memref_squeeze %dma_wait3A_608 : memref<1x8x128xf32, #tpu.memory_space<vmem>> -> memref<8x128xf32, #tpu.memory_space<vmem>>
      %dma_wait3A_610 = tpu.memref_slice %arg2[%add3A_489, %mul3A_519] : memref<1024x100000xf32, #tpu.memory_space<hbm>> -> memref<8x128xf32, #tpu.memory_space<hbm>>
      tpu.wait_dma2 semaphore(%arg13 : memref<!tpu.dma_semaphore, #tpu.memory_space<semaphore_mem>>) src(%dma_wait3A_610 : memref<8x128xf32, #tpu.memory_space<hbm>>) dst(%dma_wait3A_609 : memref<8x128xf32, #tpu.memory_space<vmem>>)
      %dma_wait3A_611 = arith.constant 5 : i32
      %dma_wait3A_612 = arith.constant 0 : i32
      %dma_wait3A_613 = arith.constant 0 : i32
      %dma_wait3A_614 = tpu.memref_slice %arg10[%dma_wait3A_611, %dma_wait3A_612, %dma_wait3A_613] : memref<11x8x128xf32, #tpu.memory_space<vmem>> -> memref<1x8x128xf32, #tpu.memory_space<vmem>>
      %dma_wait3A_615 = tpu.memref_squeeze %dma_wait3A_614 : memref<1x8x128xf32, #tpu.memory_space<vmem>> -> memref<8x128xf32, #tpu.memory_space<vmem>>
      %dma_wait3A_616 = tpu.memref_slice %arg2[%add3A_489, %mul3A_525] : memref<1024x100000xf32, #tpu.memory_space<hbm>> -> memref<8x128xf32, #tpu.memory_space<hbm>>
      %dma_wait3A_617 = arith.constant 0 : i32
      %dma_wait3A_618 = arith.constant 0 : i32
      %dma_wait3A_619 = tpu.memref_slice %arg10[%dma_wait3A_611, %dma_wait3A_617, %dma_wait3A_618] : memref<11x8x128xf32, #tpu.memory_space<vmem>> -> memref<1x8x128xf32, #tpu.memory_space<vmem>>
      %dma_wait3A_620 = tpu.memref_squeeze %dma_wait3A_619 : memref<1x8x128xf32, #tpu.memory_space<vmem>> -> memref<8x128xf32, #tpu.memory_space<vmem>>
      %dma_wait3A_621 = tpu.memref_slice %arg2[%add3A_489, %mul3A_525] : memref<1024x100000xf32, #tpu.memory_space<hbm>> -> memref<8x128xf32, #tpu.memory_space<hbm>>
      tpu.wait_dma2 semaphore(%arg13 : memref<!tpu.dma_semaphore, #tpu.memory_space<semaphore_mem>>) src(%dma_wait3A_621 : memref<8x128xf32, #tpu.memory_space<hbm>>) dst(%dma_wait3A_620 : memref<8x128xf32, #tpu.memory_space<vmem>>)
      %dma_wait3A_622 = arith.constant 6 : i32
      %dma_wait3A_623 = arith.constant 0 : i32
      %dma_wait3A_624 = arith.constant 0 : i32
      %dma_wait3A_625 = tpu.memref_slice %arg10[%dma_wait3A_622, %dma_wait3A_623, %dma_wait3A_624] : memref<11x8x128xf32, #tpu.memory_space<vmem>> -> memref<1x8x128xf32, #tpu.memory_space<vmem>>
      %dma_wait3A_626 = tpu.memref_squeeze %dma_wait3A_625 : memref<1x8x128xf32, #tpu.memory_space<vmem>> -> memref<8x128xf32, #tpu.memory_space<vmem>>
      %dma_wait3A_627 = tpu.memref_slice %arg2[%add3A_489, %mul3A_531] : memref<1024x100000xf32, #tpu.memory_space<hbm>> -> memref<8x128xf32, #tpu.memory_space<hbm>>
      %dma_wait3A_628 = arith.constant 0 : i32
      %dma_wait3A_629 = arith.constant 0 : i32
      %dma_wait3A_630 = tpu.memref_slice %arg10[%dma_wait3A_622, %dma_wait3A_628, %dma_wait3A_629] : memref<11x8x128xf32, #tpu.memory_space<vmem>> -> memref<1x8x128xf32, #tpu.memory_space<vmem>>
      %dma_wait3A_631 = tpu.memref_squeeze %dma_wait3A_630 : memref<1x8x128xf32, #tpu.memory_space<vmem>> -> memref<8x128xf32, #tpu.memory_space<vmem>>
      %dma_wait3A_632 = tpu.memref_slice %arg2[%add3A_489, %mul3A_531] : memref<1024x100000xf32, #tpu.memory_space<hbm>> -> memref<8x128xf32, #tpu.memory_space<hbm>>
      tpu.wait_dma2 semaphore(%arg13 : memref<!tpu.dma_semaphore, #tpu.memory_space<semaphore_mem>>) src(%dma_wait3A_632 : memref<8x128xf32, #tpu.memory_space<hbm>>) dst(%dma_wait3A_631 : memref<8x128xf32, #tpu.memory_space<vmem>>)
      %dma_wait3A_633 = arith.constant 7 : i32
      %dma_wait3A_634 = arith.constant 0 : i32
      %dma_wait3A_635 = arith.constant 0 : i32
      %dma_wait3A_636 = tpu.memref_slice %arg10[%dma_wait3A_633, %dma_wait3A_634, %dma_wait3A_635] : memref<11x8x128xf32, #tpu.memory_space<vmem>> -> memref<1x8x128xf32, #tpu.memory_space<vmem>>
      %dma_wait3A_637 = tpu.memref_squeeze %dma_wait3A_636 : memref<1x8x128xf32, #tpu.memory_space<vmem>> -> memref<8x128xf32, #tpu.memory_space<vmem>>
      %dma_wait3A_638 = tpu.memref_slice %arg2[%add3A_489, %mul3A_537] : memref<1024x100000xf32, #tpu.memory_space<hbm>> -> memref<8x128xf32, #tpu.memory_space<hbm>>
      %dma_wait3A_639 = arith.constant 0 : i32
      %dma_wait3A_640 = arith.constant 0 : i32
      %dma_wait3A_641 = tpu.memref_slice %arg10[%dma_wait3A_633, %dma_wait3A_639, %dma_wait3A_640] : memref<11x8x128xf32, #tpu.memory_space<vmem>> -> memref<1x8x128xf32, #tpu.memory_space<vmem>>
      %dma_wait3A_642 = tpu.memref_squeeze %dma_wait3A_641 : memref<1x8x128xf32, #tpu.memory_space<vmem>> -> memref<8x128xf32, #tpu.memory_space<vmem>>
      %dma_wait3A_643 = tpu.memref_slice %arg2[%add3A_489, %mul3A_537] : memref<1024x100000xf32, #tpu.memory_space<hbm>> -> memref<8x128xf32, #tpu.memory_space<hbm>>
      tpu.wait_dma2 semaphore(%arg13 : memref<!tpu.dma_semaphore, #tpu.memory_space<semaphore_mem>>) src(%dma_wait3A_643 : memref<8x128xf32, #tpu.memory_space<hbm>>) dst(%dma_wait3A_642 : memref<8x128xf32, #tpu.memory_space<vmem>>)
      %dma_wait3A_644 = arith.constant 8 : i32
      %dma_wait3A_645 = arith.constant 0 : i32
      %dma_wait3A_646 = arith.constant 0 : i32
      %dma_wait3A_647 = tpu.memref_slice %arg10[%dma_wait3A_644, %dma_wait3A_645, %dma_wait3A_646] : memref<11x8x128xf32, #tpu.memory_space<vmem>> -> memref<1x8x128xf32, #tpu.memory_space<vmem>>
      %dma_wait3A_648 = tpu.memref_squeeze %dma_wait3A_647 : memref<1x8x128xf32, #tpu.memory_space<vmem>> -> memref<8x128xf32, #tpu.memory_space<vmem>>
      %dma_wait3A_649 = tpu.memref_slice %arg2[%add3A_489, %mul3A_543] : memref<1024x100000xf32, #tpu.memory_space<hbm>> -> memref<8x128xf32, #tpu.memory_space<hbm>>
      %dma_wait3A_650 = arith.constant 0 : i32
      %dma_wait3A_651 = arith.constant 0 : i32
      %dma_wait3A_652 = tpu.memref_slice %arg10[%dma_wait3A_644, %dma_wait3A_650, %dma_wait3A_651] : memref<11x8x128xf32, #tpu.memory_space<vmem>> -> memref<1x8x128xf32, #tpu.memory_space<vmem>>
      %dma_wait3A_653 = tpu.memref_squeeze %dma_wait3A_652 : memref<1x8x128xf32, #tpu.memory_space<vmem>> -> memref<8x128xf32, #tpu.memory_space<vmem>>
      %dma_wait3A_654 = tpu.memref_slice %arg2[%add3A_489, %mul3A_543] : memref<1024x100000xf32, #tpu.memory_space<hbm>> -> memref<8x128xf32, #tpu.memory_space<hbm>>
      tpu.wait_dma2 semaphore(%arg13 : memref<!tpu.dma_semaphore, #tpu.memory_space<semaphore_mem>>) src(%dma_wait3A_654 : memref<8x128xf32, #tpu.memory_space<hbm>>) dst(%dma_wait3A_653 : memref<8x128xf32, #tpu.memory_space<vmem>>)
      %dma_wait3A_655 = arith.constant 9 : i32
      %dma_wait3A_656 = arith.constant 0 : i32
      %dma_wait3A_657 = arith.constant 0 : i32
      %dma_wait3A_658 = tpu.memref_slice %arg10[%dma_wait3A_655, %dma_wait3A_656, %dma_wait3A_657] : memref<11x8x128xf32, #tpu.memory_space<vmem>> -> memref<1x8x128xf32, #tpu.memory_space<vmem>>
      %dma_wait3A_659 = tpu.memref_squeeze %dma_wait3A_658 : memref<1x8x128xf32, #tpu.memory_space<vmem>> -> memref<8x128xf32, #tpu.memory_space<vmem>>
      %dma_wait3A_660 = tpu.memref_slice %arg2[%add3A_489, %mul3A_549] : memref<1024x100000xf32, #tpu.memory_space<hbm>> -> memref<8x128xf32, #tpu.memory_space<hbm>>
      %dma_wait3A_661 = arith.constant 0 : i32
      %dma_wait3A_662 = arith.constant 0 : i32
      %dma_wait3A_663 = tpu.memref_slice %arg10[%dma_wait3A_655, %dma_wait3A_661, %dma_wait3A_662] : memref<11x8x128xf32, #tpu.memory_space<vmem>> -> memref<1x8x128xf32, #tpu.memory_space<vmem>>
      %dma_wait3A_664 = tpu.memref_squeeze %dma_wait3A_663 : memref<1x8x128xf32, #tpu.memory_space<vmem>> -> memref<8x128xf32, #tpu.memory_space<vmem>>
      %dma_wait3A_665 = tpu.memref_slice %arg2[%add3A_489, %mul3A_549] : memref<1024x100000xf32, #tpu.memory_space<hbm>> -> memref<8x128xf32, #tpu.memory_space<hbm>>
      tpu.wait_dma2 semaphore(%arg13 : memref<!tpu.dma_semaphore, #tpu.memory_space<semaphore_mem>>) src(%dma_wait3A_665 : memref<8x128xf32, #tpu.memory_space<hbm>>) dst(%dma_wait3A_664 : memref<8x128xf32, #tpu.memory_space<vmem>>)
      %dma_wait3A_666 = arith.constant 10 : i32
      %dma_wait3A_667 = arith.constant 0 : i32
      %dma_wait3A_668 = arith.constant 0 : i32
      %dma_wait3A_669 = tpu.memref_slice %arg10[%dma_wait3A_666, %dma_wait3A_667, %dma_wait3A_668] : memref<11x8x128xf32, #tpu.memory_space<vmem>> -> memref<1x8x128xf32, #tpu.memory_space<vmem>>
      %dma_wait3A_670 = tpu.memref_squeeze %dma_wait3A_669 : memref<1x8x128xf32, #tpu.memory_space<vmem>> -> memref<8x128xf32, #tpu.memory_space<vmem>>
      %dma_wait3A_671 = tpu.memref_slice %arg2[%add3A_489, %mul3A_555] : memref<1024x100000xf32, #tpu.memory_space<hbm>> -> memref<8x128xf32, #tpu.memory_space<hbm>>
      %dma_wait3A_672 = arith.constant 0 : i32
      %dma_wait3A_673 = arith.constant 0 : i32
      %dma_wait3A_674 = tpu.memref_slice %arg10[%dma_wait3A_666, %dma_wait3A_672, %dma_wait3A_673] : memref<11x8x128xf32, #tpu.memory_space<vmem>> -> memref<1x8x128xf32, #tpu.memory_space<vmem>>
      %dma_wait3A_675 = tpu.memref_squeeze %dma_wait3A_674 : memref<1x8x128xf32, #tpu.memory_space<vmem>> -> memref<8x128xf32, #tpu.memory_space<vmem>>
      %dma_wait3A_676 = tpu.memref_slice %arg2[%add3A_489, %mul3A_555] : memref<1024x100000xf32, #tpu.memory_space<hbm>> -> memref<8x128xf32, #tpu.memory_space<hbm>>
      tpu.wait_dma2 semaphore(%arg13 : memref<!tpu.dma_semaphore, #tpu.memory_space<semaphore_mem>>) src(%dma_wait3A_676 : memref<8x128xf32, #tpu.memory_space<hbm>>) dst(%dma_wait3A_675 : memref<8x128xf32, #tpu.memory_space<vmem>>)
      %jit3A_677 = arith.constant 71 : i32
      %div3A_678 = arith.divsi %add3A_439, %jit3A_677 : i32
      %sign3A_679 = arith.constant 0 : i32
      %sign3A_680 = arith.cmpi sgt, %add3A_439, %sign3A_679 : i32
      %sign3A_681 = arith.extui %sign3A_680 : i1 to i32
      %sign3A_682 = arith.constant 0 : i32
      %sign3A_683 = arith.cmpi slt, %add3A_439, %sign3A_682 : i32
      %sign3A_684 = arith.extui %sign3A_683 : i1 to i32
      %sign3A_685 = arith.subi %sign3A_681, %sign3A_684 : i32
      %sign3A_686 = arith.constant 0 : i32
      %sign3A_687 = arith.cmpi sgt, %jit3A_677, %sign3A_686 : i32
      %sign3A_688 = arith.extui %sign3A_687 : i1 to i32
      %sign3A_689 = arith.constant 0 : i32
      %sign3A_690 = arith.cmpi slt, %jit3A_677, %sign3A_689 : i32
      %sign3A_691 = arith.extui %sign3A_690 : i1 to i32
      %sign3A_692 = arith.subi %sign3A_688, %sign3A_691 : i32
      %ne3A_693 = arith.cmpi ne, %sign3A_685, %sign3A_692 : i32
      %rem3A_694 = arith.remsi %add3A_439, %jit3A_677 : i32
      %ne3A_695 = arith.constant 0 : i32
      %ne3A_696 = arith.cmpi ne, %rem3A_694, %ne3A_695 : i32
      %and3A_697 = arith.andi %ne3A_693, %ne3A_696 : i1
      %sub3A_698 = arith.constant 1 : i32
      %sub3A_699 = arith.subi %div3A_678, %sub3A_698 : i32
      %select_n3A_700 = arith.select %and3A_697, %sub3A_699, %div3A_678 : i32
      %jit3A_701 = arith.constant 71 : i32
      %eq3A_702 = arith.constant 0 : i32
      %eq3A_703 = arith.cmpi eq, %jit3A_701, %eq3A_702 : i32
      %jit3A_704 = arith.constant 1 : i32
      %select_n3A_705 = arith.select %eq3A_703, %jit3A_704, %jit3A_701 : i32
      %rem3A_706 = arith.remsi %add3A_439, %select_n3A_705 : i32
      %ne3A_707 = arith.constant 0 : i32
      %ne3A_708 = arith.cmpi ne, %rem3A_706, %ne3A_707 : i32
      %lt3A_709 = arith.constant 0 : i32
      %lt3A_710 = arith.cmpi slt, %rem3A_706, %lt3A_709 : i32
      %lt3A_711 = arith.constant 0 : i32
      %lt3A_712 = arith.cmpi slt, %select_n3A_705, %lt3A_711 : i32
      %ne3A_713 = arith.xori %lt3A_710, %lt3A_712 : i1
      %and3A_714 = arith.andi %ne3A_713, %ne3A_708 : i1
      %add3A_715 = arith.addi %rem3A_706, %select_n3A_705 : i32
      %select_n3A_716 = arith.select %and3A_714, %add3A_715, %rem3A_706 : i32
      %mul3A_717 = arith.constant 1408 : i32
      %mul3A_718 = arith.muli %select_n3A_716, %mul3A_717 : i32
      %scan3A_719 = arith.constant 0 : i32
      %scan3A_720 = arith.constant 0 : i32
      %scan3A_721 = arith.constant 8 : i32
      %scan3A_722 = arith.addi %scan3A_720, %scan3A_721 : i32
      %scan3A_723 = arith.constant 1 : i32
      scf.for %scan3A_725 = %scan3A_720 to %scan3A_722 step %scan3A_723  : i32 {
        %mul3A_726 = arith.constant 8 : i32
        %mul3A_727 = arith.muli %select_n3A_700, %mul3A_726 : i32
        %add3A_728 = arith.addi %mul3A_727, %scan3A_725 : i32
        %eq3A_729 = arith.constant 0 : i32
        %eq3A_730 = arith.cmpi eq, %select_n3A_716, %eq3A_729 : i32
        %get3A = arith.index_cast %add3A_728 : i32 to index
        %get3A_731 = arith.constant 0 : index
        %get3A_732 = tpu.vector_load %arg8[%get3A, %get3A_731] {strides = array<i32>} : memref<32x16xf32, #tpu.memory_space<vmem>>, vector<16xf32>,
        %select_n3A_733 = arith.select %eq3A_730, %broadcast_in_dim3A_147, %get3A_732 : vector<16xf32>
        %slice3A = vector.extract_strided_slice %select_n3A_733 {offsets = [0], sizes = [1], strides = [1]} : vector<16xf32> to vector<1xf32>
        %squeeze3A = vector.extract %slice3A[0] : f32 from vector<1xf32>
        %scan3A_734 = arith.constant 0 : i32
        %scan3A_735 = arith.constant 11 : i32
        %scan3A_736 = arith.addi %scan3A_734, %scan3A_735 : i32
        %scan3A_737 = arith.constant 1 : i32
        %scan3A_738:2 = scf.for %scan3A_873 = %scan3A_734 to %scan3A_736 step %scan3A_737 iter_args(%scan3A_874 = %select_n3A_733, %scan3A_875 = %squeeze3A) -> (vector<16xf32>, f32)  : i32 {
          %get3A_876 = arith.index_cast %scan3A_873 : i32 to index
          %get3A_877 = arith.index_cast %scan3A_725 : i32 to index
          %get3A_878 = arith.constant 0 : index
          %get3A_879 = tpu.vector_load %arg10[%get3A_876, %get3A_877, %get3A_878] {strides = array<i32>} : memref<11x8x128xf32, #tpu.memory_space<vmem>>, vector<16xf32>,
          %get3A_880 = arith.index_cast %scan3A_873 : i32 to index
          %get3A_881 = arith.index_cast %scan3A_725 : i32 to index
          %get3A_882 = arith.constant 16 : index
          %get3A_883 = tpu.vector_load %arg10[%get3A_880, %get3A_881, %get3A_882] {strides = array<i32>} : memref<11x8x128xf32, #tpu.memory_space<vmem>>, vector<16xf32>,
          %get3A_884 = arith.index_cast %scan3A_873 : i32 to index
          %get3A_885 = arith.index_cast %scan3A_725 : i32 to index
          %get3A_886 = arith.constant 32 : index
          %get3A_887 = tpu.vector_load %arg10[%get3A_884, %get3A_885, %get3A_886] {strides = array<i32>} : memref<11x8x128xf32, #tpu.memory_space<vmem>>, vector<16xf32>,
          %get3A_888 = arith.index_cast %scan3A_873 : i32 to index
          %get3A_889 = arith.index_cast %scan3A_725 : i32 to index
          %get3A_890 = arith.constant 48 : index
          %get3A_891 = tpu.vector_load %arg10[%get3A_888, %get3A_889, %get3A_890] {strides = array<i32>} : memref<11x8x128xf32, #tpu.memory_space<vmem>>, vector<16xf32>,
          %get3A_892 = arith.index_cast %scan3A_873 : i32 to index
          %get3A_893 = arith.index_cast %scan3A_725 : i32 to index
          %get3A_894 = arith.constant 64 : index
          %get3A_895 = tpu.vector_load %arg10[%get3A_892, %get3A_893, %get3A_894] {strides = array<i32>} : memref<11x8x128xf32, #tpu.memory_space<vmem>>, vector<16xf32>,
          %get3A_896 = arith.index_cast %scan3A_873 : i32 to index
          %get3A_897 = arith.index_cast %scan3A_725 : i32 to index
          %get3A_898 = arith.constant 80 : index
          %get3A_899 = tpu.vector_load %arg10[%get3A_896, %get3A_897, %get3A_898] {strides = array<i32>} : memref<11x8x128xf32, #tpu.memory_space<vmem>>, vector<16xf32>,
          %get3A_900 = arith.index_cast %scan3A_873 : i32 to index
          %get3A_901 = arith.index_cast %scan3A_725 : i32 to index
          %get3A_902 = arith.constant 96 : index
          %get3A_903 = tpu.vector_load %arg10[%get3A_900, %get3A_901, %get3A_902] {strides = array<i32>} : memref<11x8x128xf32, #tpu.memory_space<vmem>>, vector<16xf32>,
          %get3A_904 = arith.index_cast %scan3A_873 : i32 to index
          %get3A_905 = arith.index_cast %scan3A_725 : i32 to index
          %get3A_906 = arith.constant 112 : index
          %get3A_907 = tpu.vector_load %arg10[%get3A_904, %get3A_905, %get3A_906] {strides = array<i32>} : memref<11x8x128xf32, #tpu.memory_space<vmem>>, vector<16xf32>,
          %max3A_908 = arith.maximumf %get3A_879, %get3A_883 : vector<16xf32>
          %max3A_909 = arith.maximumf %max3A_908, %get3A_887 : vector<16xf32>
          %max3A_910 = arith.maximumf %max3A_909, %get3A_891 : vector<16xf32>
          %max3A_911 = arith.maximumf %max3A_910, %get3A_895 : vector<16xf32>
          %max3A_912 = arith.maximumf %max3A_911, %get3A_899 : vector<16xf32>
          %max3A_913 = arith.maximumf %max3A_912, %get3A_903 : vector<16xf32>
          %max3A_914 = arith.maximumf %max3A_913, %get3A_907 : vector<16xf32>
          %gt3A = vector.broadcast %scan3A_875 : f32 to vector<16xf32>
          %gt3A_915 = arith.cmpf ogt, %max3A_914, %gt3A : vector<16xf32>
          %all_reduce_population_count3A = tpu.all_reduce %gt3A_915 {dim = 0 : i64, kind = #tpu.reduction_kind<sum>} : vector<16xi1> -> vector<16xi32>
          %slice3A_916 = vector.extract_strided_slice %all_reduce_population_count3A {offsets = [0], sizes = [1], strides = [1]} : vector<16xi32> to vector<1xi32>
          %squeeze3A_917 = vector.extract %slice3A_916[0] : i32 from vector<1xi32>
          %gt3A_918 = arith.constant 0 : i32
          %gt3A_919 = arith.cmpi sgt, %squeeze3A_917, %gt3A_918 : i32
          %convert_element_type3A_920 = arith.extui %gt3A_919 : i1 to i32
          %cond3A_921 = arith.constant 0 : i32
          %cond3A_922 = arith.cmpi ne, %convert_element_type3A_920, %cond3A_921 : i32
          %cond3A_923:2 = scf.if %cond3A_922 -> (vector<16xf32>, f32) {
            %scan3A_924 = arith.constant 0 : i32
            %scan3A_925 = arith.constant 8 : i32
            %scan3A_926 = arith.addi %scan3A_924, %scan3A_925 : i32
            %scan3A_927 = arith.constant 1 : i32
            %scan3A_928 = scf.for %scan3A_932 = %scan3A_924 to %scan3A_926 step %scan3A_927 iter_args(%scan3A_933 = %scan3A_874) -> (vector<16xf32>)  : i32 {
              %mul3A_934 = arith.constant 16 : i32
              %mul3A_935 = arith.muli %scan3A_932, %mul3A_934 : i32
              %get3A_936 = arith.index_cast %scan3A_873 : i32 to index
              %get3A_937 = arith.index_cast %scan3A_725 : i32 to index
              %get3A_938 = arith.index_cast %mul3A_935 : i32 to index
              %get3A_939 = tpu.vector_load %arg10[%get3A_936, %get3A_937, %get3A_938] {strides = array<i32>} : memref<11x8x128xf32, #tpu.memory_space<vmem>>, vector<16xf32>,
              %slice3A_940 = vector.extract_strided_slice %scan3A_933 {offsets = [0], sizes = [1], strides = [1]} : vector<16xf32> to vector<1xf32>
              %squeeze3A_941 = vector.extract %slice3A_940[0] : f32 from vector<1xf32>
              %gt3A_942 = vector.broadcast %squeeze3A_941 : f32 to vector<16xf32>
              %gt3A_943 = arith.cmpf ogt, %get3A_939, %gt3A_942 : vector<16xf32>
              %all_reduce_population_count3A_944 = tpu.all_reduce %gt3A_943 {dim = 0 : i64, kind = #tpu.reduction_kind<sum>} : vector<16xi1> -> vector<16xi32>
              %slice3A_945 = vector.extract_strided_slice %all_reduce_population_count3A_944 {offsets = [0], sizes = [1], strides = [1]} : vector<16xi32> to vector<1xi32>
              %squeeze3A_946 = vector.extract %slice3A_945[0] : i32 from vector<1xi32>
              %gt3A_947 = arith.constant 0 : i32
              %gt3A_948 = arith.cmpi sgt, %squeeze3A_946, %gt3A_947 : i32
              %convert_element_type3A_949 = arith.extui %gt3A_948 : i1 to i32
              %cond3A_950 = arith.constant 0 : i32
              %cond3A_951 = arith.cmpi ne, %convert_element_type3A_949, %cond3A_950 : i32
              %cond3A_952 = scf.if %cond3A_951 -> (vector<16xf32>) {
                %masked_sort3A = arith.constant dense<true> : vector<16xi1>
                %masked_sort3A_953, %masked_sort3A_954, %masked_sort3A_955 = tpu.sort %get3A_939, %get3A_939 masked %masked_sort3A {descending = true} : (vector<16xf32>, vector<16xf32>, vector<16xi1>) -> (vector<16xi1>, vector<16xf32>, vector<16xf32>)
                %max3A_956 = arith.maximumf %scan3A_933, %masked_sort3A_954 : vector<16xf32>
                %masked_sort3A_957 = arith.constant dense<true> : vector<16xi1>
                %masked_sort3A_958, %masked_sort3A_959, %masked_sort3A_960 = tpu.sort %max3A_956, %max3A_956 masked %masked_sort3A_957 : (vector<16xf32>, vector<16xf32>, vector<16xi1>) -> (vector<16xi1>, vector<16xf32>, vector<16xf32>)
                scf.yield %masked_sort3A_959 : vector<16xf32>
              } else {
                scf.yield %scan3A_933 : vector<16xf32>
              }
              scf.yield %cond3A_952 : vector<16xf32>
            }
            %scan3A_929 = arith.constant 8 : i32
            %slice3A_930 = vector.extract_strided_slice %scan3A_928 {offsets = [0], sizes = [1], strides = [1]} : vector<16xf32> to vector<1xf32>
            %squeeze3A_931 = vector.extract %slice3A_930[0] : f32 from vector<1xf32>
            scf.yield %scan3A_928, %squeeze3A_931 : vector<16xf32>, f32
          } else {
            scf.yield %scan3A_874, %scan3A_875 : vector<16xf32>, f32
          }
          scf.yield %cond3A_923#0, %cond3A_923#1 : vector<16xf32>, f32
        }
        %scan3A_739 = arith.constant 11 : i32
        %swap3A = arith.index_cast %add3A_728 : i32 to index
        %swap3A_740 = arith.constant 0 : index
        %swap3A_741 = tpu.vector_load %arg8[%swap3A, %swap3A_740] {strides = array<i32>} : memref<32x16xf32, #tpu.memory_space<vmem>>, vector<16xf32>,
        tpu.vector_store %arg8[%swap3A, %swap3A_740], %scan3A_738#0 {strides = array<i32>} : memref<32x16xf32, #tpu.memory_space<vmem>>, vector<16xf32>,
        %iota3A = tpu.iota {dimensions = array<i32: 0>} : vector<16xi32>
        %eq3A_742 = arith.constant 0 : i32
        %eq3A_743 = vector.broadcast %eq3A_742 : i32 to vector<16xi32>
        %eq3A_744 = arith.cmpi eq, %iota3A, %eq3A_743 : vector<16xi32>
        %jit3A_745 = arith.constant 16 : i32
        %div3A_746 = arith.divsi %add3A_728, %jit3A_745 : i32
        %sign3A_747 = arith.constant 0 : i32
        %sign3A_748 = arith.cmpi sgt, %add3A_728, %sign3A_747 : i32
        %sign3A_749 = arith.extui %sign3A_748 : i1 to i32
        %sign3A_750 = arith.constant 0 : i32
        %sign3A_751 = arith.cmpi slt, %add3A_728, %sign3A_750 : i32
        %sign3A_752 = arith.extui %sign3A_751 : i1 to i32
        %sign3A_753 = arith.subi %sign3A_749, %sign3A_752 : i32
        %sign3A_754 = arith.constant 0 : i32
        %sign3A_755 = arith.cmpi sgt, %jit3A_745, %sign3A_754 : i32
        %sign3A_756 = arith.extui %sign3A_755 : i1 to i32
        %sign3A_757 = arith.constant 0 : i32
        %sign3A_758 = arith.cmpi slt, %jit3A_745, %sign3A_757 : i32
        %sign3A_759 = arith.extui %sign3A_758 : i1 to i32
        %sign3A_760 = arith.subi %sign3A_756, %sign3A_759 : i32
        %ne3A_761 = arith.cmpi ne, %sign3A_753, %sign3A_760 : i32
        %rem3A_762 = arith.remsi %add3A_728, %jit3A_745 : i32
        %ne3A_763 = arith.constant 0 : i32
        %ne3A_764 = arith.cmpi ne, %rem3A_762, %ne3A_763 : i32
        %and3A_765 = arith.andi %ne3A_761, %ne3A_764 : i1
        %sub3A_766 = arith.constant 1 : i32
        %sub3A_767 = arith.subi %div3A_746, %sub3A_766 : i32
        %select_n3A_768 = arith.select %and3A_765, %sub3A_767, %div3A_746 : i32
        %broadcast_in_dim3A_769 = vector.broadcast %select_n3A_768 : i32 to vector<16xi32>
        %get3A_770 = arith.constant 0 : index
        %get3A_771 = tpu.vector_load %arg6[%get3A_770] {strides = array<i32>} : memref<32xi32, #tpu.memory_space<vmem>>, vector<16xi32>,
        %get3A_772 = arith.constant 16 : index
        %get3A_773 = tpu.vector_load %arg6[%get3A_772] {strides = array<i32>} : memref<32xi32, #tpu.memory_space<vmem>>, vector<16xi32>,
        %eq3A_774 = arith.constant 0 : i32
        %eq3A_775 = vector.broadcast %eq3A_774 : i32 to vector<16xi32>
        %eq3A_776 = arith.cmpi eq, %broadcast_in_dim3A_769, %eq3A_775 : vector<16xi32>
        %select_n3A_777 = arith.select %eq3A_776, %get3A_771, %get3A_773 : vector<16xi1>, vector<16xi32>
        %jit3A_778 = arith.constant 16 : i32
        %eq3A_779 = arith.constant 0 : i32
        %eq3A_780 = arith.cmpi eq, %jit3A_778, %eq3A_779 : i32
        %jit3A_781 = arith.constant 1 : i32
        %select_n3A_782 = arith.select %eq3A_780, %jit3A_781, %jit3A_778 : i32
        %rem3A_783 = arith.remsi %add3A_728, %select_n3A_782 : i32
        %ne3A_784 = arith.constant 0 : i32
        %ne3A_785 = arith.cmpi ne, %rem3A_783, %ne3A_784 : i32
        %lt3A_786 = arith.constant 0 : i32
        %lt3A_787 = arith.cmpi slt, %rem3A_783, %lt3A_786 : i32
        %lt3A_788 = arith.constant 0 : i32
        %lt3A_789 = arith.cmpi slt, %select_n3A_782, %lt3A_788 : i32
        %ne3A_790 = arith.xori %lt3A_787, %lt3A_789 : i1
        %and3A_791 = arith.andi %ne3A_790, %ne3A_785 : i1
        %add3A_792 = arith.addi %rem3A_783, %select_n3A_782 : i32
        %select_n3A_793 = arith.select %and3A_791, %add3A_792, %rem3A_783 : i32
        %broadcast_in_dim3A_794 = vector.broadcast %select_n3A_793 : i32 to vector<16xi32>
        %lt3A_795 = arith.constant 0 : i32
        %lt3A_796 = vector.broadcast %lt3A_795 : i32 to vector<16xi32>
        %lt3A_797 = arith.cmpi slt, %broadcast_in_dim3A_794, %lt3A_796 : vector<16xi32>
        %add3A_798 = arith.constant 16 : i32
        %add3A_799 = vector.broadcast %add3A_798 : i32 to vector<16xi32>
        %add3A_800 = arith.addi %broadcast_in_dim3A_794, %add3A_799 : vector<16xi32>
        %select_n3A_801 = arith.select %lt3A_797, %add3A_800, %broadcast_in_dim3A_794 : vector<16xi1>, vector<16xi32>
        %broadcast_in_dim3A_802 = vector.shape_cast %select_n3A_801 : vector<16xi32> to vector<16x1xi32>
        %gather3A = vector.shape_cast %broadcast_in_dim3A_802 : vector<16x1xi32> to vector<16xi32>
        %gather3A_803 = tpu.dynamic_gather %select_n3A_777[%gather3A] in [0] : vector<16xi32>, vector<16xi32> -> vector<16xi32>
        %sub3A_804 = vector.broadcast %mul3A_718 : i32 to vector<16xi32>
        %sub3A_805 = arith.subi %gather3A_803, %sub3A_804 : vector<16xi32>
        %ge3A = arith.constant 0 : i32
        %ge3A_806 = vector.broadcast %ge3A : i32 to vector<16xi32>
        %ge3A_807 = arith.cmpi sge, %sub3A_805, %ge3A_806 : vector<16xi32>
        %lt3A_808 = arith.constant 1408 : i32
        %lt3A_809 = vector.broadcast %lt3A_808 : i32 to vector<16xi32>
        %lt3A_810 = arith.cmpi slt, %sub3A_805, %lt3A_809 : vector<16xi32>
        %and3A_811 = arith.andi %ge3A_807, %lt3A_810 : vector<16xi1>
        %jit3A_812 = arith.constant 0 : i32
        %jit3A_813 = arith.constant 1407 : i32
        %max3A = vector.broadcast %jit3A_812 : i32 to vector<16xi32>
        %max3A_814 = arith.maxsi %max3A, %sub3A_805 : vector<16xi32>
        %min3A = vector.broadcast %jit3A_813 : i32 to vector<16xi32>
        %min3A_815 = arith.minsi %min3A, %max3A_814 : vector<16xi32>
        %jit3A_816 = arith.constant 128 : i32
        %div3A_817 = vector.broadcast %jit3A_816 : i32 to vector<16xi32>
        %div3A_818 = arith.divsi %min3A_815, %div3A_817 : vector<16xi32>
        %sign3A_819 = arith.constant 0 : i32
        %sign3A_820 = vector.broadcast %sign3A_819 : i32 to vector<16xi32>
        %sign3A_821 = arith.cmpi sgt, %min3A_815, %sign3A_820 : vector<16xi32>
        %sign3A_822 = arith.extui %sign3A_821 : vector<16xi1> to vector<16xi32>
        %sign3A_823 = arith.constant 0 : i32
        %sign3A_824 = vector.broadcast %sign3A_823 : i32 to vector<16xi32>
        %sign3A_825 = arith.cmpi slt, %min3A_815, %sign3A_824 : vector<16xi32>
        %sign3A_826 = arith.extui %sign3A_825 : vector<16xi1> to vector<16xi32>
        %sign3A_827 = arith.subi %sign3A_822, %sign3A_826 : vector<16xi32>
        %sign3A_828 = arith.constant 0 : i32
        %sign3A_829 = arith.cmpi sgt, %jit3A_816, %sign3A_828 : i32
        %sign3A_830 = arith.extui %sign3A_829 : i1 to i32
        %sign3A_831 = arith.constant 0 : i32
        %sign3A_832 = arith.cmpi slt, %jit3A_816, %sign3A_831 : i32
        %sign3A_833 = arith.extui %sign3A_832 : i1 to i32
        %sign3A_834 = arith.subi %sign3A_830, %sign3A_833 : i32
        %ne3A_835 = vector.broadcast %sign3A_834 : i32 to vector<16xi32>
        %ne3A_836 = arith.cmpi ne, %sign3A_827, %ne3A_835 : vector<16xi32>
        %rem3A_837 = vector.broadcast %jit3A_816 : i32 to vector<16xi32>
        %rem3A_838 = arith.remsi %min3A_815, %rem3A_837 : vector<16xi32>
        %ne3A_839 = arith.constant 0 : i32
        %ne3A_840 = vector.broadcast %ne3A_839 : i32 to vector<16xi32>
        %ne3A_841 = arith.cmpi ne, %rem3A_838, %ne3A_840 : vector<16xi32>
        %and3A_842 = arith.andi %ne3A_836, %ne3A_841 : vector<16xi1>
        %sub3A_843 = arith.constant 1 : i32
        %sub3A_844 = vector.broadcast %sub3A_843 : i32 to vector<16xi32>
        %sub3A_845 = arith.subi %div3A_818, %sub3A_844 : vector<16xi32>
        %select_n3A_846 = arith.select %and3A_842, %sub3A_845, %div3A_818 : vector<16xi1>, vector<16xi32>
        %broadcast_in_dim3A_847 = vector.broadcast %scan3A_725 : i32 to vector<16xi32>
        %jit3A_848 = arith.constant 128 : i32
        %eq3A_849 = arith.constant 0 : i32
        %eq3A_850 = arith.cmpi eq, %jit3A_848, %eq3A_849 : i32
        %jit3A_851 = arith.constant 1 : i32
        %select_n3A_852 = arith.select %eq3A_850, %jit3A_851, %jit3A_848 : i32
        %rem3A_853 = vector.broadcast %select_n3A_852 : i32 to vector<16xi32>
        %rem3A_854 = arith.remsi %min3A_815, %rem3A_853 : vector<16xi32>
        %ne3A_855 = arith.constant 0 : i32
        %ne3A_856 = vector.broadcast %ne3A_855 : i32 to vector<16xi32>
        %ne3A_857 = arith.cmpi ne, %rem3A_854, %ne3A_856 : vector<16xi32>
        %lt3A_858 = arith.constant 0 : i32
        %lt3A_859 = vector.broadcast %lt3A_858 : i32 to vector<16xi32>
        %lt3A_860 = arith.cmpi slt, %rem3A_854, %lt3A_859 : vector<16xi32>
        %lt3A_861 = arith.constant 0 : i32
        %lt3A_862 = arith.cmpi slt, %select_n3A_852, %lt3A_861 : i32
        %ne3A_863 = vector.broadcast %lt3A_862 : i1 to vector<16xi1>
        %ne3A_864 = vector.broadcast %ne3A_863 : vector<16xi1> to vector<16xi1>
        %ne3A_865 = arith.xori %lt3A_860, %ne3A_864 : vector<16xi1>
        %and3A_866 = arith.andi %ne3A_865, %ne3A_857 : vector<16xi1>
        %add3A_867 = vector.broadcast %select_n3A_852 : i32 to vector<16xi32>
        %add3A_868 = arith.addi %rem3A_854, %add3A_867 : vector<16xi32>
        %select_n3A_869 = arith.select %and3A_866, %add3A_868, %rem3A_854 : vector<16xi1>, vector<16xi32>
        %gather3A_870 = tpu.vector_load_idx %arg10[%select_n3A_846, %broadcast_in_dim3A_847, %select_n3A_869] : memref<11x8x128xf32, #tpu.memory_space<vmem>>[vector<16xi32>, vector<16xi32>, vector<16xi32>], vector<16xf32>,
        %broadcast_in_dim3A_871 = vector.broadcast %add3A_728 : i32 to vector<16xi32>
        %and3A_872 = arith.andi %eq3A_744, %and3A_811 : vector<16xi1>
        tpu.vector_store_idx %arg7[%broadcast_in_dim3A_871], %gather3A_870 masked %and3A_872 : memref<32xf32, #tpu.memory_space<vmem>>[vector<16xi32>], vector<16xf32>, vector<16xi1>
      }
      %scan3A_724 = arith.constant 8 : i32
    }
    %scan3A_152 = arith.constant 142 : i32
    %scan3A_153 = arith.constant 0 : i32
    %scan3A_154 = arith.constant 0 : i32
    %scan3A_155 = arith.constant 4 : i32
    %scan3A_156 = arith.addi %scan3A_154, %scan3A_155 : i32
    %scan3A_157 = arith.constant 1 : i32
    scf.for %scan3A_159 = %scan3A_154 to %scan3A_156 step %scan3A_157  : i32 {
      %mul3A_160 = arith.constant 8 : i32
      %mul3A_161 = arith.muli %scan3A_159, %mul3A_160 : i32
      %add3A_162 = arith.addi %mul3A_2, %mul3A_161 : i32
      %dma_start3A_163 = arith.constant 99968 : i32
      %dma_start3A_164 = tpu.memref_slice %arg2[%add3A_162, %dma_start3A_163] : memref<1024x100000xf32, #tpu.memory_space<hbm>> -> memref<8x32xf32, #tpu.memory_space<hbm>>
      %dma_start3A_165 = arith.constant 99968 : i32
      %dma_start3A_166 = tpu.memref_slice %arg2[%add3A_162, %dma_start3A_165] : memref<1024x100000xf32, #tpu.memory_space<hbm>> -> memref<8x32xf32, #tpu.memory_space<hbm>>
      tpu.enqueue_dma source(%dma_start3A_166 : memref<8x32xf32, #tpu.memory_space<hbm>>) target(%arg11 : memref<8x32xf32, #tpu.memory_space<vmem>>) target_semaphore(%arg14 : memref<!tpu.dma_semaphore, #tpu.memory_space<semaphore_mem>>)
      %mul3A_167 = arith.constant 8 : i32
      %mul3A_168 = arith.muli %scan3A_159, %mul3A_167 : i32
      %add3A_169 = arith.addi %mul3A_2, %mul3A_168 : i32
      %dma_wait3A = arith.constant 99968 : i32
      %dma_wait3A_170 = tpu.memref_slice %arg2[%add3A_169, %dma_wait3A] : memref<1024x100000xf32, #tpu.memory_space<hbm>> -> memref<8x32xf32, #tpu.memory_space<hbm>>
      %dma_wait3A_171 = arith.constant 99968 : i32
      %dma_wait3A_172 = tpu.memref_slice %arg2[%add3A_169, %dma_wait3A_171] : memref<1024x100000xf32, #tpu.memory_space<hbm>> -> memref<8x32xf32, #tpu.memory_space<hbm>>
      tpu.wait_dma2 semaphore(%arg14 : memref<!tpu.dma_semaphore, #tpu.memory_space<semaphore_mem>>) src(%dma_wait3A_172 : memref<8x32xf32, #tpu.memory_space<hbm>>) dst(%arg11 : memref<8x32xf32, #tpu.memory_space<vmem>>)
      %mul3A_173 = arith.constant 8 : i32
      %mul3A_174 = arith.muli %scan3A_159, %mul3A_173 : i32
      %add3A_175 = arith.constant 0 : i32
      %add3A_176 = arith.addi %mul3A_174, %add3A_175 : i32
      %get3A = arith.index_cast %add3A_176 : i32 to index
      %get3A_177 = arith.constant 0 : index
      %get3A_178 = tpu.vector_load %arg8[%get3A, %get3A_177] {strides = array<i32>} : memref<32x16xf32, #tpu.memory_space<vmem>>, vector<16xf32>,
      %get3A_179 = arith.constant 0 : i32
      %get3A_180 = arith.index_cast %get3A_179 : i32 to index
      %get3A_181 = arith.constant 0 : index
      %get3A_182 = tpu.vector_load %arg11[%get3A_180, %get3A_181] {strides = array<i32>} : memref<8x32xf32, #tpu.memory_space<vmem>>, vector<16xf32>,
      %masked_sort3A = arith.constant dense<true> : vector<16xi1>
      %masked_sort3A_183, %masked_sort3A_184, %masked_sort3A_185 = tpu.sort %get3A_182, %get3A_182 masked %masked_sort3A {descending = true} : (vector<16xf32>, vector<16xf32>, vector<16xi1>) -> (vector<16xi1>, vector<16xf32>, vector<16xf32>)
      %max3A = arith.maximumf %get3A_178, %masked_sort3A_184 : vector<16xf32>
      %masked_sort3A_186 = arith.constant dense<true> : vector<16xi1>
      %masked_sort3A_187, %masked_sort3A_188, %masked_sort3A_189 = tpu.sort %max3A, %max3A masked %masked_sort3A_186 : (vector<16xf32>, vector<16xf32>, vector<16xi1>) -> (vector<16xi1>, vector<16xf32>, vector<16xf32>)
      %get3A_190 = arith.constant 0 : i32
      %get3A_191 = arith.index_cast %get3A_190 : i32 to index
      %get3A_192 = arith.constant 16 : index
      %get3A_193 = tpu.vector_load %arg11[%get3A_191, %get3A_192] {strides = array<i32>} : memref<8x32xf32, #tpu.memory_space<vmem>>, vector<16xf32>,
      %masked_sort3A_194 = arith.constant dense<true> : vector<16xi1>
      %masked_sort3A_195, %masked_sort3A_196, %masked_sort3A_197 = tpu.sort %get3A_193, %get3A_193 masked %masked_sort3A_194 {descending = true} : (vector<16xf32>, vector<16xf32>, vector<16xi1>) -> (vector<16xi1>, vector<16xf32>, vector<16xf32>)
      %max3A_198 = arith.maximumf %masked_sort3A_188, %masked_sort3A_196 : vector<16xf32>
      %masked_sort3A_199 = arith.constant dense<true> : vector<16xi1>
      %masked_sort3A_200, %masked_sort3A_201, %masked_sort3A_202 = tpu.sort %max3A_198, %max3A_198 masked %masked_sort3A_199 : (vector<16xf32>, vector<16xf32>, vector<16xi1>) -> (vector<16xi1>, vector<16xf32>, vector<16xf32>)
      %swap3A = arith.index_cast %add3A_176 : i32 to index
      %swap3A_203 = arith.constant 0 : index
      %swap3A_204 = tpu.vector_load %arg8[%swap3A, %swap3A_203] {strides = array<i32>} : memref<32x16xf32, #tpu.memory_space<vmem>>, vector<16xf32>,
      tpu.vector_store %arg8[%swap3A, %swap3A_203], %masked_sort3A_201 {strides = array<i32>} : memref<32x16xf32, #tpu.memory_space<vmem>>, vector<16xf32>,
      %iota3A = tpu.iota {dimensions = array<i32: 0>} : vector<16xi32>
      %eq3A = arith.constant 0 : i32
      %eq3A_205 = vector.broadcast %eq3A : i32 to vector<16xi32>
      %eq3A_206 = arith.cmpi eq, %iota3A, %eq3A_205 : vector<16xi32>
      %jit3A = arith.constant 16 : i32
      %div3A = arith.divsi %add3A_176, %jit3A : i32
      %sign3A = arith.constant 0 : i32
      %sign3A_207 = arith.cmpi sgt, %add3A_176, %sign3A : i32
      %sign3A_208 = arith.extui %sign3A_207 : i1 to i32
      %sign3A_209 = arith.constant 0 : i32
      %sign3A_210 = arith.cmpi slt, %add3A_176, %sign3A_209 : i32
      %sign3A_211 = arith.extui %sign3A_210 : i1 to i32
      %sign3A_212 = arith.subi %sign3A_208, %sign3A_211 : i32
      %sign3A_213 = arith.constant 0 : i32
      %sign3A_214 = arith.cmpi sgt, %jit3A, %sign3A_213 : i32
      %sign3A_215 = arith.extui %sign3A_214 : i1 to i32
      %sign3A_216 = arith.constant 0 : i32
      %sign3A_217 = arith.cmpi slt, %jit3A, %sign3A_216 : i32
      %sign3A_218 = arith.extui %sign3A_217 : i1 to i32
      %sign3A_219 = arith.subi %sign3A_215, %sign3A_218 : i32
      %ne3A = arith.cmpi ne, %sign3A_212, %sign3A_219 : i32
      %rem3A = arith.remsi %add3A_176, %jit3A : i32
      %ne3A_220 = arith.constant 0 : i32
      %ne3A_221 = arith.cmpi ne, %rem3A, %ne3A_220 : i32
      %and3A = arith.andi %ne3A, %ne3A_221 : i1
      %sub3A = arith.constant 1 : i32
      %sub3A_222 = arith.subi %div3A, %sub3A : i32
      %select_n3A = arith.select %and3A, %sub3A_222, %div3A : i32
      %broadcast_in_dim3A_223 = vector.broadcast %select_n3A : i32 to vector<16xi32>
      %get3A_224 = arith.constant 0 : index
      %get3A_225 = tpu.vector_load %arg6[%get3A_224] {strides = array<i32>} : memref<32xi32, #tpu.memory_space<vmem>>, vector<16xi32>,
      %get3A_226 = arith.constant 16 : index
      %get3A_227 = tpu.vector_load %arg6[%get3A_226] {strides = array<i32>} : memref<32xi32, #tpu.memory_space<vmem>>, vector<16xi32>,
      %eq3A_228 = arith.constant 0 : i32
      %eq3A_229 = vector.broadcast %eq3A_228 : i32 to vector<16xi32>
      %eq3A_230 = arith.cmpi eq, %broadcast_in_dim3A_223, %eq3A_229 : vector<16xi32>
      %select_n3A_231 = arith.select %eq3A_230, %get3A_225, %get3A_227 : vector<16xi1>, vector<16xi32>
      %jit3A_232 = arith.constant 16 : i32
      %eq3A_233 = arith.constant 0 : i32
      %eq3A_234 = arith.cmpi eq, %jit3A_232, %eq3A_233 : i32
      %jit3A_235 = arith.constant 1 : i32
      %select_n3A_236 = arith.select %eq3A_234, %jit3A_235, %jit3A_232 : i32
      %rem3A_237 = arith.remsi %add3A_176, %select_n3A_236 : i32
      %ne3A_238 = arith.constant 0 : i32
      %ne3A_239 = arith.cmpi ne, %rem3A_237, %ne3A_238 : i32
      %lt3A = arith.constant 0 : i32
      %lt3A_240 = arith.cmpi slt, %rem3A_237, %lt3A : i32
      %lt3A_241 = arith.constant 0 : i32
      %lt3A_242 = arith.cmpi slt, %select_n3A_236, %lt3A_241 : i32
      %ne3A_243 = arith.xori %lt3A_240, %lt3A_242 : i1
      %and3A_244 = arith.andi %ne3A_243, %ne3A_239 : i1
      %add3A_245 = arith.addi %rem3A_237, %select_n3A_236 : i32
      %select_n3A_246 = arith.select %and3A_244, %add3A_245, %rem3A_237 : i32
      %broadcast_in_dim3A_247 = vector.broadcast %select_n3A_246 : i32 to vector<16xi32>
      %lt3A_248 = arith.constant 0 : i32
      %lt3A_249 = vector.broadcast %lt3A_248 : i32 to vector<16xi32>
      %lt3A_250 = arith.cmpi slt, %broadcast_in_dim3A_247, %lt3A_249 : vector<16xi32>
      %add3A_251 = arith.constant 16 : i32
      %add3A_252 = vector.broadcast %add3A_251 : i32 to vector<16xi32>
      %add3A_253 = arith.addi %broadcast_in_dim3A_247, %add3A_252 : vector<16xi32>
      %select_n3A_254 = arith.select %lt3A_250, %add3A_253, %broadcast_in_dim3A_247 : vector<16xi1>, vector<16xi32>
      %broadcast_in_dim3A_255 = vector.shape_cast %select_n3A_254 : vector<16xi32> to vector<16x1xi32>
      %gather3A = vector.shape_cast %broadcast_in_dim3A_255 : vector<16x1xi32> to vector<16xi32>
      %gather3A_256 = tpu.dynamic_gather %select_n3A_231[%gather3A] in [0] : vector<16xi32>, vector<16xi32> -> vector<16xi32>
      %sub3A_257 = arith.constant 99968 : i32
      %sub3A_258 = vector.broadcast %sub3A_257 : i32 to vector<16xi32>
      %sub3A_259 = arith.subi %gather3A_256, %sub3A_258 : vector<16xi32>
      %ge3A = arith.constant 0 : i32
      %ge3A_260 = vector.broadcast %ge3A : i32 to vector<16xi32>
      %ge3A_261 = arith.cmpi sge, %sub3A_259, %ge3A_260 : vector<16xi32>
      %lt3A_262 = arith.constant 32 : i32
      %lt3A_263 = vector.broadcast %lt3A_262 : i32 to vector<16xi32>
      %lt3A_264 = arith.cmpi slt, %sub3A_259, %lt3A_263 : vector<16xi32>
      %and3A_265 = arith.andi %ge3A_261, %lt3A_264 : vector<16xi1>
      %jit3A_266 = arith.constant 0 : i32
      %jit3A_267 = arith.constant 31 : i32
      %max3A_268 = vector.broadcast %jit3A_266 : i32 to vector<16xi32>
      %max3A_269 = arith.maxsi %max3A_268, %sub3A_259 : vector<16xi32>
      %min3A = vector.broadcast %jit3A_267 : i32 to vector<16xi32>
      %min3A_270 = arith.minsi %min3A, %max3A_269 : vector<16xi32>
      %broadcast_in_dim3A_271 = arith.constant 0 : i32
      %broadcast_in_dim3A_272 = vector.broadcast %broadcast_in_dim3A_271 : i32 to vector<16xi32>
      %gather3A_273 = tpu.vector_load_idx %arg11[%broadcast_in_dim3A_272, %min3A_270] : memref<8x32xf32, #tpu.memory_space<vmem>>[vector<16xi32>, vector<16xi32>], vector<16xf32>,
      %broadcast_in_dim3A_274 = vector.broadcast %add3A_176 : i32 to vector<16xi32>
      %and3A_275 = arith.andi %eq3A_206, %and3A_265 : vector<16xi1>
      tpu.vector_store_idx %arg7[%broadcast_in_dim3A_274], %gather3A_273 masked %and3A_275 : memref<32xf32, #tpu.memory_space<vmem>>[vector<16xi32>], vector<16xf32>, vector<16xi1>
      %mul3A_276 = arith.constant 8 : i32
      %mul3A_277 = arith.muli %scan3A_159, %mul3A_276 : i32
      %add3A_278 = arith.constant 1 : i32
      %add3A_279 = arith.addi %mul3A_277, %add3A_278 : i32
      %get3A_280 = arith.index_cast %add3A_279 : i32 to index
      %get3A_281 = arith.constant 0 : index
      %get3A_282 = tpu.vector_load %arg8[%get3A_280, %get3A_281] {strides = array<i32>} : memref<32x16xf32, #tpu.memory_space<vmem>>, vector<16xf32>,
      %get3A_283 = arith.constant 1 : i32
      %get3A_284 = arith.index_cast %get3A_283 : i32 to index
      %get3A_285 = arith.constant 0 : index
      %get3A_286 = tpu.vector_load %arg11[%get3A_284, %get3A_285] {strides = array<i32>} : memref<8x32xf32, #tpu.memory_space<vmem>>, vector<16xf32>,
      %masked_sort3A_287 = arith.constant dense<true> : vector<16xi1>
      %masked_sort3A_288, %masked_sort3A_289, %masked_sort3A_290 = tpu.sort %get3A_286, %get3A_286 masked %masked_sort3A_287 {descending = true} : (vector<16xf32>, vector<16xf32>, vector<16xi1>) -> (vector<16xi1>, vector<16xf32>, vector<16xf32>)
      %max3A_291 = arith.maximumf %get3A_282, %masked_sort3A_289 : vector<16xf32>
      %masked_sort3A_292 = arith.constant dense<true> : vector<16xi1>
      %masked_sort3A_293, %masked_sort3A_294, %masked_sort3A_295 = tpu.sort %max3A_291, %max3A_291 masked %masked_sort3A_292 : (vector<16xf32>, vector<16xf32>, vector<16xi1>) -> (vector<16xi1>, vector<16xf32>, vector<16xf32>)
      %get3A_296 = arith.constant 1 : i32
      %get3A_297 = arith.index_cast %get3A_296 : i32 to index
      %get3A_298 = arith.constant 16 : index
      %get3A_299 = tpu.vector_load %arg11[%get3A_297, %get3A_298] {strides = array<i32>} : memref<8x32xf32, #tpu.memory_space<vmem>>, vector<16xf32>,
      %masked_sort3A_300 = arith.constant dense<true> : vector<16xi1>
      %masked_sort3A_301, %masked_sort3A_302, %masked_sort3A_303 = tpu.sort %get3A_299, %get3A_299 masked %masked_sort3A_300 {descending = true} : (vector<16xf32>, vector<16xf32>, vector<16xi1>) -> (vector<16xi1>, vector<16xf32>, vector<16xf32>)
      %max3A_304 = arith.maximumf %masked_sort3A_294, %masked_sort3A_302 : vector<16xf32>
      %masked_sort3A_305 = arith.constant dense<true> : vector<16xi1>
      %masked_sort3A_306, %masked_sort3A_307, %masked_sort3A_308 = tpu.sort %max3A_304, %max3A_304 masked %masked_sort3A_305 : (vector<16xf32>, vector<16xf32>, vector<16xi1>) -> (vector<16xi1>, vector<16xf32>, vector<16xf32>)
      %swap3A_309 = arith.index_cast %add3A_279 : i32 to index
      %swap3A_310 = arith.constant 0 : index
      %swap3A_311 = tpu.vector_load %arg8[%swap3A_309, %swap3A_310] {strides = array<i32>} : memref<32x16xf32, #tpu.memory_space<vmem>>, vector<16xf32>,
      tpu.vector_store %arg8[%swap3A_309, %swap3A_310], %masked_sort3A_307 {strides = array<i32>} : memref<32x16xf32, #tpu.memory_space<vmem>>, vector<16xf32>,
      %iota3A_312 = tpu.iota {dimensions = array<i32: 0>} : vector<16xi32>
      %eq3A_313 = arith.constant 0 : i32
      %eq3A_314 = vector.broadcast %eq3A_313 : i32 to vector<16xi32>
      %eq3A_315 = arith.cmpi eq, %iota3A_312, %eq3A_314 : vector<16xi32>
      %jit3A_316 = arith.constant 16 : i32
      %div3A_317 = arith.divsi %add3A_279, %jit3A_316 : i32
      %sign3A_318 = arith.constant 0 : i32
      %sign3A_319 = arith.cmpi sgt, %add3A_279, %sign3A_318 : i32
      %sign3A_320 = arith.extui %sign3A_319 : i1 to i32
      %sign3A_321 = arith.constant 0 : i32
      %sign3A_322 = arith.cmpi slt, %add3A_279, %sign3A_321 : i32
      %sign3A_323 = arith.extui %sign3A_322 : i1 to i32
      %sign3A_324 = arith.subi %sign3A_320, %sign3A_323 : i32
      %sign3A_325 = arith.constant 0 : i32
      %sign3A_326 = arith.cmpi sgt, %jit3A_316, %sign3A_325 : i32
      %sign3A_327 = arith.extui %sign3A_326 : i1 to i32
      %sign3A_328 = arith.constant 0 : i32
      %sign3A_329 = arith.cmpi slt, %jit3A_316, %sign3A_328 : i32
      %sign3A_330 = arith.extui %sign3A_329 : i1 to i32
      %sign3A_331 = arith.subi %sign3A_327, %sign3A_330 : i32
      %ne3A_332 = arith.cmpi ne, %sign3A_324, %sign3A_331 : i32
      %rem3A_333 = arith.remsi %add3A_279, %jit3A_316 : i32
      %ne3A_334 = arith.constant 0 : i32
      %ne3A_335 = arith.cmpi ne, %rem3A_333, %ne3A_334 : i32
      %and3A_336 = arith.andi %ne3A_332, %ne3A_335 : i1
      %sub3A_337 = arith.constant 1 : i32
      %sub3A_338 = arith.subi %div3A_317, %sub3A_337 : i32
      %select_n3A_339 = arith.select %and3A_336, %sub3A_338, %div3A_317 : i32
      %broadcast_in_dim3A_340 = vector.broadcast %select_n3A_339 : i32 to vector<16xi32>
      %get3A_341 = arith.constant 0 : index
      %get3A_342 = tpu.vector_load %arg6[%get3A_341] {strides = array<i32>} : memref<32xi32, #tpu.memory_space<vmem>>, vector<16xi32>,
      %get3A_343 = arith.constant 16 : index
      %get3A_344 = tpu.vector_load %arg6[%get3A_343] {strides = array<i32>} : memref<32xi32, #tpu.memory_space<vmem>>, vector<16xi32>,
      %eq3A_345 = arith.constant 0 : i32
      %eq3A_346 = vector.broadcast %eq3A_345 : i32 to vector<16xi32>
      %eq3A_347 = arith.cmpi eq, %broadcast_in_dim3A_340, %eq3A_346 : vector<16xi32>
      %select_n3A_348 = arith.select %eq3A_347, %get3A_342, %get3A_344 : vector<16xi1>, vector<16xi32>
      %jit3A_349 = arith.constant 16 : i32
      %eq3A_350 = arith.constant 0 : i32
      %eq3A_351 = arith.cmpi eq, %jit3A_349, %eq3A_350 : i32
      %jit3A_352 = arith.constant 1 : i32
      %select_n3A_353 = arith.select %eq3A_351, %jit3A_352, %jit3A_349 : i32
      %rem3A_354 = arith.remsi %add3A_279, %select_n3A_353 : i32
      %ne3A_355 = arith.constant 0 : i32
      %ne3A_356 = arith.cmpi ne, %rem3A_354, %ne3A_355 : i32
      %lt3A_357 = arith.constant 0 : i32
      %lt3A_358 = arith.cmpi slt, %rem3A_354, %lt3A_357 : i32
      %lt3A_359 = arith.constant 0 : i32
      %lt3A_360 = arith.cmpi slt, %select_n3A_353, %lt3A_359 : i32
      %ne3A_361 = arith.xori %lt3A_358, %lt3A_360 : i1
      %and3A_362 = arith.andi %ne3A_361, %ne3A_356 : i1
      %add3A_363 = arith.addi %rem3A_354, %select_n3A_353 : i32
      %select_n3A_364 = arith.select %and3A_362, %add3A_363, %rem3A_354 : i32
      %broadcast_in_dim3A_365 = vector.broadcast %select_n3A_364 : i32 to vector<16xi32>
      %lt3A_366 = arith.constant 0 : i32
      %lt3A_367 = vector.broadcast %lt3A_366 : i32 to vector<16xi32>
      %lt3A_368 = arith.cmpi slt, %broadcast_in_dim3A_365, %lt3A_367 : vector<16xi32>
      %add3A_369 = arith.constant 16 : i32
      %add3A_370 = vector.broadcast %add3A_369 : i32 to vector<16xi32>
      %add3A_371 = arith.addi %broadcast_in_dim3A_365, %add3A_370 : vector<16xi32>
      %select_n3A_372 = arith.select %lt3A_368, %add3A_371, %broadcast_in_dim3A_365 : vector<16xi1>, vector<16xi32>
      %broadcast_in_dim3A_373 = vector.shape_cast %select_n3A_372 : vector<16xi32> to vector<16x1xi32>
      %gather3A_374 = vector.shape_cast %broadcast_in_dim3A_373 : vector<16x1xi32> to vector<16xi32>
      %gather3A_375 = tpu.dynamic_gather %select_n3A_348[%gather3A_374] in [0] : vector<16xi32>, vector<16xi32> -> vector<16xi32>
      %sub3A_376 = arith.constant 99968 : i32
      %sub3A_377 = vector.broadcast %sub3A_376 : i32 to vector<16xi32>
      %sub3A_378 = arith.subi %gather3A_375, %sub3A_377 : vector<16xi32>
      %ge3A_379 = arith.constant 0 : i32
      %ge3A_380 = vector.broadcast %ge3A_379 : i32 to vector<16xi32>
      %ge3A_381 = arith.cmpi sge, %sub3A_378, %ge3A_380 : vector<16xi32>
      %lt3A_382 = arith.constant 32 : i32
      %lt3A_383 = vector.broadcast %lt3A_382 : i32 to vector<16xi32>
      %lt3A_384 = arith.cmpi slt, %sub3A_378, %lt3A_383 : vector<16xi32>
      %and3A_385 = arith.andi %ge3A_381, %lt3A_384 : vector<16xi1>
      %jit3A_386 = arith.constant 0 : i32
      %jit3A_387 = arith.constant 31 : i32
      %max3A_388 = vector.broadcast %jit3A_386 : i32 to vector<16xi32>
      %max3A_389 = arith.maxsi %max3A_388, %sub3A_378 : vector<16xi32>
      %min3A_390 = vector.broadcast %jit3A_387 : i32 to vector<16xi32>
      %min3A_391 = arith.minsi %min3A_390, %max3A_389 : vector<16xi32>
      %broadcast_in_dim3A_392 = arith.constant 1 : i32
      %broadcast_in_dim3A_393 = vector.broadcast %broadcast_in_dim3A_392 : i32 to vector<16xi32>
      %gather3A_394 = tpu.vector_load_idx %arg11[%broadcast_in_dim3A_393, %min3A_391] : memref<8x32xf32, #tpu.memory_space<vmem>>[vector<16xi32>, vector<16xi32>], vector<16xf32>,
      %broadcast_in_dim3A_395 = vector.broadcast %add3A_279 : i32 to vector<16xi32>
      %and3A_396 = arith.andi %eq3A_315, %and3A_385 : vector<16xi1>
      tpu.vector_store_idx %arg7[%broadcast_in_dim3A_395], %gather3A_394 masked %and3A_396 : memref<32xf32, #tpu.memory_space<vmem>>[vector<16xi32>], vector<16xf32>, vector<16xi1>
      %mul3A_397 = arith.constant 8 : i32
      %mul3A_398 = arith.muli %scan3A_159, %mul3A_397 : i32
      %add3A_399 = arith.constant 2 : i32
      %add3A_400 = arith.addi %mul3A_398, %add3A_399 : i32
      %get3A_401 = arith.index_cast %add3A_400 : i32 to index
      %get3A_402 = arith.constant 0 : index
      %get3A_403 = tpu.vector_load %arg8[%get3A_401, %get3A_402] {strides = array<i32>} : memref<32x16xf32, #tpu.memory_space<vmem>>, vector<16xf32>,
      %get3A_404 = arith.constant 2 : i32
      %get3A_405 = arith.index_cast %get3A_404 : i32 to index
      %get3A_406 = arith.constant 0 : index
      %get3A_407 = tpu.vector_load %arg11[%get3A_405, %get3A_406] {strides = array<i32>} : memref<8x32xf32, #tpu.memory_space<vmem>>, vector<16xf32>,
      %masked_sort3A_408 = arith.constant dense<true> : vector<16xi1>
      %masked_sort3A_409, %masked_sort3A_410, %masked_sort3A_411 = tpu.sort %get3A_407, %get3A_407 masked %masked_sort3A_408 {descending = true} : (vector<16xf32>, vector<16xf32>, vector<16xi1>) -> (vector<16xi1>, vector<16xf32>, vector<16xf32>)
      %max3A_412 = arith.maximumf %get3A_403, %masked_sort3A_410 : vector<16xf32>
      %masked_sort3A_413 = arith.constant dense<true> : vector<16xi1>
      %masked_sort3A_414, %masked_sort3A_415, %masked_sort3A_416 = tpu.sort %max3A_412, %max3A_412 masked %masked_sort3A_413 : (vector<16xf32>, vector<16xf32>, vector<16xi1>) -> (vector<16xi1>, vector<16xf32>, vector<16xf32>)
      %get3A_417 = arith.constant 2 : i32
      %get3A_418 = arith.index_cast %get3A_417 : i32 to index
      %get3A_419 = arith.constant 16 : index
      %get3A_420 = tpu.vector_load %arg11[%get3A_418, %get3A_419] {strides = array<i32>} : memref<8x32xf32, #tpu.memory_space<vmem>>, vector<16xf32>,
      %masked_sort3A_421 = arith.constant dense<true> : vector<16xi1>
      %masked_sort3A_422, %masked_sort3A_423, %masked_sort3A_424 = tpu.sort %get3A_420, %get3A_420 masked %masked_sort3A_421 {descending = true} : (vector<16xf32>, vector<16xf32>, vector<16xi1>) -> (vector<16xi1>, vector<16xf32>, vector<16xf32>)
      %max3A_425 = arith.maximumf %masked_sort3A_415, %masked_sort3A_423 : vector<16xf32>
      %masked_sort3A_426 = arith.constant dense<true> : vector<16xi1>
      %masked_sort3A_427, %masked_sort3A_428, %masked_sort3A_429 = tpu.sort %max3A_425, %max3A_425 masked %masked_sort3A_426 : (vector<16xf32>, vector<16xf32>, vector<16xi1>) -> (vector<16xi1>, vector<16xf32>, vector<16xf32>)
      %swap3A_430 = arith.index_cast %add3A_400 : i32 to index
      %swap3A_431 = arith.constant 0 : index
      %swap3A_432 = tpu.vector_load %arg8[%swap3A_430, %swap3A_431] {strides = array<i32>} : memref<32x16xf32, #tpu.memory_space<vmem>>, vector<16xf32>,
      tpu.vector_store %arg8[%swap3A_430, %swap3A_431], %masked_sort3A_428 {strides = array<i32>} : memref<32x16xf32, #tpu.memory_space<vmem>>, vector<16xf32>,
      %iota3A_433 = tpu.iota {dimensions = array<i32: 0>} : vector<16xi32>
      %eq3A_434 = arith.constant 0 : i32
      %eq3A_435 = vector.broadcast %eq3A_434 : i32 to vector<16xi32>
      %eq3A_436 = arith.cmpi eq, %iota3A_433, %eq3A_435 : vector<16xi32>
      %jit3A_437 = arith.constant 16 : i32
      %div3A_438 = arith.divsi %add3A_400, %jit3A_437 : i32
      %sign3A_439 = arith.constant 0 : i32
      %sign3A_440 = arith.cmpi sgt, %add3A_400, %sign3A_439 : i32
      %sign3A_441 = arith.extui %sign3A_440 : i1 to i32
      %sign3A_442 = arith.constant 0 : i32
      %sign3A_443 = arith.cmpi slt, %add3A_400, %sign3A_442 : i32
      %sign3A_444 = arith.extui %sign3A_443 : i1 to i32
      %sign3A_445 = arith.subi %sign3A_441, %sign3A_444 : i32
      %sign3A_446 = arith.constant 0 : i32
      %sign3A_447 = arith.cmpi sgt, %jit3A_437, %sign3A_446 : i32
      %sign3A_448 = arith.extui %sign3A_447 : i1 to i32
      %sign3A_449 = arith.constant 0 : i32
      %sign3A_450 = arith.cmpi slt, %jit3A_437, %sign3A_449 : i32
      %sign3A_451 = arith.extui %sign3A_450 : i1 to i32
      %sign3A_452 = arith.subi %sign3A_448, %sign3A_451 : i32
      %ne3A_453 = arith.cmpi ne, %sign3A_445, %sign3A_452 : i32
      %rem3A_454 = arith.remsi %add3A_400, %jit3A_437 : i32
      %ne3A_455 = arith.constant 0 : i32
      %ne3A_456 = arith.cmpi ne, %rem3A_454, %ne3A_455 : i32
      %and3A_457 = arith.andi %ne3A_453, %ne3A_456 : i1
      %sub3A_458 = arith.constant 1 : i32
      %sub3A_459 = arith.subi %div3A_438, %sub3A_458 : i32
      %select_n3A_460 = arith.select %and3A_457, %sub3A_459, %div3A_438 : i32
      %broadcast_in_dim3A_461 = vector.broadcast %select_n3A_460 : i32 to vector<16xi32>
      %get3A_462 = arith.constant 0 : index
      %get3A_463 = tpu.vector_load %arg6[%get3A_462] {strides = array<i32>} : memref<32xi32, #tpu.memory_space<vmem>>, vector<16xi32>,
      %get3A_464 = arith.constant 16 : index
      %get3A_465 = tpu.vector_load %arg6[%get3A_464] {strides = array<i32>} : memref<32xi32, #tpu.memory_space<vmem>>, vector<16xi32>,
      %eq3A_466 = arith.constant 0 : i32
      %eq3A_467 = vector.broadcast %eq3A_466 : i32 to vector<16xi32>
      %eq3A_468 = arith.cmpi eq, %broadcast_in_dim3A_461, %eq3A_467 : vector<16xi32>
      %select_n3A_469 = arith.select %eq3A_468, %get3A_463, %get3A_465 : vector<16xi1>, vector<16xi32>
      %jit3A_470 = arith.constant 16 : i32
      %eq3A_471 = arith.constant 0 : i32
      %eq3A_472 = arith.cmpi eq, %jit3A_470, %eq3A_471 : i32
      %jit3A_473 = arith.constant 1 : i32
      %select_n3A_474 = arith.select %eq3A_472, %jit3A_473, %jit3A_470 : i32
      %rem3A_475 = arith.remsi %add3A_400, %select_n3A_474 : i32
      %ne3A_476 = arith.constant 0 : i32
      %ne3A_477 = arith.cmpi ne, %rem3A_475, %ne3A_476 : i32
      %lt3A_478 = arith.constant 0 : i32
      %lt3A_479 = arith.cmpi slt, %rem3A_475, %lt3A_478 : i32
      %lt3A_480 = arith.constant 0 : i32
      %lt3A_481 = arith.cmpi slt, %select_n3A_474, %lt3A_480 : i32
      %ne3A_482 = arith.xori %lt3A_479, %lt3A_481 : i1
      %and3A_483 = arith.andi %ne3A_482, %ne3A_477 : i1
      %add3A_484 = arith.addi %rem3A_475, %select_n3A_474 : i32
      %select_n3A_485 = arith.select %and3A_483, %add3A_484, %rem3A_475 : i32
      %broadcast_in_dim3A_486 = vector.broadcast %select_n3A_485 : i32 to vector<16xi32>
      %lt3A_487 = arith.constant 0 : i32
      %lt3A_488 = vector.broadcast %lt3A_487 : i32 to vector<16xi32>
      %lt3A_489 = arith.cmpi slt, %broadcast_in_dim3A_486, %lt3A_488 : vector<16xi32>
      %add3A_490 = arith.constant 16 : i32
      %add3A_491 = vector.broadcast %add3A_490 : i32 to vector<16xi32>
      %add3A_492 = arith.addi %broadcast_in_dim3A_486, %add3A_491 : vector<16xi32>
      %select_n3A_493 = arith.select %lt3A_489, %add3A_492, %broadcast_in_dim3A_486 : vector<16xi1>, vector<16xi32>
      %broadcast_in_dim3A_494 = vector.shape_cast %select_n3A_493 : vector<16xi32> to vector<16x1xi32>
      %gather3A_495 = vector.shape_cast %broadcast_in_dim3A_494 : vector<16x1xi32> to vector<16xi32>
      %gather3A_496 = tpu.dynamic_gather %select_n3A_469[%gather3A_495] in [0] : vector<16xi32>, vector<16xi32> -> vector<16xi32>
      %sub3A_497 = arith.constant 99968 : i32
      %sub3A_498 = vector.broadcast %sub3A_497 : i32 to vector<16xi32>
      %sub3A_499 = arith.subi %gather3A_496, %sub3A_498 : vector<16xi32>
      %ge3A_500 = arith.constant 0 : i32
      %ge3A_501 = vector.broadcast %ge3A_500 : i32 to vector<16xi32>
      %ge3A_502 = arith.cmpi sge, %sub3A_499, %ge3A_501 : vector<16xi32>
      %lt3A_503 = arith.constant 32 : i32
      %lt3A_504 = vector.broadcast %lt3A_503 : i32 to vector<16xi32>
      %lt3A_505 = arith.cmpi slt, %sub3A_499, %lt3A_504 : vector<16xi32>
      %and3A_506 = arith.andi %ge3A_502, %lt3A_505 : vector<16xi1>
      %jit3A_507 = arith.constant 0 : i32
      %jit3A_508 = arith.constant 31 : i32
      %max3A_509 = vector.broadcast %jit3A_507 : i32 to vector<16xi32>
      %max3A_510 = arith.maxsi %max3A_509, %sub3A_499 : vector<16xi32>
      %min3A_511 = vector.broadcast %jit3A_508 : i32 to vector<16xi32>
      %min3A_512 = arith.minsi %min3A_511, %max3A_510 : vector<16xi32>
      %broadcast_in_dim3A_513 = arith.constant 2 : i32
      %broadcast_in_dim3A_514 = vector.broadcast %broadcast_in_dim3A_513 : i32 to vector<16xi32>
      %gather3A_515 = tpu.vector_load_idx %arg11[%broadcast_in_dim3A_514, %min3A_512] : memref<8x32xf32, #tpu.memory_space<vmem>>[vector<16xi32>, vector<16xi32>], vector<16xf32>,
      %broadcast_in_dim3A_516 = vector.broadcast %add3A_400 : i32 to vector<16xi32>
      %and3A_517 = arith.andi %eq3A_436, %and3A_506 : vector<16xi1>
      tpu.vector_store_idx %arg7[%broadcast_in_dim3A_516], %gather3A_515 masked %and3A_517 : memref<32xf32, #tpu.memory_space<vmem>>[vector<16xi32>], vector<16xf32>, vector<16xi1>
      %mul3A_518 = arith.constant 8 : i32
      %mul3A_519 = arith.muli %scan3A_159, %mul3A_518 : i32
      %add3A_520 = arith.constant 3 : i32
      %add3A_521 = arith.addi %mul3A_519, %add3A_520 : i32
      %get3A_522 = arith.index_cast %add3A_521 : i32 to index
      %get3A_523 = arith.constant 0 : index
      %get3A_524 = tpu.vector_load %arg8[%get3A_522, %get3A_523] {strides = array<i32>} : memref<32x16xf32, #tpu.memory_space<vmem>>, vector<16xf32>,
      %get3A_525 = arith.constant 3 : i32
      %get3A_526 = arith.index_cast %get3A_525 : i32 to index
      %get3A_527 = arith.constant 0 : index
      %get3A_528 = tpu.vector_load %arg11[%get3A_526, %get3A_527] {strides = array<i32>} : memref<8x32xf32, #tpu.memory_space<vmem>>, vector<16xf32>,
      %masked_sort3A_529 = arith.constant dense<true> : vector<16xi1>
      %masked_sort3A_530, %masked_sort3A_531, %masked_sort3A_532 = tpu.sort %get3A_528, %get3A_528 masked %masked_sort3A_529 {descending = true} : (vector<16xf32>, vector<16xf32>, vector<16xi1>) -> (vector<16xi1>, vector<16xf32>, vector<16xf32>)
      %max3A_533 = arith.maximumf %get3A_524, %masked_sort3A_531 : vector<16xf32>
      %masked_sort3A_534 = arith.constant dense<true> : vector<16xi1>
      %masked_sort3A_535, %masked_sort3A_536, %masked_sort3A_537 = tpu.sort %max3A_533, %max3A_533 masked %masked_sort3A_534 : (vector<16xf32>, vector<16xf32>, vector<16xi1>) -> (vector<16xi1>, vector<16xf32>, vector<16xf32>)
      %get3A_538 = arith.constant 3 : i32
      %get3A_539 = arith.index_cast %get3A_538 : i32 to index
      %get3A_540 = arith.constant 16 : index
      %get3A_541 = tpu.vector_load %arg11[%get3A_539, %get3A_540] {strides = array<i32>} : memref<8x32xf32, #tpu.memory_space<vmem>>, vector<16xf32>,
      %masked_sort3A_542 = arith.constant dense<true> : vector<16xi1>
      %masked_sort3A_543, %masked_sort3A_544, %masked_sort3A_545 = tpu.sort %get3A_541, %get3A_541 masked %masked_sort3A_542 {descending = true} : (vector<16xf32>, vector<16xf32>, vector<16xi1>) -> (vector<16xi1>, vector<16xf32>, vector<16xf32>)
      %max3A_546 = arith.maximumf %masked_sort3A_536, %masked_sort3A_544 : vector<16xf32>
      %masked_sort3A_547 = arith.constant dense<true> : vector<16xi1>
      %masked_sort3A_548, %masked_sort3A_549, %masked_sort3A_550 = tpu.sort %max3A_546, %max3A_546 masked %masked_sort3A_547 : (vector<16xf32>, vector<16xf32>, vector<16xi1>) -> (vector<16xi1>, vector<16xf32>, vector<16xf32>)
      %swap3A_551 = arith.index_cast %add3A_521 : i32 to index
      %swap3A_552 = arith.constant 0 : index
      %swap3A_553 = tpu.vector_load %arg8[%swap3A_551, %swap3A_552] {strides = array<i32>} : memref<32x16xf32, #tpu.memory_space<vmem>>, vector<16xf32>,
      tpu.vector_store %arg8[%swap3A_551, %swap3A_552], %masked_sort3A_549 {strides = array<i32>} : memref<32x16xf32, #tpu.memory_space<vmem>>, vector<16xf32>,
      %iota3A_554 = tpu.iota {dimensions = array<i32: 0>} : vector<16xi32>
      %eq3A_555 = arith.constant 0 : i32
      %eq3A_556 = vector.broadcast %eq3A_555 : i32 to vector<16xi32>
      %eq3A_557 = arith.cmpi eq, %iota3A_554, %eq3A_556 : vector<16xi32>
      %jit3A_558 = arith.constant 16 : i32
      %div3A_559 = arith.divsi %add3A_521, %jit3A_558 : i32
      %sign3A_560 = arith.constant 0 : i32
      %sign3A_561 = arith.cmpi sgt, %add3A_521, %sign3A_560 : i32
      %sign3A_562 = arith.extui %sign3A_561 : i1 to i32
      %sign3A_563 = arith.constant 0 : i32
      %sign3A_564 = arith.cmpi slt, %add3A_521, %sign3A_563 : i32
      %sign3A_565 = arith.extui %sign3A_564 : i1 to i32
      %sign3A_566 = arith.subi %sign3A_562, %sign3A_565 : i32
      %sign3A_567 = arith.constant 0 : i32
      %sign3A_568 = arith.cmpi sgt, %jit3A_558, %sign3A_567 : i32
      %sign3A_569 = arith.extui %sign3A_568 : i1 to i32
      %sign3A_570 = arith.constant 0 : i32
      %sign3A_571 = arith.cmpi slt, %jit3A_558, %sign3A_570 : i32
      %sign3A_572 = arith.extui %sign3A_571 : i1 to i32
      %sign3A_573 = arith.subi %sign3A_569, %sign3A_572 : i32
      %ne3A_574 = arith.cmpi ne, %sign3A_566, %sign3A_573 : i32
      %rem3A_575 = arith.remsi %add3A_521, %jit3A_558 : i32
      %ne3A_576 = arith.constant 0 : i32
      %ne3A_577 = arith.cmpi ne, %rem3A_575, %ne3A_576 : i32
      %and3A_578 = arith.andi %ne3A_574, %ne3A_577 : i1
      %sub3A_579 = arith.constant 1 : i32
      %sub3A_580 = arith.subi %div3A_559, %sub3A_579 : i32
      %select_n3A_581 = arith.select %and3A_578, %sub3A_580, %div3A_559 : i32
      %broadcast_in_dim3A_582 = vector.broadcast %select_n3A_581 : i32 to vector<16xi32>
      %get3A_583 = arith.constant 0 : index
      %get3A_584 = tpu.vector_load %arg6[%get3A_583] {strides = array<i32>} : memref<32xi32, #tpu.memory_space<vmem>>, vector<16xi32>,
      %get3A_585 = arith.constant 16 : index
      %get3A_586 = tpu.vector_load %arg6[%get3A_585] {strides = array<i32>} : memref<32xi32, #tpu.memory_space<vmem>>, vector<16xi32>,
      %eq3A_587 = arith.constant 0 : i32
      %eq3A_588 = vector.broadcast %eq3A_587 : i32 to vector<16xi32>
      %eq3A_589 = arith.cmpi eq, %broadcast_in_dim3A_582, %eq3A_588 : vector<16xi32>
      %select_n3A_590 = arith.select %eq3A_589, %get3A_584, %get3A_586 : vector<16xi1>, vector<16xi32>
      %jit3A_591 = arith.constant 16 : i32
      %eq3A_592 = arith.constant 0 : i32
      %eq3A_593 = arith.cmpi eq, %jit3A_591, %eq3A_592 : i32
      %jit3A_594 = arith.constant 1 : i32
      %select_n3A_595 = arith.select %eq3A_593, %jit3A_594, %jit3A_591 : i32
      %rem3A_596 = arith.remsi %add3A_521, %select_n3A_595 : i32
      %ne3A_597 = arith.constant 0 : i32
      %ne3A_598 = arith.cmpi ne, %rem3A_596, %ne3A_597 : i32
      %lt3A_599 = arith.constant 0 : i32
      %lt3A_600 = arith.cmpi slt, %rem3A_596, %lt3A_599 : i32
      %lt3A_601 = arith.constant 0 : i32
      %lt3A_602 = arith.cmpi slt, %select_n3A_595, %lt3A_601 : i32
      %ne3A_603 = arith.xori %lt3A_600, %lt3A_602 : i1
      %and3A_604 = arith.andi %ne3A_603, %ne3A_598 : i1
      %add3A_605 = arith.addi %rem3A_596, %select_n3A_595 : i32
      %select_n3A_606 = arith.select %and3A_604, %add3A_605, %rem3A_596 : i32
      %broadcast_in_dim3A_607 = vector.broadcast %select_n3A_606 : i32 to vector<16xi32>
      %lt3A_608 = arith.constant 0 : i32
      %lt3A_609 = vector.broadcast %lt3A_608 : i32 to vector<16xi32>
      %lt3A_610 = arith.cmpi slt, %broadcast_in_dim3A_607, %lt3A_609 : vector<16xi32>
      %add3A_611 = arith.constant 16 : i32
      %add3A_612 = vector.broadcast %add3A_611 : i32 to vector<16xi32>
      %add3A_613 = arith.addi %broadcast_in_dim3A_607, %add3A_612 : vector<16xi32>
      %select_n3A_614 = arith.select %lt3A_610, %add3A_613, %broadcast_in_dim3A_607 : vector<16xi1>, vector<16xi32>
      %broadcast_in_dim3A_615 = vector.shape_cast %select_n3A_614 : vector<16xi32> to vector<16x1xi32>
      %gather3A_616 = vector.shape_cast %broadcast_in_dim3A_615 : vector<16x1xi32> to vector<16xi32>
      %gather3A_617 = tpu.dynamic_gather %select_n3A_590[%gather3A_616] in [0] : vector<16xi32>, vector<16xi32> -> vector<16xi32>
      %sub3A_618 = arith.constant 99968 : i32
      %sub3A_619 = vector.broadcast %sub3A_618 : i32 to vector<16xi32>
      %sub3A_620 = arith.subi %gather3A_617, %sub3A_619 : vector<16xi32>
      %ge3A_621 = arith.constant 0 : i32
      %ge3A_622 = vector.broadcast %ge3A_621 : i32 to vector<16xi32>
      %ge3A_623 = arith.cmpi sge, %sub3A_620, %ge3A_622 : vector<16xi32>
      %lt3A_624 = arith.constant 32 : i32
      %lt3A_625 = vector.broadcast %lt3A_624 : i32 to vector<16xi32>
      %lt3A_626 = arith.cmpi slt, %sub3A_620, %lt3A_625 : vector<16xi32>
      %and3A_627 = arith.andi %ge3A_623, %lt3A_626 : vector<16xi1>
      %jit3A_628 = arith.constant 0 : i32
      %jit3A_629 = arith.constant 31 : i32
      %max3A_630 = vector.broadcast %jit3A_628 : i32 to vector<16xi32>
      %max3A_631 = arith.maxsi %max3A_630, %sub3A_620 : vector<16xi32>
      %min3A_632 = vector.broadcast %jit3A_629 : i32 to vector<16xi32>
      %min3A_633 = arith.minsi %min3A_632, %max3A_631 : vector<16xi32>
      %broadcast_in_dim3A_634 = arith.constant 3 : i32
      %broadcast_in_dim3A_635 = vector.broadcast %broadcast_in_dim3A_634 : i32 to vector<16xi32>
      %gather3A_636 = tpu.vector_load_idx %arg11[%broadcast_in_dim3A_635, %min3A_633] : memref<8x32xf32, #tpu.memory_space<vmem>>[vector<16xi32>, vector<16xi32>], vector<16xf32>,
      %broadcast_in_dim3A_637 = vector.broadcast %add3A_521 : i32 to vector<16xi32>
      %and3A_638 = arith.andi %eq3A_557, %and3A_627 : vector<16xi1>
      tpu.vector_store_idx %arg7[%broadcast_in_dim3A_637], %gather3A_636 masked %and3A_638 : memref<32xf32, #tpu.memory_space<vmem>>[vector<16xi32>], vector<16xf32>, vector<16xi1>
      %mul3A_639 = arith.constant 8 : i32
      %mul3A_640 = arith.muli %scan3A_159, %mul3A_639 : i32
      %add3A_641 = arith.constant 4 : i32
      %add3A_642 = arith.addi %mul3A_640, %add3A_641 : i32
      %get3A_643 = arith.index_cast %add3A_642 : i32 to index
      %get3A_644 = arith.constant 0 : index
      %get3A_645 = tpu.vector_load %arg8[%get3A_643, %get3A_644] {strides = array<i32>} : memref<32x16xf32, #tpu.memory_space<vmem>>, vector<16xf32>,
      %get3A_646 = arith.constant 4 : i32
      %get3A_647 = arith.index_cast %get3A_646 : i32 to index
      %get3A_648 = arith.constant 0 : index
      %get3A_649 = tpu.vector_load %arg11[%get3A_647, %get3A_648] {strides = array<i32>} : memref<8x32xf32, #tpu.memory_space<vmem>>, vector<16xf32>,
      %masked_sort3A_650 = arith.constant dense<true> : vector<16xi1>
      %masked_sort3A_651, %masked_sort3A_652, %masked_sort3A_653 = tpu.sort %get3A_649, %get3A_649 masked %masked_sort3A_650 {descending = true} : (vector<16xf32>, vector<16xf32>, vector<16xi1>) -> (vector<16xi1>, vector<16xf32>, vector<16xf32>)
      %max3A_654 = arith.maximumf %get3A_645, %masked_sort3A_652 : vector<16xf32>
      %masked_sort3A_655 = arith.constant dense<true> : vector<16xi1>
      %masked_sort3A_656, %masked_sort3A_657, %masked_sort3A_658 = tpu.sort %max3A_654, %max3A_654 masked %masked_sort3A_655 : (vector<16xf32>, vector<16xf32>, vector<16xi1>) -> (vector<16xi1>, vector<16xf32>, vector<16xf32>)
      %get3A_659 = arith.constant 4 : i32
      %get3A_660 = arith.index_cast %get3A_659 : i32 to index
      %get3A_661 = arith.constant 16 : index
      %get3A_662 = tpu.vector_load %arg11[%get3A_660, %get3A_661] {strides = array<i32>} : memref<8x32xf32, #tpu.memory_space<vmem>>, vector<16xf32>,
      %masked_sort3A_663 = arith.constant dense<true> : vector<16xi1>
      %masked_sort3A_664, %masked_sort3A_665, %masked_sort3A_666 = tpu.sort %get3A_662, %get3A_662 masked %masked_sort3A_663 {descending = true} : (vector<16xf32>, vector<16xf32>, vector<16xi1>) -> (vector<16xi1>, vector<16xf32>, vector<16xf32>)
      %max3A_667 = arith.maximumf %masked_sort3A_657, %masked_sort3A_665 : vector<16xf32>
      %masked_sort3A_668 = arith.constant dense<true> : vector<16xi1>
      %masked_sort3A_669, %masked_sort3A_670, %masked_sort3A_671 = tpu.sort %max3A_667, %max3A_667 masked %masked_sort3A_668 : (vector<16xf32>, vector<16xf32>, vector<16xi1>) -> (vector<16xi1>, vector<16xf32>, vector<16xf32>)
      %swap3A_672 = arith.index_cast %add3A_642 : i32 to index
      %swap3A_673 = arith.constant 0 : index
      %swap3A_674 = tpu.vector_load %arg8[%swap3A_672, %swap3A_673] {strides = array<i32>} : memref<32x16xf32, #tpu.memory_space<vmem>>, vector<16xf32>,
      tpu.vector_store %arg8[%swap3A_672, %swap3A_673], %masked_sort3A_670 {strides = array<i32>} : memref<32x16xf32, #tpu.memory_space<vmem>>, vector<16xf32>,
      %iota3A_675 = tpu.iota {dimensions = array<i32: 0>} : vector<16xi32>
      %eq3A_676 = arith.constant 0 : i32
      %eq3A_677 = vector.broadcast %eq3A_676 : i32 to vector<16xi32>
      %eq3A_678 = arith.cmpi eq, %iota3A_675, %eq3A_677 : vector<16xi32>
      %jit3A_679 = arith.constant 16 : i32
      %div3A_680 = arith.divsi %add3A_642, %jit3A_679 : i32
      %sign3A_681 = arith.constant 0 : i32
      %sign3A_682 = arith.cmpi sgt, %add3A_642, %sign3A_681 : i32
      %sign3A_683 = arith.extui %sign3A_682 : i1 to i32
      %sign3A_684 = arith.constant 0 : i32
      %sign3A_685 = arith.cmpi slt, %add3A_642, %sign3A_684 : i32
      %sign3A_686 = arith.extui %sign3A_685 : i1 to i32
      %sign3A_687 = arith.subi %sign3A_683, %sign3A_686 : i32
      %sign3A_688 = arith.constant 0 : i32
      %sign3A_689 = arith.cmpi sgt, %jit3A_679, %sign3A_688 : i32
      %sign3A_690 = arith.extui %sign3A_689 : i1 to i32
      %sign3A_691 = arith.constant 0 : i32
      %sign3A_692 = arith.cmpi slt, %jit3A_679, %sign3A_691 : i32
      %sign3A_693 = arith.extui %sign3A_692 : i1 to i32
      %sign3A_694 = arith.subi %sign3A_690, %sign3A_693 : i32
      %ne3A_695 = arith.cmpi ne, %sign3A_687, %sign3A_694 : i32
      %rem3A_696 = arith.remsi %add3A_642, %jit3A_679 : i32
      %ne3A_697 = arith.constant 0 : i32
      %ne3A_698 = arith.cmpi ne, %rem3A_696, %ne3A_697 : i32
      %and3A_699 = arith.andi %ne3A_695, %ne3A_698 : i1
      %sub3A_700 = arith.constant 1 : i32
      %sub3A_701 = arith.subi %div3A_680, %sub3A_700 : i32
      %select_n3A_702 = arith.select %and3A_699, %sub3A_701, %div3A_680 : i32
      %broadcast_in_dim3A_703 = vector.broadcast %select_n3A_702 : i32 to vector<16xi32>
      %get3A_704 = arith.constant 0 : index
      %get3A_705 = tpu.vector_load %arg6[%get3A_704] {strides = array<i32>} : memref<32xi32, #tpu.memory_space<vmem>>, vector<16xi32>,
      %get3A_706 = arith.constant 16 : index
      %get3A_707 = tpu.vector_load %arg6[%get3A_706] {strides = array<i32>} : memref<32xi32, #tpu.memory_space<vmem>>, vector<16xi32>,
      %eq3A_708 = arith.constant 0 : i32
      %eq3A_709 = vector.broadcast %eq3A_708 : i32 to vector<16xi32>
      %eq3A_710 = arith.cmpi eq, %broadcast_in_dim3A_703, %eq3A_709 : vector<16xi32>
      %select_n3A_711 = arith.select %eq3A_710, %get3A_705, %get3A_707 : vector<16xi1>, vector<16xi32>
      %jit3A_712 = arith.constant 16 : i32
      %eq3A_713 = arith.constant 0 : i32
      %eq3A_714 = arith.cmpi eq, %jit3A_712, %eq3A_713 : i32
      %jit3A_715 = arith.constant 1 : i32
      %select_n3A_716 = arith.select %eq3A_714, %jit3A_715, %jit3A_712 : i32
      %rem3A_717 = arith.remsi %add3A_642, %select_n3A_716 : i32
      %ne3A_718 = arith.constant 0 : i32
      %ne3A_719 = arith.cmpi ne, %rem3A_717, %ne3A_718 : i32
      %lt3A_720 = arith.constant 0 : i32
      %lt3A_721 = arith.cmpi slt, %rem3A_717, %lt3A_720 : i32
      %lt3A_722 = arith.constant 0 : i32
      %lt3A_723 = arith.cmpi slt, %select_n3A_716, %lt3A_722 : i32
      %ne3A_724 = arith.xori %lt3A_721, %lt3A_723 : i1
      %and3A_725 = arith.andi %ne3A_724, %ne3A_719 : i1
      %add3A_726 = arith.addi %rem3A_717, %select_n3A_716 : i32
      %select_n3A_727 = arith.select %and3A_725, %add3A_726, %rem3A_717 : i32
      %broadcast_in_dim3A_728 = vector.broadcast %select_n3A_727 : i32 to vector<16xi32>
      %lt3A_729 = arith.constant 0 : i32
      %lt3A_730 = vector.broadcast %lt3A_729 : i32 to vector<16xi32>
      %lt3A_731 = arith.cmpi slt, %broadcast_in_dim3A_728, %lt3A_730 : vector<16xi32>
      %add3A_732 = arith.constant 16 : i32
      %add3A_733 = vector.broadcast %add3A_732 : i32 to vector<16xi32>
      %add3A_734 = arith.addi %broadcast_in_dim3A_728, %add3A_733 : vector<16xi32>
      %select_n3A_735 = arith.select %lt3A_731, %add3A_734, %broadcast_in_dim3A_728 : vector<16xi1>, vector<16xi32>
      %broadcast_in_dim3A_736 = vector.shape_cast %select_n3A_735 : vector<16xi32> to vector<16x1xi32>
      %gather3A_737 = vector.shape_cast %broadcast_in_dim3A_736 : vector<16x1xi32> to vector<16xi32>
      %gather3A_738 = tpu.dynamic_gather %select_n3A_711[%gather3A_737] in [0] : vector<16xi32>, vector<16xi32> -> vector<16xi32>
      %sub3A_739 = arith.constant 99968 : i32
      %sub3A_740 = vector.broadcast %sub3A_739 : i32 to vector<16xi32>
      %sub3A_741 = arith.subi %gather3A_738, %sub3A_740 : vector<16xi32>
      %ge3A_742 = arith.constant 0 : i32
      %ge3A_743 = vector.broadcast %ge3A_742 : i32 to vector<16xi32>
      %ge3A_744 = arith.cmpi sge, %sub3A_741, %ge3A_743 : vector<16xi32>
      %lt3A_745 = arith.constant 32 : i32
      %lt3A_746 = vector.broadcast %lt3A_745 : i32 to vector<16xi32>
      %lt3A_747 = arith.cmpi slt, %sub3A_741, %lt3A_746 : vector<16xi32>
      %and3A_748 = arith.andi %ge3A_744, %lt3A_747 : vector<16xi1>
      %jit3A_749 = arith.constant 0 : i32
      %jit3A_750 = arith.constant 31 : i32
      %max3A_751 = vector.broadcast %jit3A_749 : i32 to vector<16xi32>
      %max3A_752 = arith.maxsi %max3A_751, %sub3A_741 : vector<16xi32>
      %min3A_753 = vector.broadcast %jit3A_750 : i32 to vector<16xi32>
      %min3A_754 = arith.minsi %min3A_753, %max3A_752 : vector<16xi32>
      %broadcast_in_dim3A_755 = arith.constant 4 : i32
      %broadcast_in_dim3A_756 = vector.broadcast %broadcast_in_dim3A_755 : i32 to vector<16xi32>
      %gather3A_757 = tpu.vector_load_idx %arg11[%broadcast_in_dim3A_756, %min3A_754] : memref<8x32xf32, #tpu.memory_space<vmem>>[vector<16xi32>, vector<16xi32>], vector<16xf32>,
      %broadcast_in_dim3A_758 = vector.broadcast %add3A_642 : i32 to vector<16xi32>
      %and3A_759 = arith.andi %eq3A_678, %and3A_748 : vector<16xi1>
      tpu.vector_store_idx %arg7[%broadcast_in_dim3A_758], %gather3A_757 masked %and3A_759 : memref<32xf32, #tpu.memory_space<vmem>>[vector<16xi32>], vector<16xf32>, vector<16xi1>
      %mul3A_760 = arith.constant 8 : i32
      %mul3A_761 = arith.muli %scan3A_159, %mul3A_760 : i32
      %add3A_762 = arith.constant 5 : i32
      %add3A_763 = arith.addi %mul3A_761, %add3A_762 : i32
      %get3A_764 = arith.index_cast %add3A_763 : i32 to index
      %get3A_765 = arith.constant 0 : index
      %get3A_766 = tpu.vector_load %arg8[%get3A_764, %get3A_765] {strides = array<i32>} : memref<32x16xf32, #tpu.memory_space<vmem>>, vector<16xf32>,
      %get3A_767 = arith.constant 5 : i32
      %get3A_768 = arith.index_cast %get3A_767 : i32 to index
      %get3A_769 = arith.constant 0 : index
      %get3A_770 = tpu.vector_load %arg11[%get3A_768, %get3A_769] {strides = array<i32>} : memref<8x32xf32, #tpu.memory_space<vmem>>, vector<16xf32>,
      %masked_sort3A_771 = arith.constant dense<true> : vector<16xi1>
      %masked_sort3A_772, %masked_sort3A_773, %masked_sort3A_774 = tpu.sort %get3A_770, %get3A_770 masked %masked_sort3A_771 {descending = true} : (vector<16xf32>, vector<16xf32>, vector<16xi1>) -> (vector<16xi1>, vector<16xf32>, vector<16xf32>)
      %max3A_775 = arith.maximumf %get3A_766, %masked_sort3A_773 : vector<16xf32>
      %masked_sort3A_776 = arith.constant dense<true> : vector<16xi1>
      %masked_sort3A_777, %masked_sort3A_778, %masked_sort3A_779 = tpu.sort %max3A_775, %max3A_775 masked %masked_sort3A_776 : (vector<16xf32>, vector<16xf32>, vector<16xi1>) -> (vector<16xi1>, vector<16xf32>, vector<16xf32>)
      %get3A_780 = arith.constant 5 : i32
      %get3A_781 = arith.index_cast %get3A_780 : i32 to index
      %get3A_782 = arith.constant 16 : index
      %get3A_783 = tpu.vector_load %arg11[%get3A_781, %get3A_782] {strides = array<i32>} : memref<8x32xf32, #tpu.memory_space<vmem>>, vector<16xf32>,
      %masked_sort3A_784 = arith.constant dense<true> : vector<16xi1>
      %masked_sort3A_785, %masked_sort3A_786, %masked_sort3A_787 = tpu.sort %get3A_783, %get3A_783 masked %masked_sort3A_784 {descending = true} : (vector<16xf32>, vector<16xf32>, vector<16xi1>) -> (vector<16xi1>, vector<16xf32>, vector<16xf32>)
      %max3A_788 = arith.maximumf %masked_sort3A_778, %masked_sort3A_786 : vector<16xf32>
      %masked_sort3A_789 = arith.constant dense<true> : vector<16xi1>
      %masked_sort3A_790, %masked_sort3A_791, %masked_sort3A_792 = tpu.sort %max3A_788, %max3A_788 masked %masked_sort3A_789 : (vector<16xf32>, vector<16xf32>, vector<16xi1>) -> (vector<16xi1>, vector<16xf32>, vector<16xf32>)
      %swap3A_793 = arith.index_cast %add3A_763 : i32 to index
      %swap3A_794 = arith.constant 0 : index
      %swap3A_795 = tpu.vector_load %arg8[%swap3A_793, %swap3A_794] {strides = array<i32>} : memref<32x16xf32, #tpu.memory_space<vmem>>, vector<16xf32>,
      tpu.vector_store %arg8[%swap3A_793, %swap3A_794], %masked_sort3A_791 {strides = array<i32>} : memref<32x16xf32, #tpu.memory_space<vmem>>, vector<16xf32>,
      %iota3A_796 = tpu.iota {dimensions = array<i32: 0>} : vector<16xi32>
      %eq3A_797 = arith.constant 0 : i32
      %eq3A_798 = vector.broadcast %eq3A_797 : i32 to vector<16xi32>
      %eq3A_799 = arith.cmpi eq, %iota3A_796, %eq3A_798 : vector<16xi32>
      %jit3A_800 = arith.constant 16 : i32
      %div3A_801 = arith.divsi %add3A_763, %jit3A_800 : i32
      %sign3A_802 = arith.constant 0 : i32
      %sign3A_803 = arith.cmpi sgt, %add3A_763, %sign3A_802 : i32
      %sign3A_804 = arith.extui %sign3A_803 : i1 to i32
      %sign3A_805 = arith.constant 0 : i32
      %sign3A_806 = arith.cmpi slt, %add3A_763, %sign3A_805 : i32
      %sign3A_807 = arith.extui %sign3A_806 : i1 to i32
      %sign3A_808 = arith.subi %sign3A_804, %sign3A_807 : i32
      %sign3A_809 = arith.constant 0 : i32
      %sign3A_810 = arith.cmpi sgt, %jit3A_800, %sign3A_809 : i32
      %sign3A_811 = arith.extui %sign3A_810 : i1 to i32
      %sign3A_812 = arith.constant 0 : i32
      %sign3A_813 = arith.cmpi slt, %jit3A_800, %sign3A_812 : i32
      %sign3A_814 = arith.extui %sign3A_813 : i1 to i32
      %sign3A_815 = arith.subi %sign3A_811, %sign3A_814 : i32
      %ne3A_816 = arith.cmpi ne, %sign3A_808, %sign3A_815 : i32
      %rem3A_817 = arith.remsi %add3A_763, %jit3A_800 : i32
      %ne3A_818 = arith.constant 0 : i32
      %ne3A_819 = arith.cmpi ne, %rem3A_817, %ne3A_818 : i32
      %and3A_820 = arith.andi %ne3A_816, %ne3A_819 : i1
      %sub3A_821 = arith.constant 1 : i32
      %sub3A_822 = arith.subi %div3A_801, %sub3A_821 : i32
      %select_n3A_823 = arith.select %and3A_820, %sub3A_822, %div3A_801 : i32
      %broadcast_in_dim3A_824 = vector.broadcast %select_n3A_823 : i32 to vector<16xi32>
      %get3A_825 = arith.constant 0 : index
      %get3A_826 = tpu.vector_load %arg6[%get3A_825] {strides = array<i32>} : memref<32xi32, #tpu.memory_space<vmem>>, vector<16xi32>,
      %get3A_827 = arith.constant 16 : index
      %get3A_828 = tpu.vector_load %arg6[%get3A_827] {strides = array<i32>} : memref<32xi32, #tpu.memory_space<vmem>>, vector<16xi32>,
      %eq3A_829 = arith.constant 0 : i32
      %eq3A_830 = vector.broadcast %eq3A_829 : i32 to vector<16xi32>
      %eq3A_831 = arith.cmpi eq, %broadcast_in_dim3A_824, %eq3A_830 : vector<16xi32>
      %select_n3A_832 = arith.select %eq3A_831, %get3A_826, %get3A_828 : vector<16xi1>, vector<16xi32>
      %jit3A_833 = arith.constant 16 : i32
      %eq3A_834 = arith.constant 0 : i32
      %eq3A_835 = arith.cmpi eq, %jit3A_833, %eq3A_834 : i32
      %jit3A_836 = arith.constant 1 : i32
      %select_n3A_837 = arith.select %eq3A_835, %jit3A_836, %jit3A_833 : i32
      %rem3A_838 = arith.remsi %add3A_763, %select_n3A_837 : i32
      %ne3A_839 = arith.constant 0 : i32
      %ne3A_840 = arith.cmpi ne, %rem3A_838, %ne3A_839 : i32
      %lt3A_841 = arith.constant 0 : i32
      %lt3A_842 = arith.cmpi slt, %rem3A_838, %lt3A_841 : i32
      %lt3A_843 = arith.constant 0 : i32
      %lt3A_844 = arith.cmpi slt, %select_n3A_837, %lt3A_843 : i32
      %ne3A_845 = arith.xori %lt3A_842, %lt3A_844 : i1
      %and3A_846 = arith.andi %ne3A_845, %ne3A_840 : i1
      %add3A_847 = arith.addi %rem3A_838, %select_n3A_837 : i32
      %select_n3A_848 = arith.select %and3A_846, %add3A_847, %rem3A_838 : i32
      %broadcast_in_dim3A_849 = vector.broadcast %select_n3A_848 : i32 to vector<16xi32>
      %lt3A_850 = arith.constant 0 : i32
      %lt3A_851 = vector.broadcast %lt3A_850 : i32 to vector<16xi32>
      %lt3A_852 = arith.cmpi slt, %broadcast_in_dim3A_849, %lt3A_851 : vector<16xi32>
      %add3A_853 = arith.constant 16 : i32
      %add3A_854 = vector.broadcast %add3A_853 : i32 to vector<16xi32>
      %add3A_855 = arith.addi %broadcast_in_dim3A_849, %add3A_854 : vector<16xi32>
      %select_n3A_856 = arith.select %lt3A_852, %add3A_855, %broadcast_in_dim3A_849 : vector<16xi1>, vector<16xi32>
      %broadcast_in_dim3A_857 = vector.shape_cast %select_n3A_856 : vector<16xi32> to vector<16x1xi32>
      %gather3A_858 = vector.shape_cast %broadcast_in_dim3A_857 : vector<16x1xi32> to vector<16xi32>
      %gather3A_859 = tpu.dynamic_gather %select_n3A_832[%gather3A_858] in [0] : vector<16xi32>, vector<16xi32> -> vector<16xi32>
      %sub3A_860 = arith.constant 99968 : i32
      %sub3A_861 = vector.broadcast %sub3A_860 : i32 to vector<16xi32>
      %sub3A_862 = arith.subi %gather3A_859, %sub3A_861 : vector<16xi32>
      %ge3A_863 = arith.constant 0 : i32
      %ge3A_864 = vector.broadcast %ge3A_863 : i32 to vector<16xi32>
      %ge3A_865 = arith.cmpi sge, %sub3A_862, %ge3A_864 : vector<16xi32>
      %lt3A_866 = arith.constant 32 : i32
      %lt3A_867 = vector.broadcast %lt3A_866 : i32 to vector<16xi32>
      %lt3A_868 = arith.cmpi slt, %sub3A_862, %lt3A_867 : vector<16xi32>
      %and3A_869 = arith.andi %ge3A_865, %lt3A_868 : vector<16xi1>
      %jit3A_870 = arith.constant 0 : i32
      %jit3A_871 = arith.constant 31 : i32
      %max3A_872 = vector.broadcast %jit3A_870 : i32 to vector<16xi32>
      %max3A_873 = arith.maxsi %max3A_872, %sub3A_862 : vector<16xi32>
      %min3A_874 = vector.broadcast %jit3A_871 : i32 to vector<16xi32>
      %min3A_875 = arith.minsi %min3A_874, %max3A_873 : vector<16xi32>
      %broadcast_in_dim3A_876 = arith.constant 5 : i32
      %broadcast_in_dim3A_877 = vector.broadcast %broadcast_in_dim3A_876 : i32 to vector<16xi32>
      %gather3A_878 = tpu.vector_load_idx %arg11[%broadcast_in_dim3A_877, %min3A_875] : memref<8x32xf32, #tpu.memory_space<vmem>>[vector<16xi32>, vector<16xi32>], vector<16xf32>,
      %broadcast_in_dim3A_879 = vector.broadcast %add3A_763 : i32 to vector<16xi32>
      %and3A_880 = arith.andi %eq3A_799, %and3A_869 : vector<16xi1>
      tpu.vector_store_idx %arg7[%broadcast_in_dim3A_879], %gather3A_878 masked %and3A_880 : memref<32xf32, #tpu.memory_space<vmem>>[vector<16xi32>], vector<16xf32>, vector<16xi1>
      %mul3A_881 = arith.constant 8 : i32
      %mul3A_882 = arith.muli %scan3A_159, %mul3A_881 : i32
      %add3A_883 = arith.constant 6 : i32
      %add3A_884 = arith.addi %mul3A_882, %add3A_883 : i32
      %get3A_885 = arith.index_cast %add3A_884 : i32 to index
      %get3A_886 = arith.constant 0 : index
      %get3A_887 = tpu.vector_load %arg8[%get3A_885, %get3A_886] {strides = array<i32>} : memref<32x16xf32, #tpu.memory_space<vmem>>, vector<16xf32>,
      %get3A_888 = arith.constant 6 : i32
      %get3A_889 = arith.index_cast %get3A_888 : i32 to index
      %get3A_890 = arith.constant 0 : index
      %get3A_891 = tpu.vector_load %arg11[%get3A_889, %get3A_890] {strides = array<i32>} : memref<8x32xf32, #tpu.memory_space<vmem>>, vector<16xf32>,
      %masked_sort3A_892 = arith.constant dense<true> : vector<16xi1>
      %masked_sort3A_893, %masked_sort3A_894, %masked_sort3A_895 = tpu.sort %get3A_891, %get3A_891 masked %masked_sort3A_892 {descending = true} : (vector<16xf32>, vector<16xf32>, vector<16xi1>) -> (vector<16xi1>, vector<16xf32>, vector<16xf32>)
      %max3A_896 = arith.maximumf %get3A_887, %masked_sort3A_894 : vector<16xf32>
      %masked_sort3A_897 = arith.constant dense<true> : vector<16xi1>
      %masked_sort3A_898, %masked_sort3A_899, %masked_sort3A_900 = tpu.sort %max3A_896, %max3A_896 masked %masked_sort3A_897 : (vector<16xf32>, vector<16xf32>, vector<16xi1>) -> (vector<16xi1>, vector<16xf32>, vector<16xf32>)
      %get3A_901 = arith.constant 6 : i32
      %get3A_902 = arith.index_cast %get3A_901 : i32 to index
      %get3A_903 = arith.constant 16 : index
      %get3A_904 = tpu.vector_load %arg11[%get3A_902, %get3A_903] {strides = array<i32>} : memref<8x32xf32, #tpu.memory_space<vmem>>, vector<16xf32>,
      %masked_sort3A_905 = arith.constant dense<true> : vector<16xi1>
      %masked_sort3A_906, %masked_sort3A_907, %masked_sort3A_908 = tpu.sort %get3A_904, %get3A_904 masked %masked_sort3A_905 {descending = true} : (vector<16xf32>, vector<16xf32>, vector<16xi1>) -> (vector<16xi1>, vector<16xf32>, vector<16xf32>)
      %max3A_909 = arith.maximumf %masked_sort3A_899, %masked_sort3A_907 : vector<16xf32>
      %masked_sort3A_910 = arith.constant dense<true> : vector<16xi1>
      %masked_sort3A_911, %masked_sort3A_912, %masked_sort3A_913 = tpu.sort %max3A_909, %max3A_909 masked %masked_sort3A_910 : (vector<16xf32>, vector<16xf32>, vector<16xi1>) -> (vector<16xi1>, vector<16xf32>, vector<16xf32>)
      %swap3A_914 = arith.index_cast %add3A_884 : i32 to index
      %swap3A_915 = arith.constant 0 : index
      %swap3A_916 = tpu.vector_load %arg8[%swap3A_914, %swap3A_915] {strides = array<i32>} : memref<32x16xf32, #tpu.memory_space<vmem>>, vector<16xf32>,
      tpu.vector_store %arg8[%swap3A_914, %swap3A_915], %masked_sort3A_912 {strides = array<i32>} : memref<32x16xf32, #tpu.memory_space<vmem>>, vector<16xf32>,
      %iota3A_917 = tpu.iota {dimensions = array<i32: 0>} : vector<16xi32>
      %eq3A_918 = arith.constant 0 : i32
      %eq3A_919 = vector.broadcast %eq3A_918 : i32 to vector<16xi32>
      %eq3A_920 = arith.cmpi eq, %iota3A_917, %eq3A_919 : vector<16xi32>
      %jit3A_921 = arith.constant 16 : i32
      %div3A_922 = arith.divsi %add3A_884, %jit3A_921 : i32
      %sign3A_923 = arith.constant 0 : i32
      %sign3A_924 = arith.cmpi sgt, %add3A_884, %sign3A_923 : i32
      %sign3A_925 = arith.extui %sign3A_924 : i1 to i32
      %sign3A_926 = arith.constant 0 : i32
      %sign3A_927 = arith.cmpi slt, %add3A_884, %sign3A_926 : i32
      %sign3A_928 = arith.extui %sign3A_927 : i1 to i32
      %sign3A_929 = arith.subi %sign3A_925, %sign3A_928 : i32
      %sign3A_930 = arith.constant 0 : i32
      %sign3A_931 = arith.cmpi sgt, %jit3A_921, %sign3A_930 : i32
      %sign3A_932 = arith.extui %sign3A_931 : i1 to i32
      %sign3A_933 = arith.constant 0 : i32
      %sign3A_934 = arith.cmpi slt, %jit3A_921, %sign3A_933 : i32
      %sign3A_935 = arith.extui %sign3A_934 : i1 to i32
      %sign3A_936 = arith.subi %sign3A_932, %sign3A_935 : i32
      %ne3A_937 = arith.cmpi ne, %sign3A_929, %sign3A_936 : i32
      %rem3A_938 = arith.remsi %add3A_884, %jit3A_921 : i32
      %ne3A_939 = arith.constant 0 : i32
      %ne3A_940 = arith.cmpi ne, %rem3A_938, %ne3A_939 : i32
      %and3A_941 = arith.andi %ne3A_937, %ne3A_940 : i1
      %sub3A_942 = arith.constant 1 : i32
      %sub3A_943 = arith.subi %div3A_922, %sub3A_942 : i32
      %select_n3A_944 = arith.select %and3A_941, %sub3A_943, %div3A_922 : i32
      %broadcast_in_dim3A_945 = vector.broadcast %select_n3A_944 : i32 to vector<16xi32>
      %get3A_946 = arith.constant 0 : index
      %get3A_947 = tpu.vector_load %arg6[%get3A_946] {strides = array<i32>} : memref<32xi32, #tpu.memory_space<vmem>>, vector<16xi32>,
      %get3A_948 = arith.constant 16 : index
      %get3A_949 = tpu.vector_load %arg6[%get3A_948] {strides = array<i32>} : memref<32xi32, #tpu.memory_space<vmem>>, vector<16xi32>,
      %eq3A_950 = arith.constant 0 : i32
      %eq3A_951 = vector.broadcast %eq3A_950 : i32 to vector<16xi32>
      %eq3A_952 = arith.cmpi eq, %broadcast_in_dim3A_945, %eq3A_951 : vector<16xi32>
      %select_n3A_953 = arith.select %eq3A_952, %get3A_947, %get3A_949 : vector<16xi1>, vector<16xi32>
      %jit3A_954 = arith.constant 16 : i32
      %eq3A_955 = arith.constant 0 : i32
      %eq3A_956 = arith.cmpi eq, %jit3A_954, %eq3A_955 : i32
      %jit3A_957 = arith.constant 1 : i32
      %select_n3A_958 = arith.select %eq3A_956, %jit3A_957, %jit3A_954 : i32
      %rem3A_959 = arith.remsi %add3A_884, %select_n3A_958 : i32
      %ne3A_960 = arith.constant 0 : i32
      %ne3A_961 = arith.cmpi ne, %rem3A_959, %ne3A_960 : i32
      %lt3A_962 = arith.constant 0 : i32
      %lt3A_963 = arith.cmpi slt, %rem3A_959, %lt3A_962 : i32
      %lt3A_964 = arith.constant 0 : i32
      %lt3A_965 = arith.cmpi slt, %select_n3A_958, %lt3A_964 : i32
      %ne3A_966 = arith.xori %lt3A_963, %lt3A_965 : i1
      %and3A_967 = arith.andi %ne3A_966, %ne3A_961 : i1
      %add3A_968 = arith.addi %rem3A_959, %select_n3A_958 : i32
      %select_n3A_969 = arith.select %and3A_967, %add3A_968, %rem3A_959 : i32
      %broadcast_in_dim3A_970 = vector.broadcast %select_n3A_969 : i32 to vector<16xi32>
      %lt3A_971 = arith.constant 0 : i32
      %lt3A_972 = vector.broadcast %lt3A_971 : i32 to vector<16xi32>
      %lt3A_973 = arith.cmpi slt, %broadcast_in_dim3A_970, %lt3A_972 : vector<16xi32>
      %add3A_974 = arith.constant 16 : i32
      %add3A_975 = vector.broadcast %add3A_974 : i32 to vector<16xi32>
      %add3A_976 = arith.addi %broadcast_in_dim3A_970, %add3A_975 : vector<16xi32>
      %select_n3A_977 = arith.select %lt3A_973, %add3A_976, %broadcast_in_dim3A_970 : vector<16xi1>, vector<16xi32>
      %broadcast_in_dim3A_978 = vector.shape_cast %select_n3A_977 : vector<16xi32> to vector<16x1xi32>
      %gather3A_979 = vector.shape_cast %broadcast_in_dim3A_978 : vector<16x1xi32> to vector<16xi32>
      %gather3A_980 = tpu.dynamic_gather %select_n3A_953[%gather3A_979] in [0] : vector<16xi32>, vector<16xi32> -> vector<16xi32>
      %sub3A_981 = arith.constant 99968 : i32
      %sub3A_982 = vector.broadcast %sub3A_981 : i32 to vector<16xi32>
      %sub3A_983 = arith.subi %gather3A_980, %sub3A_982 : vector<16xi32>
      %ge3A_984 = arith.constant 0 : i32
      %ge3A_985 = vector.broadcast %ge3A_984 : i32 to vector<16xi32>
      %ge3A_986 = arith.cmpi sge, %sub3A_983, %ge3A_985 : vector<16xi32>
      %lt3A_987 = arith.constant 32 : i32
      %lt3A_988 = vector.broadcast %lt3A_987 : i32 to vector<16xi32>
      %lt3A_989 = arith.cmpi slt, %sub3A_983, %lt3A_988 : vector<16xi32>
      %and3A_990 = arith.andi %ge3A_986, %lt3A_989 : vector<16xi1>
      %jit3A_991 = arith.constant 0 : i32
      %jit3A_992 = arith.constant 31 : i32
      %max3A_993 = vector.broadcast %jit3A_991 : i32 to vector<16xi32>
      %max3A_994 = arith.maxsi %max3A_993, %sub3A_983 : vector<16xi32>
      %min3A_995 = vector.broadcast %jit3A_992 : i32 to vector<16xi32>
      %min3A_996 = arith.minsi %min3A_995, %max3A_994 : vector<16xi32>
      %broadcast_in_dim3A_997 = arith.constant 6 : i32
      %broadcast_in_dim3A_998 = vector.broadcast %broadcast_in_dim3A_997 : i32 to vector<16xi32>
      %gather3A_999 = tpu.vector_load_idx %arg11[%broadcast_in_dim3A_998, %min3A_996] : memref<8x32xf32, #tpu.memory_space<vmem>>[vector<16xi32>, vector<16xi32>], vector<16xf32>,
      %broadcast_in_dim3A_1000 = vector.broadcast %add3A_884 : i32 to vector<16xi32>
      %and3A_1001 = arith.andi %eq3A_920, %and3A_990 : vector<16xi1>
      tpu.vector_store_idx %arg7[%broadcast_in_dim3A_1000], %gather3A_999 masked %and3A_1001 : memref<32xf32, #tpu.memory_space<vmem>>[vector<16xi32>], vector<16xf32>, vector<16xi1>
      %mul3A_1002 = arith.constant 8 : i32
      %mul3A_1003 = arith.muli %scan3A_159, %mul3A_1002 : i32
      %add3A_1004 = arith.constant 7 : i32
      %add3A_1005 = arith.addi %mul3A_1003, %add3A_1004 : i32
      %get3A_1006 = arith.index_cast %add3A_1005 : i32 to index
      %get3A_1007 = arith.constant 0 : index
      %get3A_1008 = tpu.vector_load %arg8[%get3A_1006, %get3A_1007] {strides = array<i32>} : memref<32x16xf32, #tpu.memory_space<vmem>>, vector<16xf32>,
      %get3A_1009 = arith.constant 7 : i32
      %get3A_1010 = arith.index_cast %get3A_1009 : i32 to index
      %get3A_1011 = arith.constant 0 : index
      %get3A_1012 = tpu.vector_load %arg11[%get3A_1010, %get3A_1011] {strides = array<i32>} : memref<8x32xf32, #tpu.memory_space<vmem>>, vector<16xf32>,
      %masked_sort3A_1013 = arith.constant dense<true> : vector<16xi1>
      %masked_sort3A_1014, %masked_sort3A_1015, %masked_sort3A_1016 = tpu.sort %get3A_1012, %get3A_1012 masked %masked_sort3A_1013 {descending = true} : (vector<16xf32>, vector<16xf32>, vector<16xi1>) -> (vector<16xi1>, vector<16xf32>, vector<16xf32>)
      %max3A_1017 = arith.maximumf %get3A_1008, %masked_sort3A_1015 : vector<16xf32>
      %masked_sort3A_1018 = arith.constant dense<true> : vector<16xi1>
      %masked_sort3A_1019, %masked_sort3A_1020, %masked_sort3A_1021 = tpu.sort %max3A_1017, %max3A_1017 masked %masked_sort3A_1018 : (vector<16xf32>, vector<16xf32>, vector<16xi1>) -> (vector<16xi1>, vector<16xf32>, vector<16xf32>)
      %get3A_1022 = arith.constant 7 : i32
      %get3A_1023 = arith.index_cast %get3A_1022 : i32 to index
      %get3A_1024 = arith.constant 16 : index
      %get3A_1025 = tpu.vector_load %arg11[%get3A_1023, %get3A_1024] {strides = array<i32>} : memref<8x32xf32, #tpu.memory_space<vmem>>, vector<16xf32>,
      %masked_sort3A_1026 = arith.constant dense<true> : vector<16xi1>
      %masked_sort3A_1027, %masked_sort3A_1028, %masked_sort3A_1029 = tpu.sort %get3A_1025, %get3A_1025 masked %masked_sort3A_1026 {descending = true} : (vector<16xf32>, vector<16xf32>, vector<16xi1>) -> (vector<16xi1>, vector<16xf32>, vector<16xf32>)
      %max3A_1030 = arith.maximumf %masked_sort3A_1020, %masked_sort3A_1028 : vector<16xf32>
      %masked_sort3A_1031 = arith.constant dense<true> : vector<16xi1>
      %masked_sort3A_1032, %masked_sort3A_1033, %masked_sort3A_1034 = tpu.sort %max3A_1030, %max3A_1030 masked %masked_sort3A_1031 : (vector<16xf32>, vector<16xf32>, vector<16xi1>) -> (vector<16xi1>, vector<16xf32>, vector<16xf32>)
      %swap3A_1035 = arith.index_cast %add3A_1005 : i32 to index
      %swap3A_1036 = arith.constant 0 : index
      %swap3A_1037 = tpu.vector_load %arg8[%swap3A_1035, %swap3A_1036] {strides = array<i32>} : memref<32x16xf32, #tpu.memory_space<vmem>>, vector<16xf32>,
      tpu.vector_store %arg8[%swap3A_1035, %swap3A_1036], %masked_sort3A_1033 {strides = array<i32>} : memref<32x16xf32, #tpu.memory_space<vmem>>, vector<16xf32>,
      %iota3A_1038 = tpu.iota {dimensions = array<i32: 0>} : vector<16xi32>
      %eq3A_1039 = arith.constant 0 : i32
      %eq3A_1040 = vector.broadcast %eq3A_1039 : i32 to vector<16xi32>
      %eq3A_1041 = arith.cmpi eq, %iota3A_1038, %eq3A_1040 : vector<16xi32>
      %jit3A_1042 = arith.constant 16 : i32
      %div3A_1043 = arith.divsi %add3A_1005, %jit3A_1042 : i32
      %sign3A_1044 = arith.constant 0 : i32
      %sign3A_1045 = arith.cmpi sgt, %add3A_1005, %sign3A_1044 : i32
      %sign3A_1046 = arith.extui %sign3A_1045 : i1 to i32
      %sign3A_1047 = arith.constant 0 : i32
      %sign3A_1048 = arith.cmpi slt, %add3A_1005, %sign3A_1047 : i32
      %sign3A_1049 = arith.extui %sign3A_1048 : i1 to i32
      %sign3A_1050 = arith.subi %sign3A_1046, %sign3A_1049 : i32
      %sign3A_1051 = arith.constant 0 : i32
      %sign3A_1052 = arith.cmpi sgt, %jit3A_1042, %sign3A_1051 : i32
      %sign3A_1053 = arith.extui %sign3A_1052 : i1 to i32
      %sign3A_1054 = arith.constant 0 : i32
      %sign3A_1055 = arith.cmpi slt, %jit3A_1042, %sign3A_1054 : i32
      %sign3A_1056 = arith.extui %sign3A_1055 : i1 to i32
      %sign3A_1057 = arith.subi %sign3A_1053, %sign3A_1056 : i32
      %ne3A_1058 = arith.cmpi ne, %sign3A_1050, %sign3A_1057 : i32
      %rem3A_1059 = arith.remsi %add3A_1005, %jit3A_1042 : i32
      %ne3A_1060 = arith.constant 0 : i32
      %ne3A_1061 = arith.cmpi ne, %rem3A_1059, %ne3A_1060 : i32
      %and3A_1062 = arith.andi %ne3A_1058, %ne3A_1061 : i1
      %sub3A_1063 = arith.constant 1 : i32
      %sub3A_1064 = arith.subi %div3A_1043, %sub3A_1063 : i32
      %select_n3A_1065 = arith.select %and3A_1062, %sub3A_1064, %div3A_1043 : i32
      %broadcast_in_dim3A_1066 = vector.broadcast %select_n3A_1065 : i32 to vector<16xi32>
      %get3A_1067 = arith.constant 0 : index
      %get3A_1068 = tpu.vector_load %arg6[%get3A_1067] {strides = array<i32>} : memref<32xi32, #tpu.memory_space<vmem>>, vector<16xi32>,
      %get3A_1069 = arith.constant 16 : index
      %get3A_1070 = tpu.vector_load %arg6[%get3A_1069] {strides = array<i32>} : memref<32xi32, #tpu.memory_space<vmem>>, vector<16xi32>,
      %eq3A_1071 = arith.constant 0 : i32
      %eq3A_1072 = vector.broadcast %eq3A_1071 : i32 to vector<16xi32>
      %eq3A_1073 = arith.cmpi eq, %broadcast_in_dim3A_1066, %eq3A_1072 : vector<16xi32>
      %select_n3A_1074 = arith.select %eq3A_1073, %get3A_1068, %get3A_1070 : vector<16xi1>, vector<16xi32>
      %jit3A_1075 = arith.constant 16 : i32
      %eq3A_1076 = arith.constant 0 : i32
      %eq3A_1077 = arith.cmpi eq, %jit3A_1075, %eq3A_1076 : i32
      %jit3A_1078 = arith.constant 1 : i32
      %select_n3A_1079 = arith.select %eq3A_1077, %jit3A_1078, %jit3A_1075 : i32
      %rem3A_1080 = arith.remsi %add3A_1005, %select_n3A_1079 : i32
      %ne3A_1081 = arith.constant 0 : i32
      %ne3A_1082 = arith.cmpi ne, %rem3A_1080, %ne3A_1081 : i32
      %lt3A_1083 = arith.constant 0 : i32
      %lt3A_1084 = arith.cmpi slt, %rem3A_1080, %lt3A_1083 : i32
      %lt3A_1085 = arith.constant 0 : i32
      %lt3A_1086 = arith.cmpi slt, %select_n3A_1079, %lt3A_1085 : i32
      %ne3A_1087 = arith.xori %lt3A_1084, %lt3A_1086 : i1
      %and3A_1088 = arith.andi %ne3A_1087, %ne3A_1082 : i1
      %add3A_1089 = arith.addi %rem3A_1080, %select_n3A_1079 : i32
      %select_n3A_1090 = arith.select %and3A_1088, %add3A_1089, %rem3A_1080 : i32
      %broadcast_in_dim3A_1091 = vector.broadcast %select_n3A_1090 : i32 to vector<16xi32>
      %lt3A_1092 = arith.constant 0 : i32
      %lt3A_1093 = vector.broadcast %lt3A_1092 : i32 to vector<16xi32>
      %lt3A_1094 = arith.cmpi slt, %broadcast_in_dim3A_1091, %lt3A_1093 : vector<16xi32>
      %add3A_1095 = arith.constant 16 : i32
      %add3A_1096 = vector.broadcast %add3A_1095 : i32 to vector<16xi32>
      %add3A_1097 = arith.addi %broadcast_in_dim3A_1091, %add3A_1096 : vector<16xi32>
      %select_n3A_1098 = arith.select %lt3A_1094, %add3A_1097, %broadcast_in_dim3A_1091 : vector<16xi1>, vector<16xi32>
      %broadcast_in_dim3A_1099 = vector.shape_cast %select_n3A_1098 : vector<16xi32> to vector<16x1xi32>
      %gather3A_1100 = vector.shape_cast %broadcast_in_dim3A_1099 : vector<16x1xi32> to vector<16xi32>
      %gather3A_1101 = tpu.dynamic_gather %select_n3A_1074[%gather3A_1100] in [0] : vector<16xi32>, vector<16xi32> -> vector<16xi32>
      %sub3A_1102 = arith.constant 99968 : i32
      %sub3A_1103 = vector.broadcast %sub3A_1102 : i32 to vector<16xi32>
      %sub3A_1104 = arith.subi %gather3A_1101, %sub3A_1103 : vector<16xi32>
      %ge3A_1105 = arith.constant 0 : i32
      %ge3A_1106 = vector.broadcast %ge3A_1105 : i32 to vector<16xi32>
      %ge3A_1107 = arith.cmpi sge, %sub3A_1104, %ge3A_1106 : vector<16xi32>
      %lt3A_1108 = arith.constant 32 : i32
      %lt3A_1109 = vector.broadcast %lt3A_1108 : i32 to vector<16xi32>
      %lt3A_1110 = arith.cmpi slt, %sub3A_1104, %lt3A_1109 : vector<16xi32>
      %and3A_1111 = arith.andi %ge3A_1107, %lt3A_1110 : vector<16xi1>
      %jit3A_1112 = arith.constant 0 : i32
      %jit3A_1113 = arith.constant 31 : i32
      %max3A_1114 = vector.broadcast %jit3A_1112 : i32 to vector<16xi32>
      %max3A_1115 = arith.maxsi %max3A_1114, %sub3A_1104 : vector<16xi32>
      %min3A_1116 = vector.broadcast %jit3A_1113 : i32 to vector<16xi32>
      %min3A_1117 = arith.minsi %min3A_1116, %max3A_1115 : vector<16xi32>
      %broadcast_in_dim3A_1118 = arith.constant 7 : i32
      %broadcast_in_dim3A_1119 = vector.broadcast %broadcast_in_dim3A_1118 : i32 to vector<16xi32>
      %gather3A_1120 = tpu.vector_load_idx %arg11[%broadcast_in_dim3A_1119, %min3A_1117] : memref<8x32xf32, #tpu.memory_space<vmem>>[vector<16xi32>, vector<16xi32>], vector<16xf32>,
      %broadcast_in_dim3A_1121 = vector.broadcast %add3A_1005 : i32 to vector<16xi32>
      %and3A_1122 = arith.andi %eq3A_1041, %and3A_1111 : vector<16xi1>
      tpu.vector_store_idx %arg7[%broadcast_in_dim3A_1121], %gather3A_1120 masked %and3A_1122 : memref<32xf32, #tpu.memory_space<vmem>>[vector<16xi32>], vector<16xf32>, vector<16xi1>
    }
    %scan3A_158 = arith.constant 4 : i32
    "tpu.region"() ({
      %run_scoped3A = tpu.sem_alloc : memref<!tpu.dma_semaphore, #tpu.memory_space<semaphore_mem>>
      %dma_start3A_159 = tpu.memref_slice %arg4[%mul3A_2] : memref<1024xf32, #tpu.memory_space<hbm>> -> memref<32xf32, #tpu.memory_space<hbm>>
      %dma_start3A_160 = tpu.memref_slice %arg4[%mul3A_2] : memref<1024xf32, #tpu.memory_space<hbm>> -> memref<32xf32, #tpu.memory_space<hbm>>
      tpu.enqueue_dma source(%arg7 : memref<32xf32, #tpu.memory_space<vmem>>) target(%dma_start3A_160 : memref<32xf32, #tpu.memory_space<hbm>>) target_semaphore(%run_scoped3A : memref<!tpu.dma_semaphore, #tpu.memory_space<semaphore_mem>>)
      %dma_wait3A = tpu.memref_slice %arg4[%mul3A_2] : memref<1024xf32, #tpu.memory_space<hbm>> -> memref<32xf32, #tpu.memory_space<hbm>>
      %dma_wait3A_161 = tpu.memref_slice %arg4[%mul3A_2] : memref<1024xf32, #tpu.memory_space<hbm>> -> memref<32xf32, #tpu.memory_space<hbm>>
      tpu.wait_dma2 semaphore(%run_scoped3A : memref<!tpu.dma_semaphore, #tpu.memory_space<semaphore_mem>>) src(%arg7 : memref<32xf32, #tpu.memory_space<vmem>>) dst(%dma_wait3A_161 : memref<32xf32, #tpu.memory_space<hbm>>)
      tpu.yield
    }) : () -> ()
    "tpu.region"() ({
      %run_scoped3A = tpu.sem_alloc : memref<!tpu.dma_semaphore, #tpu.memory_space<semaphore_mem>>
      %dma_start3A_159 = arith.constant 0 : i32
      %dma_start3A_160 = tpu.memref_slice %arg5[%mul3A_2, %dma_start3A_159] : memref<1024x16xf32, #tpu.memory_space<hbm>> -> memref<32x16xf32, #tpu.memory_space<hbm>>
      %dma_start3A_161 = arith.constant 0 : i32
      %dma_start3A_162 = tpu.memref_slice %arg5[%mul3A_2, %dma_start3A_161] : memref<1024x16xf32, #tpu.memory_space<hbm>> -> memref<32x16xf32, #tpu.memory_space<hbm>>
      tpu.enqueue_dma source(%arg8 : memref<32x16xf32, #tpu.memory_space<vmem>>) target(%dma_start3A_162 : memref<32x16xf32, #tpu.memory_space<hbm>>) target_semaphore(%run_scoped3A : memref<!tpu.dma_semaphore, #tpu.memory_space<semaphore_mem>>)
      %dma_wait3A = arith.constant 0 : i32
      %dma_wait3A_163 = tpu.memref_slice %arg5[%mul3A_2, %dma_wait3A] : memref<1024x16xf32, #tpu.memory_space<hbm>> -> memref<32x16xf32, #tpu.memory_space<hbm>>
      %dma_wait3A_164 = arith.constant 0 : i32
      %dma_wait3A_165 = tpu.memref_slice %arg5[%mul3A_2, %dma_wait3A_164] : memref<1024x16xf32, #tpu.memory_space<hbm>> -> memref<32x16xf32, #tpu.memory_space<hbm>>
      tpu.wait_dma2 semaphore(%run_scoped3A : memref<!tpu.dma_semaphore, #tpu.memory_space<semaphore_mem>>) src(%arg8 : memref<32x16xf32, #tpu.memory_space<vmem>>) dst(%dma_wait3A_165 : memref<32x16xf32, #tpu.memory_space<hbm>>)
      tpu.yield
    }) : () -> ()
    return
  }
}

module attributes {stable_mosaic.version = 14 : i64} {
  func.func @_tc_body(%arg0: memref<1024x1xf32, #tpu.memory_space<vmem>>, %arg1: memref<1024x16xf32, #tpu.memory_space<vmem>>, %arg2: memref<1x1xf32, #tpu.memory_space<vmem>>) attributes {dimension_semantics = [], scalar_prefetch = 0 : i64, scratch_operands = 0 : i64, tpu.core_type = #tpu.core_type<tc>} {
    %get3A = arith.constant 0 : index
    %get3A_0 = arith.constant 0 : index
    %get3A_1 = vector.load %arg0[%get3A, %get3A_0] : memref<1024x1xf32, #tpu.memory_space<vmem>>, vector<1024x1xf32>
    %get3A_2 = arith.constant 0 : index
    %get3A_3 = arith.constant 0 : index
    %get3A_4 = vector.load %arg1[%get3A_2, %get3A_3] : memref<1024x16xf32, #tpu.memory_space<vmem>>, vector<1024x16xf32>
    %slice3A = vector.extract_strided_slice %get3A_4 {offsets = [0, 15], sizes = [1024, 1], strides = [1, 1]} : vector<1024x16xf32> to vector<1024x1xf32>
    %max3A = arith.maximumf %slice3A, %get3A_1 : vector<1024x1xf32>
    %sub3A = vector.broadcast %max3A : vector<1024x1xf32> to vector<1024x16xf32>
    %sub3A_5 = arith.subf %get3A_4, %sub3A : vector<1024x16xf32>
    %exp3A = math.exp %sub3A_5 : vector<1024x16xf32>
    %reduce_sum3A = arith.constant dense<0.000000e+00> : vector<1024xf32>
    %reduce_sum3A_6 = vector.multi_reduction <add>, %exp3A, %reduce_sum3A [1] : vector<1024x16xf32> to vector<1024xf32>
    %broadcast_in_dim3A = vector.shape_cast %reduce_sum3A_6 : vector<1024xf32> to vector<1024x1xf32>
    %slice3A_7 = vector.extract_strided_slice %get3A_4 {offsets = [0, 0], sizes = [1024, 1], strides = [1, 1]} : vector<1024x16xf32> to vector<1024x1xf32>
    %ge3A = arith.cmpf oge, %get3A_1, %slice3A_7 : vector<1024x1xf32>
    %select_n3A = arith.select %ge3A, %get3A_1, %slice3A_7 : vector<1024x1xi1>, vector<1024x1xf32>
    %sub3A_8 = arith.subf %select_n3A, %max3A : vector<1024x1xf32>
    %exp3A_9 = math.exp %sub3A_8 : vector<1024x1xf32>
    %sub3A_10 = arith.subf %broadcast_in_dim3A, %exp3A_9 : vector<1024x1xf32>
    %sub3A_11 = arith.subf %get3A_1, %max3A : vector<1024x1xf32>
    %exp3A_12 = math.exp %sub3A_11 : vector<1024x1xf32>
    %add3A = arith.addf %sub3A_10, %exp3A_12 : vector<1024x1xf32>
    %log3A = math.log %add3A : vector<1024x1xf32>
    %add3A_13 = arith.addf %max3A, %log3A : vector<1024x1xf32>
    %sub3A_14 = arith.subf %add3A_13, %get3A_1 : vector<1024x1xf32>
    %reduce_sum3A_15 = vector.shape_cast %sub3A_14 : vector<1024x1xf32> to vector<1x1024x1xf32>
    %reduce_sum3A_16 = arith.constant dense<0.000000e+00> : vector<1xf32>
    %reduce_sum3A_17 = vector.multi_reduction <add>, %reduce_sum3A_15, %reduce_sum3A_16 [1, 2] : vector<1x1024x1xf32> to vector<1xf32>
    %reduce_sum3A_18 = vector.shape_cast %reduce_sum3A_17 : vector<1xf32> to vector<1x1x1xf32>
    %reduce_sum3A_19 = vector.extract %reduce_sum3A_18[0, 0, 0] : f32 from vector<1x1x1xf32>
    %div3A = arith.constant 1.024000e+03 : f32
    %div3A_20 = arith.divf %reduce_sum3A_19, %div3A : f32
    %broadcast_in_dim3A_21 = vector.broadcast %div3A_20 : f32 to vector<1x1xf32>
    %swap3A = arith.constant 0 : index
    %swap3A_22 = arith.constant 0 : index
    %swap3A_23 = vector.load %arg2[%swap3A, %swap3A_22] : memref<1x1xf32, #tpu.memory_space<vmem>>, vector<1x1xf32>
    tpu.vector_store %arg2[%swap3A, %swap3A_22], %broadcast_in_dim3A_21 {strides = array<i32>} : memref<1x1xf32, #tpu.memory_space<vmem>>, vector<1x1xf32>,
    return
  }
}

</mosaic_0001>

<sc_bundles>
// kernel: kernel.4.cloned.1.call-start
scs
__scs_entry_jumppad:
0x0: {  	(pc) =	sbr.rel $0x88, $3  }
0x1: {  	(tag) =	ssettag $0x0;
	lr =	simm.s32 $0x1  }
0x2: {  	[smem:$0x3F9F] =	sst lr;
	_ =	strace $0xD0000000  }
0x3: {  	_ = 	snop  }
0x4: {  	_ = 	snop  }
0x5: {  	_ = 	snop  }
0x6: {  	_ = 	snop  }
0x7: {  	_ = 	snop  }
__scs_overlays_trampoline_lowered:
0x8: {  	[smem:$0x3FAE] =	sst s0  }
0x9: {  	[smem:$0x3FAF] =	sst s1  }
0xa: {  	[smem:$0x3FB0] =	sst s2  }
0xb: {  	[smem:$0x3FB1] =	sst s3  }
0xc: {  	[smem:$0x3FB2] =	sst s4  }
0xd: {  	[smem:$0x3FB3] =	sst s5  }
0xe: {  	[smem:$0x3FB4] =	sst s6  }
0xf: {  	[smem:$0x3FB5] =	sst s7  }
0x10: {  	[smem:$0x3FB6] =	sst s8  }
0x11: {  	[smem:$0x3FB7] =	sst s9;
	s0 =	simm.s32 @!p0 $0x0  }
0x12: {  	s1 =	sld [smem:$0x3F9D];
	s0 =	simm.s32 @p0 $0x1  }
0x13: {  	[smem:$0x3FB8] =	sst s0;
	s0 =	simm.s32 @!p1 $0x0  }
0x14: {  	s2 =	sld [smem:$0x3F9C];
	s0 =	simm.s32 @p1 $0x1  }
0x15: {  	[smem:$0x3FB9] =	sst s0;
	s0 =	simm.s32 @!p2 $0x0  }
0x16: {  	s3 =	sld [smem:$0x3FDB];
	s0 =	simm.s32 @p2 $0x1  }
0x17: {  	s4 =	simm.s32 $0x1BF5;
	[smem:$0x3FBB] =	sst s0  }
0x18: {  	s0 =	sld [smem:$0x3F9E];
	_ =	swait.ge [sflag:s4], $0x0  }
0x19: {  	s7 =	sld [smem:$0x3F9F]  }
0x1a: {  	s8 =	sadd.s32 $0xFFFFE003, lr  }
0x1b: {  	s9 =	sadd.s32 $0xFFFFFEF7, lr;
	s5 =	simm.s32 $0xFFFFFFFF;
	p2 =	slt.u32 s8, $0xFFFFF086  }
0x1c: {  	p1 =	slt.u32 s9, $0xF7A;
	s5 =	simm.s32 @!p2 $0x0  }
0x1d: {  	s5 =	simm.s32 @p1 $0x1;
	p0 =	seq.s32 s7, s2  }
0x1e: {  	s7 =	smul.u32 @!p0 $0xF7A, s2;
	p2 =	seq.s32 @!p0 s5, $0x0  }
0x1f: {  	s9 =	smul.u32 $0xF7A, s1;
	s8 =	simm.s32 @!p0 $0x1BF5;
	p2 =	por !p2, p0  }
0x20: {  	[sflag:s8] =	ssyncset.s32 @!p0 $0xFFFFF086;
	s6 =	sadd.s32 @!p0 s3, s7;
	s7 =	simm.s32 @!p0 $0x108  }
0x21: {  	s3 =	sadd.s32 s3, s9;
	s6 =	sadd.s32 @!p0 $0x88, s6;
	s7 =	simm.s32 @p2 $0x1082  }
0x22: {  	[simem:s7], [sflag:s8] =	dma.local @!p0 [hbm:s6], $0xF7A  }
0x23: {  	s9 =	sor.u32 $0xD0000000, s2;
	s6 =	simm.s32 $0x108;
	_ =	swait.ge @!p0 [sflag:s8], $0x0  }
0x24: {  	s3 =	sadd.s32 $0x88, s3;
	s6 =	simm.s32 @!p1 $0x1082;
	[sflag:s4] =	ssyncset.s32 $0xFFFFF086  }
0x25: {  	[simem:s6], [sflag:s4] =	dma.local [hbm:s3], $0xF7A  }
0x26: {  	[smem:$0x3F9F] =	sst s1;
	(tag) =	ssettag s2;
	_ =	strace s9  }
0x27: {  	s1 =	sld [smem:$0x3FAF]  }
0x28: {  	s2 =	sld [smem:$0x3FB0]  }
0x29: {  	s4 =	sld [smem:$0x3FB2]  }
0x2a: {  	p0 =	seq.s32 s5, $0x0;
	s5 =	sld [smem:$0x3FB3]  }
0x2b: {  	s6 =	sld [smem:$0x3FB4]  }
0x2c: {  	s7 =	sld [smem:$0x3FB5]  }
0x2d: {  	s3 =	simm.s32 $0x108;
	s8 =	sld [smem:$0x3FB6]  }
0x2e: {  	s3 =	simm.s32 @!p0 $0x1082;
	s9 =	sld [smem:$0x3FB7]  }
0x2f: {  	lr =	sadd.s32 s0, s3;
	s0 =	sld [smem:$0x3FAE]  }
0x30: {  	s3 =	sld [smem:$0x3FB1]  }
0x31: {  	[smem:$0x3FBA] =	sst s10  }
0x32: {  	s10 =	sld [smem:$0x3FB8];
	_ =	sdelay $0x3  }
0x33: {  	p0 =	seq.s32 s10, $0x1;
	s10 =	sld [smem:$0x3FBA];
	_ =	sdelay $0x3  }
0x34: {  	[smem:$0x3FBA] =	sst s10  }
0x35: {  	s10 =	sld [smem:$0x3FB9];
	_ =	sdelay $0x3  }
0x36: {  	p1 =	seq.s32 s10, $0x1;
	s10 =	sld [smem:$0x3FBA];
	_ =	sdelay $0x3  }
0x37: {  	[smem:$0x3FBA] =	sst s10  }
0x38: {  	s10 =	sld [smem:$0x3FBB]  }
0x39: {  	_ = 	snop;
	(pc) =	sbr.ind lr, $3  }
0x3a: {  	_ = 	snop  }
0x3b: {  	_ = 	snop  }
0x3c: {  	p2 =	seq.s32 s10, $0x1;
	s10 =	sld [smem:$0x3FBA]  }
0x3d: {  	_ =	shalt  }
0x3e: {  	_ =	shalt  }
0x3f: {  	_ =	shalt  }
0x40: {  	_ =	shalt  }
0x41: {  	_ =	shalt  }
0x42: {  	_ =	shalt  }
0x43: {  	_ =	shalt  }
0x44: {  	_ =	shalt  }
0x45: {  	_ =	shalt  }
0x46: {  	_ =	shalt  }
0x47: {  	_ =	shalt  }
0x48: {  	_ =	shalt  }
0x49: {  	_ =	shalt  }
0x4a: {  	_ =	shalt  }
0x4b: {  	_ =	shalt  }
0x4c: {  	_ =	shalt  }
0x4d: {  	_ =	shalt  }
0x4e: {  	_ =	shalt  }
0x4f: {  	_ =	shalt  }
0x50: {  	_ =	shalt  }
0x51: {  	_ =	shalt  }
0x52: {  	_ =	shalt  }
0x53: {  	_ =	shalt  }
0x54: {  	_ =	shalt  }
0x55: {  	_ =	shalt  }
0x56: {  	_ =	shalt  }
0x57: {  	_ =	shalt  }
0x58: {  	_ =	shalt  }
0x59: {  	_ =	shalt  }
0x5a: {  	_ =	shalt  }
0x5b: {  	_ =	shalt  }
0x5c: {  	_ =	shalt  }
0x5d: {  	_ =	shalt  }
0x5e: {  	_ =	shalt  }
0x5f: {  	_ =	shalt  }
0x60: {  	_ =	shalt  }
0x61: {  	_ =	shalt  }
0x62: {  	_ =	shalt  }
0x63: {  	_ =	shalt  }
0x64: {  	_ =	shalt  }
0x65: {  	_ =	shalt  }
0x66: {  	_ =	shalt  }
0x67: {  	_ =	shalt  }
0x68: {  	_ =	shalt  }
0x69: {  	_ =	shalt  }
0x6a: {  	_ =	shalt  }
0x6b: {  	_ =	shalt  }
0x6c: {  	_ =	shalt  }
0x6d: {  	_ =	shalt  }
0x6e: {  	_ =	shalt  }
0x6f: {  	_ =	shalt  }
0x70: {  	_ =	shalt  }
0x71: {  	_ =	shalt  }
0x72: {  	_ =	shalt  }
0x73: {  	_ =	shalt  }
0x74: {  	_ =	shalt  }
0x75: {  	_ =	shalt  }
0x76: {  	_ =	shalt  }
0x77: {  	_ =	shalt  }
0x78: {  	_ =	shalt  }
0x79: {  	_ =	shalt  }
0x7a: {  	_ =	shalt  }
0x7b: {  	_ =	shalt  }
0x7c: {  	_ =	shalt  }
0x7d: {  	_ =	shalt  }
0x7e: {  	_ =	shalt  }
0x7f: {  	_ =	shalt  }
0x80: {  	_ =	shalt  }
0x81: {  	_ =	shalt  }
0x82: {  	_ =	shalt  }
0x83: {  	_ =	shalt  }
0x84: {  	_ =	shalt  }
0x85: {  	_ =	shalt  }
0x86: {  	_ =	shalt  }
0x87: {  	_ =	shalt  }
.Lfunc_end0:
.L_simem_size_0:
called_computation_lowered:
.L_overlay_start_0:
0x88: {  	s2 =	sld [smem:$0x3FD9]  }
0x89: {  	s3 =	sld [smem:$0x3FFE];
	_ =	sdelay $0x1  }
0x8a: {  	s1 =	srdreg.scid  }
0x8b: {  	s0 =	sand.u32 $0x1, s1  }
0x8c: {  	s17 =	sshll.u32 s0, $0xA;
	s2 =	sadd.s32 s3, s2  }
0x8d: {  	s2 =	sadd.s32 s2, s17  }
0x8e: {  	[smem:$0x3FC6] =	sst s2  }
0x8f: {  	_ = 	snop  }
0x90: {  	s2 =	sld [smem:$0x3FC8];
	(tm) =	ssettm $0x1  }
0x91: {  	s18 =	sld [smem:$0x3FFB];
	_ =	sdelay $0x3  }
0x92: {  	_ =	strace s18  }
0x93: {  	s3 =	sld [smem:$0x3FFC];
	_ =	sdelay $0x3  }
0x94: {  	_ =	strace s3  }
0x95: {  	s3 =	sld [smem:$0x3FFD];
	_ =	sdelay $0x3  }
0x96: {  	_ =	strace s3  }
0x97: {  	_ =	strace $0x8FFFFFFF  }
0x98: {  	s19 =	sld [smem:$0x3FDB];
	_ =	sdelay $0x1  }
0x99: {  	s4 =	simm.s32 $_scs_section_size  }
0x9a: {  	s5 =	simm.s32 $_size__tile_overlayer_lowered;
	s6 =	simm.s32 $_tile_overlayer_lowered  }
0x9b: {  	s22 =	simm.s32 $0x1BFF;
	s21 =	sshll.u32 s6, $0x1;
	s3 =	sadd.s32 s4, s19  }
0x9c: {  	s7 =	simm.s32 $0x0;
	s20 =	sshll.u32 s5, $0x1;
	s5 =	sadd.s32 s21, s3  }
0x9d: {  	[timem:s7], [sflag:s22] =	dma.local [hbm:s5], s20  }
0x9e: {  	_ =	swait.ge [sflag:s22], s20  }
0x9f: {  	s4 =	ssub.s32 $0x0, s20;
	[sflag:s22] =	ssyncset.done $0x0  }
0xa0: {  	[sflag:s22] =	ssyncadd.s32 s4;
	_ =	sdelay $0x1  }
0xa1: {  	s23 =	simm.s32 $0x1B8B  }
0xa2: {  	_ =	swait.ge [sflag:s23], $0x1  }
0xa3: {  	[sflag:s23] =	ssyncset.done $0x0  }
0xa4: {  	s25 =	simm.s32 $0x1B8E;
	s24 =	sld [smem:$0x3FFE];
	[sflag:s23] =	ssyncadd.s32 $0xFFFFFFFF  }
0xa5: {  	s26 =	simm.s32 $execute0_lowered;
	[smem:$0x3FD2] =	sst s25  }
0xa6: {  	s5 =	sshll.u32 s26, $0x1;
	_ =	strace $0x80000046;
	[dreg:$0x1] =	wrdreg $0xFFFFFFFF  }
0xa7: {  	s28 =	simm.s32 $_size_execute0_lowered;
	s3 =	sadd.s32 s3, s5;
	[dreg:$0x0] =	wrdreg $0x0  }
0xa8: {  	s5 =	sshll.u32 s28, $0x1;
	[dreg:$0x2] =	wrdreg s3  }
0xa9: {  	[dreg:$0x3] =	wrdreg s5  }
0xaa: {  	[dreg:$0x4] =	wrdreg $0xC0  }
0xab: {  	_ =	task [dreg:s7], $0x5FFFF  }
0xac: {  	[dreg:$0x1] =	wrdreg $0xFFFFFFFF  }
0xad: {  	[dreg:$0x0] =	wrdreg $0x60  }
0xae: {  	[dreg:$0x2] =	wrdreg s24  }
0xaf: {  	[dreg:$0x3] =	wrdreg s2  }
0xb0: {  	[dreg:$0x4] =	wrdreg $0x9  }
0xb1: {  	_ =	task.clear_ibuf [dreg:s7], $0x5FFFF;
	_ =	strace $0x90000046  }
0xb2: {  	s29 =	simm.s32 $0x9;
	_ =	strace $0x80000048  }
0xb3: {  	_ =	swait.ge [sflag:s29], $0x1  }
0xb4: {  	[sflag:s29] =	ssyncadd.s32 $0xFFFFFFFF  }
0xb5: {  	_ =	strace $0x90000048  }
0xb6: {  	_ =	sfence  }
0xb7: {  	s30 =	sld [smem:$0x0];
	_ =	sdelay $0x2  }
0xb8: {  	s31 =	sshll.u32 s1, $0xD;
	s1 =	sshrl.u32 s1, $0x2  }
0xb9: {  	s3 =	sand.u32 $0x4000, s31;
	s1 =	sadd.s32 s1, s30  }
0xba: {  	s0 =	sor.u32 s3, s0;
	s1 =	sshll.u32 s1, $0x11  }
0xbb: {  	s0 =	sor.u32 s1, s0  }
0xbc: {  	s0 =	sadd.s32 $0x8F2B, s0  }
0xbd: {  	[sflag:s0] =	ssyncadd.remote.s32 $0x1  }
0xbe: {  	_ =	sfence.sel $0xFFFF  }
0xbf: {  	[dreg:$0x0] =	wrdreg $0xFFFFFFFF;
	(pc) =	sbr.abs _section_cstart, $3  }
0xc0: {  	[dreg:$0x1] =	wrdreg $0xFFFFFFFF  }
0xc1: {  	_ =	task.clear_ibuf [dreg:s7], $0x2FFFF;
	_ =	strace $0x9FFFFFFF  }
0xc2: {  	(tm) =	ssettm $0x7FFFFFFF  }
0xc3: {  	_ =	shalt  }
tec
execute0_lowered:
.L_overlay_start_1:
0x0: {  	(tag) =	ssettag $0x1  }
0x1: {  	s0 =	srdreg.scid;
	s1 =	rddreg [dreg:$0x0]  }
0x2: {  	s2 =	stileid.u32;
	s5 =	rddreg [dreg:$0x1]  }
0x3: {  	s12 =	simm.s32 $0x4;
	s29 =	simm.s32 $0x5100;
	s0 =	sand.u32 $0x1, s0  }
0x4: {  	s2 =	sshll.u32 s2, $0x6;
	s4 =	sadd.s32 $0xA00, s1;
	s3 =	sshll.u32 s0, $0x5  }
0x5: {  	s0 =	ssub.s32 $0x2, s0;
	s6 =	sor.u32 s3, s2;
	s2 =	simm.s32 $0x0  }
0x6: {  	s14 =	sshrl.u32 s0, $0x1;
	s3 =	sshrl.u32 s6, $0x3;
	[smem:$0x7FF] =	sst s2  }
0x7: {  	s6 =	sshll.u32 s6, $0x4;
	s0 =	ssub.s32 s0, s14;
	s7 =	smul.u32 $0xC3800, s3  }
0x8: {  	_ =	strace $0x80000047;
	s8 =	sadd.s32 s3, s1;
	s5 =	sadd.s32 s5, s3  }
0x9: {  	s1 =	sadd.s32 s6, s1;
	s0 =	smax.u32 s0, $0x1;
	[dreg:$0x4] =	wrdreg s5  }
0xa: {  	s21 =	smul.u32 $0x18700, s3;
	s26 =	sadd.s32 $0xC38A00, s8;
	[dreg:$0x11] =	wrdreg s0  }
0xb: {  	s1 =	sadd.s32 $0xC38C00, s1;
	s7 =	sshrl.u32 s7, $0x3;
	[dreg:$0xf] =	wrdreg s26  }
0xc: {  	s5 =	sadd.s32 s21, s4;
	[dreg:$0x10] =	wrdreg s1;
	s7 =	sadd.s32 s4, s7  }
0xd: {  	s30 =	simm.s32 $0x5500;
	s28 =	sadd.s32 $0x18680, s5;
	[dreg:$0x3] =	wrdreg s7  }
0xe: {  	s31 =	simm.s32 $0x5900;
	s15 =	sadd.s32 $0x80, s7;
	[dreg:$0x12] =	wrdreg s28  }
0xf: {  	s9 =	simm.s32 $0x2;
	s16 =	sadd.s32 $0x100, s7;
	[dreg:$0x5] =	wrdreg s15  }
0x10: {  	s10 =	simm.s32 $0x6900;
	s17 =	sadd.s32 $0x180, s7;
	[dreg:$0x6] =	wrdreg s16  }
0x11: {  	s11 =	simm.s32 $0x3;
	s18 =	sadd.s32 $0x200, s7;
	[dreg:$0x7] =	wrdreg s17  }
0x12: {  	s13 =	simm.s32 $0x0;
	s19 =	sadd.s32 $0x280, s7;
	[dreg:$0x8] =	wrdreg s18  }
0x13: {  	s6 =	simm.s32 $0x6500;
	s20 =	sadd.s32 $0x300, s7;
	[dreg:$0x9] =	wrdreg s19  }
0x14: {  	s0 =	simm.s32 $0x6100;
	s22 =	sadd.s32 $0x380, s7;
	[dreg:$0xa] =	wrdreg s20  }
0x15: {  	s8 =	simm.s32 $0x80;
	s23 =	sadd.s32 $0x400, s7;
	[dreg:$0xb] =	wrdreg s22  }
0x16: {  	s1 =	simm.s32 $0x5D00;
	s24 =	sadd.s32 $0x480, s7;
	[dreg:$0xc] =	wrdreg s23  }
0x17: {  	s25 =	sadd.s32 $0x500, s7;
	s7 =	simm.s32 $0x1;
	[dreg:$0xd] =	wrdreg s24  }
0x18: {  	v0 =	vimm.s32 $0x0;
	vm0 =	vmmov $0x1;
	[dreg:$0xe] =	wrdreg s25;
	s22 =	simm.s32 $0x1100;
	s23 =	simm.s32 $0x3D00  }
.LBB2_1:
0x19: {  	[dreg:$0x13] =	wrdreg s13  }
0x1a: {  	s5 =	rddreg [dreg:$0x4]  }
0x1b: {  	[tilespmem:s2], [sflag:$0x4] =	stream.linear.gather [hbm4b:s5+s2], $0x20, $0x38;
	[tilespmem:$0x6D00] =	vst v63  }
0x1c: {  	_ =	swait.ge [sflag:s12], $0x20  }
0x1d: {  	[sflag:s12] =	ssyncset.done $0x0  }
0x1e: {  	s19 =	rddreg [dreg:$0x3];
	[sflag:s12] =	ssyncadd.s32 $0xFFFFFFE0  }
0x1f: {  	[tilespmem:s22], [sflag:$0x1] =	stream.linear.gather [hbm4b:s19+s2], $0x400, $0x38;
	[tilespmem:$0x6D00] =	vst v63  }
0x20: {  	s21 =	simm.s32 $0x1500;
	s20 =	rddreg [dreg:$0x5]  }
0x21: {  	[tilespmem:s21], [sflag:$0x1] =	stream.linear.gather [hbm4b:s20+s2], $0x400, $0x38;
	[tilespmem:$0x6D00] =	vst v63  }
0x22: {  	s25 =	simm.s32 $0x1900;
	s24 =	rddreg [dreg:$0x6]  }
0x23: {  	[tilespmem:s25], [sflag:$0x1] =	stream.linear.gather [hbm4b:s24+s2], $0x400, $0x38;
	[tilespmem:$0x6D00] =	vst v63  }
0x24: {  	s28 =	simm.s32 $0x1D00;
	s26 =	rddreg [dreg:$0x7]  }
0x25: {  	[tilespmem:s28], [sflag:$0x1] =	stream.linear.gather [hbm4b:s26+s2], $0x400, $0x38;
	[tilespmem:$0x6D00] =	vst v63  }
0x26: {  	s13 =	simm.s32 $0x2100;
	s12 =	rddreg [dreg:$0x8]  }
0x27: {  	[tilespmem:s13], [sflag:$0x1] =	stream.linear.gather [hbm4b:s12+s2], $0x400, $0x38;
	[tilespmem:$0x6D00] =	vst v63  }
0x28: {  	s15 =	simm.s32 $0x2500;
	s14 =	rddreg [dreg:$0x9]  }
0x29: {  	[tilespmem:s15], [sflag:$0x1] =	stream.linear.gather [hbm4b:s14+s2], $0x400, $0x38;
	[tilespmem:$0x6D00] =	vst v63  }
0x2a: {  	s17 =	simm.s32 $0x2900;
	s16 =	rddreg [dreg:$0xa]  }
0x2b: {  	[tilespmem:s17], [sflag:$0x1] =	stream.linear.gather [hbm4b:s16+s2], $0x400, $0x38;
	[tilespmem:$0x6D00] =	vst v63  }
0x2c: {  	s18 =	rddreg [dreg:$0xb];
	s19 =	simm.s32 $0x2D00  }
0x2d: {  	[tilespmem:s19], [sflag:$0x1] =	stream.linear.gather [hbm4b:s18+s2], $0x400, $0x38;
	[tilespmem:$0x6D00] =	vst v63  }
0x2e: {  	s20 =	rddreg [dreg:$0xc];
	s21 =	simm.s32 $0x3100  }
0x2f: {  	[tilespmem:s21], [sflag:$0x1] =	stream.linear.gather [hbm4b:s20+s2], $0x400, $0x38;
	[tilespmem:$0x6D00] =	vst v63  }
.Ltmp0:
0x30: {  	_ = 	snop;
	(pc) =	sbr.rel .LBB2_2-.Ltmp0, $4  }
0x31: {  	s24 =	rddreg [dreg:$0xd];
	s25 =	simm.s32 $0x3500  }
0x32: {  	[tilespmem:s25], [sflag:$0x1] =	stream.linear.gather [hbm4b:s24+s2], $0x400, $0x38;
	[tilespmem:$0x6D00] =	vst v63  }
0x33: {  	s26 =	rddreg [dreg:$0xe];
	s28 =	simm.s32 $0x3900;
	s13 =	simm.s32 $0x0  }
0x34: {  	[tilespmem:s28], [sflag:$0x1] =	stream.linear.gather [hbm4b:s26+s2], $0x400, $0x38;
	[tilespmem:$0x6D00] =	vst v63  }
.LBB2_18:
0x35: {  	s13 =	sadd.s32 $0x1, s13  }
0x36: {  	p0 =	sne.s32 s13, $0x8E  }
.Ltmp1:
0x37: {  	_ = 	snop;
	(pc) =	sbr.rel @!p0 .LBB2_19-.Ltmp1, $1  }
0x38: {  	_ =	sdelay $0x3  }
.LBB2_2:
0x39: {  	s5 =	sshllo.u32 s13, $0x1  }
0x3a: {  	s12 =	sand.u32 $0xFFFF, s5  }
0x3b: {  	s12 =	smul.u32 $0xE6C3, s12;
	_ =	sdelay $0x1  }
0x3c: {  	s15 =	sshrl.u32 s12, $0x16  }
0x3d: {  	s12 =	smul.u32 $0x47, s15;
	_ =	sdelay $0x1  }
0x3e: {  	s28 =	sadd.s32 s15, s3;
	s5 =	ssub.s32 s5, s12  }
0x3f: {  	s16 =	smul.u32 $0xC3800, s28;
	s14 =	sand.u32 $0xFFFF, s5  }
0x40: {  	s17 =	smul.u32 $0x2C00, s14;
	_ =	sdelay $0x1  }
0x41: {  	s5 =	sadd.s32 s17, s16  }
0x42: {  	s5 =	sshrl.u32 s5, $0x3  }
0x43: {  	s17 =	simm.s32 $0x0;
	s5 =	sadd.s32 s4, s5  }
0x44: {  	[tilespmem:s23], [sflag:$0x2] =	stream.linear.gather [hbm4b:s5+s17], $0x400, $0x38;
	[tilespmem:$0x6D00] =	vst v63  }
0x45: {  	s16 =	simm.s32 $0x4100;
	s18 =	sadd.s32 $0x80, s5  }
0x46: {  	[tilespmem:s16], [sflag:$0x2] =	stream.linear.gather [hbm4b:s18+s17], $0x400, $0x38;
	[tilespmem:$0x6D00] =	vst v63  }
0x47: {  	s20 =	simm.s32 $0x4500;
	s19 =	sadd.s32 $0x100, s5  }
0x48: {  	[tilespmem:s20], [sflag:$0x2] =	stream.linear.gather [hbm4b:s19+s17], $0x400, $0x38;
	[tilespmem:$0x6D00] =	vst v63  }
0x49: {  	s24 =	simm.s32 $0x4900;
	s21 =	sadd.s32 $0x180, s5  }
0x4a: {  	[tilespmem:s24], [sflag:$0x2] =	stream.linear.gather [hbm4b:s21+s17], $0x400, $0x38;
	[tilespmem:$0x6D00] =	vst v63  }
0x4b: {  	s26 =	simm.s32 $0x4D00;
	s25 =	sadd.s32 $0x200, s5  }
0x4c: {  	[tilespmem:s26], [sflag:$0x2] =	stream.linear.gather [hbm4b:s25+s17], $0x400, $0x38;
	[tilespmem:$0x6D00] =	vst v63  }
0x4d: {  	s28 =	sadd.s32 $0x280, s5  }
0x4e: {  	[tilespmem:s29], [sflag:$0x2] =	stream.linear.gather [hbm4b:s28+s17], $0x400, $0x38;
	[tilespmem:$0x6D00] =	vst v63  }
0x4f: {  	s16 =	sadd.s32 $0x300, s5  }
0x50: {  	[tilespmem:s30], [sflag:$0x2] =	stream.linear.gather [hbm4b:s16+s17], $0x400, $0x38;
	[tilespmem:$0x6D00] =	vst v63  }
0x51: {  	s18 =	sadd.s32 $0x380, s5  }
0x52: {  	[tilespmem:s31], [sflag:$0x2] =	stream.linear.gather [hbm4b:s18+s17], $0x400, $0x38;
	[tilespmem:$0x6D00] =	vst v63  }
0x53: {  	s19 =	sadd.s32 $0x400, s5  }
0x54: {  	[tilespmem:s1], [sflag:$0x2] =	stream.linear.gather [hbm4b:s19+s17], $0x400, $0x38;
	[tilespmem:$0x6D00] =	vst v63  }
0x55: {  	s20 =	sadd.s32 $0x480, s5  }
0x56: {  	[tilespmem:s0], [sflag:$0x2] =	stream.linear.gather [hbm4b:s20+s17], $0x400, $0x38;
	[tilespmem:$0x6D00] =	vst v63  }
0x57: {  	s5 =	sadd.s32 $0x500, s5  }
0x58: {  	[tilespmem:s6], [sflag:$0x2] =	stream.linear.gather [hbm4b:s5+s17], $0x400, $0x38;
	[tilespmem:$0x6D00] =	vst v63  }
0x59: {  	_ =	swait.ge [sflag:s7], $0x400  }
0x5a: {  	[sflag:s7] =	ssyncset.done $0x0  }
0x5b: {  	[sflag:s7] =	ssyncadd.s32 $0xFFFFFC00  }
0x5c: {  	_ =	swait.ge [sflag:s7], $0x400  }
0x5d: {  	[sflag:s7] =	ssyncset.done $0x0  }
0x5e: {  	[sflag:s7] =	ssyncadd.s32 $0xFFFFFC00  }
0x5f: {  	_ =	swait.ge [sflag:s7], $0x400  }
0x60: {  	[sflag:s7] =	ssyncset.done $0x0  }
0x61: {  	[sflag:s7] =	ssyncadd.s32 $0xFFFFFC00  }
0x62: {  	_ =	swait.ge [sflag:s7], $0x400  }
0x63: {  	[sflag:s7] =	ssyncset.done $0x0  }
0x64: {  	[sflag:s7] =	ssyncadd.s32 $0xFFFFFC00  }
0x65: {  	_ =	swait.ge [sflag:s7], $0x400  }
0x66: {  	[sflag:s7] =	ssyncset.done $0x0  }
0x67: {  	[sflag:s7] =	ssyncadd.s32 $0xFFFFFC00  }
0x68: {  	_ =	swait.ge [sflag:s7], $0x400  }
0x69: {  	[sflag:s7] =	ssyncset.done $0x0  }
0x6a: {  	[sflag:s7] =	ssyncadd.s32 $0xFFFFFC00  }
0x6b: {  	_ =	swait.ge [sflag:s7], $0x400  }
0x6c: {  	[sflag:s7] =	ssyncset.done $0x0  }
0x6d: {  	[sflag:s7] =	ssyncadd.s32 $0xFFFFFC00  }
0x6e: {  	s18 =	sshll.u32 s13, $0x1;
	_ =	swait.ge [sflag:s7], $0x400  }
0x6f: {  	s21 =	sand.u32 $0xFFFE, s18;
	[sflag:s7] =	ssyncset.done $0x0  }
0x70: {  	s5 =	smul.u32 $0xE6C3, s21;
	[sflag:s7] =	ssyncadd.s32 $0xFFFFFC00  }
0x71: {  	_ =	swait.ge [sflag:s7], $0x400  }
0x72: {  	s5 =	sshrl.u32 s5, $0x16;
	[sflag:s7] =	ssyncset.done $0x0  }
0x73: {  	s24 =	smul.u32 $0x47, s5;
	[sflag:s7] =	ssyncadd.s32 $0xFFFFFC00  }
0x74: {  	s25 =	smulhi.u32 $0xE6C2B449, s13;
	_ =	swait.ge [sflag:s7], $0x400  }
.Ltmp2:
0x75: {  	s12 =	ssub.s32 s18, s24;
	[sflag:s7] =	ssyncset.done $0x0;
	(pc) =	sbr.rel .LBB2_3-.Ltmp2, $4  }
0x76: {  	s19 =	sand.u32 $0xFFFF, s12;
	[sflag:s7] =	ssyncadd.s32 $0xFFFFFC00  }
0x77: {  	s28 =	sshrl.u32 s25, $0x6;
	s26 =	smul.u32 $0xFFFFFA80, s19;
	_ =	swait.ge [sflag:s7], $0x400  }
0x78: {  	p0 =	seq.s32 s28, $0x0;
	[sflag:s7] =	ssyncset.done $0x0  }
0x79: {  	s20 =	sshll.u32 s5, $0x3;
	s5 =	simm.s32 $0x1100;
	v1 =	vmov s26;
	[sflag:s7] =	ssyncadd.s32 $0xFFFFFC00  }
.LBB2_9:
0x7a: {  	s16 =	simm.s32 $0x0  }
0x7b: {  	[tilespmem:s24+$0x100] =	vst v3;
	s16 =	simm.s32 @!p0 $0x10  }
0x7c: {  	v2 =	vld [tilespmem:s16+$0x0];
	_ =	sdelay $0x3  }
0x7d: {  	v3 =	vmov s12  }
0x7e: {  	v2 =	vperm.xlane v2, v3;
	_ =	sdelay $0x1  }
0x7f: {  	v2 =	vadd.s32 v1, v2  }
0x80: {  	vm1 =	vgt.s32 v2, $0x0  }
0x81: {  	v4 =	vnsel vm1, $0x0, v2  }
0x82: {  	v4 =	vmin.u32 v4, $0x57F  }
0x83: {  	v5 =	vand.u32 $0x7F, v4  }
0x84: {  	vm1 =	vlt.s32 v2, $0x1;
	vm2 =	vne.s32 v5, $0x0  }
0x85: {  	vm1 =	vmand vm1, vm2  }
0x86: {  	v4 =	vshrl.u32 v4, $0x7;
	v6 =	vsel vm1, $0xFFFFFFFF, v0  }
0x87: {  	v4 =	vadd.s32 v6, v4  }
0x88: {  	v4 =	vshll.u32 v4, $0xA  }
0x89: {  	v4 =	vadd.s32 s21, v4  }
0x8a: {  	v4 =	vor.u32 v5, v4;
	_ =	sdelay $0x2  }
0x8b: {  	vm1 =	vlt.u32 v2, $0x580  }
0x8c: {  	s17 =	sadd.s32 $0x1, s17;
	vm1 =	vmand vm1, vm0  }
0x8d: {  	p1 =	sne.s32 s17, $0x8;
	v2 =	vld.idx.msk [tilespmem:v4+s22+$0x0], $0xffff  }
.Ltmp3:
0x8e: {  	_ = 	snop;
	(pc) =	sbr.rel @!p1 .LBB2_10-.Ltmp3, $2  }
0x8f: {  	_ =	sdelay $0x2  }
0x90: {  	s5 =	sadd.s32 $0x80, s5;
	[tilespmem:v3+s8+$0x0] =	vst.idx.msk vm1, v2  }
.LBB2_3:
0x91: {  	s12 =	sor.u32 s20, s17  }
0x92: {  	s16 =	sshll.u32 s12, $0x9  }
0x93: {  	s24 =	sshrl.u32 s16, $0x2  }
0x94: {  	v2 =	vld [tilespmem:s24+$0x100];
	_ =	sdelay $0x3  }
0x95: {  	p1 =	seq.s32 s19, $0x0  }
0x96: {  	v3 =	vpsel p1, $0xFF800000, v2  }
0x97: {  	(v2sf) =	vpush v3, $0x0;
	_ =	sdelay $0xa  }
.Ltmp4:
0x98: {  	_ = 	snop;
	(pc) =	sbr.rel .LBB2_4-.Ltmp4, $4  }
0x99: {  	s21 =	sshll.u32 s17, $0x7  }
0x9a: {  	s28 =	sand.u32 $0x3FFFFF80, s21  }
0x9b: {  	s16 =	sadd.s32 $0x1100, s28  }
0x9c: {  	s25 =	simm.s32 $0x0;
	v2 =	vmov s16;
	s16 =	smov.u32 s5;
	s26 =	spop (v2sf)  }
.LBB2_8:
0x9d: {  	s25 =	sadd.s32 $0x1, s25  }
0x9e: {  	p1 =	sne.s32 s25, $0xB  }
.Ltmp5:
0x9f: {  	_ = 	snop;
	(pc) =	sbr.rel @!p1 .LBB2_9-.Ltmp5, $2  }
0xa0: {  	_ =	sdelay $0x2  }
0xa1: {  	s16 =	sadd.s32 $0x400, s16  }
.LBB2_4:
0xa2: {  	_ =	sdelay $0x1  }
0xa3: {  	s28 =	sshll.u32 s25, $0xA  }
0xa4: {  	s28 =	sand.u32 $0x3FFFFC00, s28  }
0xa5: {  	v4 =	vld.idx.msk [tilespmem:v2+s28+$0x0 ss:$0x1], $0xffff  }
0xa6: {  	v5 =	vld.idx.msk [tilespmem:v2+s28+$0x10 ss:$0x1], $0xffff  }
0xa7: {  	v6 =	vld.idx.msk [tilespmem:v2+s28+$0x20 ss:$0x1], $0xffff  }
0xa8: {  	v7 =	vld.idx.msk [tilespmem:v2+s28+$0x30 ss:$0x1], $0xffff  }
0xa9: {  	v8 =	vld.idx.msk [tilespmem:v2+s28+$0x40 ss:$0x1], $0xffff  }
0xaa: {  	v9 =	vld.idx.msk [tilespmem:v2+s28+$0x50 ss:$0x1], $0xffff  }
0xab: {  	v10 =	vld.idx.msk [tilespmem:v2+s28+$0x60 ss:$0x1], $0xffff;
	v4 =	vmax.f32 v4, v5  }
0xac: {  	v5 =	vld.idx.msk [tilespmem:v2+s28+$0x70 ss:$0x1], $0xffff;
	v4 =	vmax.f32 v4, v6  }
0xad: {  	v4 =	vmax.f32 v4, v7  }
0xae: {  	v4 =	vmax.f32 v4, v8  }
0xaf: {  	v4 =	vmax.f32 v4, v9  }
0xb0: {  	v4 =	vmax.f32 v4, v10  }
0xb1: {  	v4 =	vmax.f32 v4, v5  }
0xb2: {  	vm1 =	vgt.f32 v4, s26  }
0xb3: {  	v4 =	vmpcnt.ones.xlane vm1;
	_ =	sdelay $0x1  }
0xb4: {  	(v2sf) =	vpush v4, $0x0;
	_ =	sdelay $0xe  }
0xb5: {  	s28 =	spop (v2sf)  }
0xb6: {  	p1 =	slt.s32 s28, $0x1  }
.Ltmp6:
0xb7: {  	_ = 	snop;
	(pc) =	sbr.rel @p1 .LBB2_8-.Ltmp6, $2  }
0xb8: {  	_ =	sdelay $0x2  }
0xb9: {  	s28 =	simm.s32 $0x0  }
0xba: {  	s26 =	sshra.s32 s28, $0x2  }
0xbb: {  	s26 =	sadd.s32 s26, s16  }
0xbc: {  	v4 =	vld [tilespmem:s26+$0x0];
	_ =	sdelay $0x4  }
0xbd: {  	(xrf1) =	vsort.dscd.msk.f32 $0xffff, v4, v4;
	_ =	sdelay $0x8  }
0xbe: {  	v5 =	vbroadcast v3, $0x0;
	_ =	sdelay $0x1  }
0xbf: {  	vm1 =	vgt.f32 v4, v5  }
0xc0: {  	v4 =	vmpcnt.ones.xlane vm1;
	_ =	sdelay $0x1  }
0xc1: {  	(v2sf) =	vpush v4, $0x0;
	v5, _, _ =	vpop (xrf1)  }
0xc2: {  	s26 =	sadd.s32 $0x40, s28;
	v5 =	vmax.f32 v3, v5  }
0xc3: {  	s28 =	sshra.s32 s26, $0x2;
	s26 =	sadd.s32 $0x40, s26;
	(xrf1) =	vsort.ascd.msk.f32 $0xffff, v5, v5  }
.LBB2_6:
0xc4: {  	p1 =	sne.s32 s26, $0x1C0;
	s28 =	sadd.s32 s28, s16  }
0xc5: {  	v4 =	vld [tilespmem:s28+$0x0];
	_ =	sdelay $0x4  }
0xc6: {  	(xrf1) =	vsort.dscd.msk.f32 $0xffff, v4, v4;
	_ =	sdelay $0x5  }
0xc7: {  	s28 =	spop (v2sf)  }
0xc8: {  	p2 =	sgt.s32 s28, $0x0;
	v5, _, _ =	vpop (xrf1)  }
0xc9: {  	v3 =	vpsel p2, v5, v3  }
0xca: {  	v5 =	vbroadcast v3, $0x0;
	_ =	sdelay $0x1  }
0xcb: {  	vm1 =	vgt.f32 v4, v5  }
.Ltmp7:
0xcc: {  	v5 =	vmpcnt.ones.xlane vm1;
	(pc) =	sbr.rel @p1 .LBB2_6-.Ltmp7, $4  }
0xcd: {  	_ = 	snop  }
0xce: {  	(v2sf) =	vpush v5, $0x0;
	v4, _, _ =	vpop (xrf1)  }
0xcf: {  	v4 =	vmax.f32 v3, v4  }
0xd0: {  	s28 =	sshra.s32 s26, $0x2;
	s26 =	sadd.s32 $0x40, s26;
	(xrf1) =	vsort.ascd.msk.f32 $0xffff, v4, v4  }
0xd1: {  	_ =	sdelay $0x1  }
0xd2: {  	s26 =	sadd.s32 s28, s16  }
0xd3: {  	v4 =	vld [tilespmem:s26+$0x0];
	_ =	sdelay $0x4  }
0xd4: {  	(xrf1) =	vsort.dscd.msk.f32 $0xffff, v4, v4;
	_ =	sdelay $0x3  }
0xd5: {  	s28 =	spop (v2sf)  }
0xd6: {  	p1 =	sgt.s32 s28, $0x0;
	v5, _, _ =	vpop (xrf1)  }
0xd7: {  	v3 =	vpsel p1, v5, v3  }
0xd8: {  	v5 =	vbroadcast v3, $0x0;
	_ =	sdelay $0x1  }
0xd9: {  	vm1 =	vgt.f32 v4, v5  }
0xda: {  	v4 =	vmpcnt.ones.xlane vm1;
	_ =	sdelay $0x3  }
0xdb: {  	(v2sf) =	vpush v4, $0x0;
	v4, _, _ =	vpop (xrf1)  }
0xdc: {  	v4 =	vmax.f32 v3, v4  }
0xdd: {  	(xrf1) =	vsort.ascd.msk.f32 $0xffff, v4, v4;
	_ =	sdelay $0xc  }
0xde: {  	s28 =	spop (v2sf)  }
0xdf: {  	p6 =	sgt.s32 s28, $0x0;
	v4, _, _ =	vpop (xrf1)  }
0xe0: {  	v3 =	vpsel p6, v4, v3  }
0xe1: {  	(v2sf) =	vpush v3, $0x0;
	_ =	sdelay $0xa  }
.Ltmp8:
0xe2: {  	_ = 	snop;
	(pc) =	sbr.rel .LBB2_8-.Ltmp8, $2  }
0xe3: {  	_ =	sdelay $0x2  }
0xe4: {  	s26 =	spop (v2sf)  }
.LBB2_10:
0xe5: {  	p0 =	seq.s32 s13, $0x8D  }
0xe6: {  	s5 =	sadd.s32 @!p0 $0x2, s18  }
0xe7: {  	s12 =	smulhi.u32 @!p0 $0xE6C2B449, s5;
	_ =	sdelay $0x1  }
0xe8: {  	s12 =	sshrl.u32 @!p0 s12, $0x6  }
0xe9: {  	s17 =	smul.u32 @!p0 $0x47, s12  }
0xea: {  	s12 =	sadd.s32 @!p0 s3, s12  }
0xeb: {  	s12 =	smul.u32 @!p0 $0xC3800, s12;
	s5 =	ssub.s32 @!p0 s5, s17  }
0xec: {  	s5 =	smul.u32 @!p0 $0x2C00, s5;
	_ =	sdelay $0x1  }
0xed: {  	s5 =	sadd.s32 @!p0 s5, s12  }
0xee: {  	s5 =	sshrl.u32 @!p0 s5, $0x3  }
0xef: {  	s17 =	simm.s32 @!p0 $0x1100;
	s12 =	simm.s32 @!p0 $0x0;
	s5 =	sadd.s32 @!p0 s4, s5  }
0xf0: {  	[tilespmem:s17], [sflag:$0x1] =	stream.linear.gather @!p0 [hbm4b:s5+s12], $0x400, $0x38;
	[tilespmem:$0x6D00] =	vst v63  }
0xf1: {  	s18 =	simm.s32 @!p0 $0x1500;
	s17 =	sadd.s32 @!p0 $0x80, s5  }
0xf2: {  	[tilespmem:s18], [sflag:$0x1] =	stream.linear.gather @!p0 [hbm4b:s17+s12], $0x400, $0x38;
	[tilespmem:$0x6D00] =	vst v63  }
0xf3: {  	s17 =	sadd.s32 @!p0 $0x100, s5;
	s18 =	simm.s32 @!p0 $0x1900  }
0xf4: {  	[tilespmem:s18], [sflag:$0x1] =	stream.linear.gather @!p0 [hbm4b:s17+s12], $0x400, $0x38;
	[tilespmem:$0x6D00] =	vst v63  }
0xf5: {  	s17 =	sadd.s32 @!p0 $0x180, s5;
	s18 =	simm.s32 @!p0 $0x1D00  }
0xf6: {  	[tilespmem:s18], [sflag:$0x1] =	stream.linear.gather @!p0 [hbm4b:s17+s12], $0x400, $0x38;
	[tilespmem:$0x6D00] =	vst v63  }
0xf7: {  	s17 =	sadd.s32 @!p0 $0x200, s5;
	s18 =	simm.s32 @!p0 $0x2100  }
0xf8: {  	[tilespmem:s18], [sflag:$0x1] =	stream.linear.gather @!p0 [hbm4b:s17+s12], $0x400, $0x38;
	[tilespmem:$0x6D00] =	vst v63  }
0xf9: {  	s17 =	sadd.s32 @!p0 $0x280, s5;
	s18 =	simm.s32 @!p0 $0x2500  }
0xfa: {  	[tilespmem:s18], [sflag:$0x1] =	stream.linear.gather @!p0 [hbm4b:s17+s12], $0x400, $0x38;
	[tilespmem:$0x6D00] =	vst v63  }
0xfb: {  	s17 =	sadd.s32 @!p0 $0x300, s5;
	s18 =	simm.s32 @!p0 $0x2900  }
0xfc: {  	[tilespmem:s18], [sflag:$0x1] =	stream.linear.gather @!p0 [hbm4b:s17+s12], $0x400, $0x38;
	[tilespmem:$0x6D00] =	vst v63  }
0xfd: {  	s17 =	sadd.s32 @!p0 $0x380, s5;
	s18 =	simm.s32 @!p0 $0x2D00  }
0xfe: {  	[tilespmem:s18], [sflag:$0x1] =	stream.linear.gather @!p0 [hbm4b:s17+s12], $0x400, $0x38;
	[tilespmem:$0x6D00] =	vst v63  }
0xff: {  	s17 =	sadd.s32 @!p0 $0x400, s5;
	s18 =	simm.s32 @!p0 $0x3100  }
0x100: {  	[tilespmem:s18], [sflag:$0x1] =	stream.linear.gather @!p0 [hbm4b:s17+s12], $0x400, $0x38;
	[tilespmem:$0x6D00] =	vst v63  }
0x101: {  	s17 =	sadd.s32 @!p0 $0x480, s5;
	s18 =	simm.s32 @!p0 $0x3500  }
0x102: {  	[tilespmem:s18], [sflag:$0x1] =	stream.linear.gather @!p0 [hbm4b:s17+s12], $0x400, $0x38;
	[tilespmem:$0x6D00] =	vst v63  }
0x103: {  	s5 =	sadd.s32 @!p0 $0x500, s5;
	s17 =	simm.s32 @!p0 $0x3900  }
0x104: {  	[tilespmem:s17], [sflag:$0x1] =	stream.linear.gather @!p0 [hbm4b:s5+s12], $0x400, $0x38;
	[tilespmem:$0x6D00] =	vst v63  }
0x105: {  	_ =	swait.ge [sflag:s9], $0x400  }
0x106: {  	[sflag:s9] =	ssyncset.done $0x0  }
0x107: {  	[sflag:s9] =	ssyncadd.s32 $0xFFFFFC00  }
0x108: {  	_ =	swait.ge [sflag:s9], $0x400  }
0x109: {  	[sflag:s9] =	ssyncset.done $0x0  }
0x10a: {  	[sflag:s9] =	ssyncadd.s32 $0xFFFFFC00  }
0x10b: {  	_ =	swait.ge [sflag:s9], $0x400  }
0x10c: {  	[sflag:s9] =	ssyncset.done $0x0  }
0x10d: {  	[sflag:s9] =	ssyncadd.s32 $0xFFFFFC00  }
0x10e: {  	_ =	swait.ge [sflag:s9], $0x400  }
0x10f: {  	[sflag:s9] =	ssyncset.done $0x0  }
0x110: {  	[sflag:s9] =	ssyncadd.s32 $0xFFFFFC00  }
0x111: {  	_ =	swait.ge [sflag:s9], $0x400  }
0x112: {  	[sflag:s9] =	ssyncset.done $0x0  }
0x113: {  	[sflag:s9] =	ssyncadd.s32 $0xFFFFFC00  }
0x114: {  	_ =	swait.ge [sflag:s9], $0x400  }
0x115: {  	[sflag:s9] =	ssyncset.done $0x0  }
0x116: {  	[sflag:s9] =	ssyncadd.s32 $0xFFFFFC00  }
0x117: {  	_ =	swait.ge [sflag:s9], $0x400  }
0x118: {  	[sflag:s9] =	ssyncset.done $0x0  }
0x119: {  	[sflag:s9] =	ssyncadd.s32 $0xFFFFFC00  }
0x11a: {  	_ =	swait.ge [sflag:s9], $0x400  }
0x11b: {  	[sflag:s9] =	ssyncset.done $0x0  }
0x11c: {  	[sflag:s9] =	ssyncadd.s32 $0xFFFFFC00  }
0x11d: {  	_ =	swait.ge [sflag:s9], $0x400  }
0x11e: {  	[sflag:s9] =	ssyncset.done $0x0  }
0x11f: {  	[sflag:s9] =	ssyncadd.s32 $0xFFFFFC00  }
0x120: {  	_ =	swait.ge [sflag:s9], $0x400  }
.Ltmp9:
0x121: {  	[sflag:s9] =	ssyncset.done $0x0;
	(pc) =	sbr.rel .LBB2_11-.Ltmp9, $4  }
0x122: {  	[sflag:s9] =	ssyncadd.s32 $0xFFFFFC00  }
0x123: {  	s28 =	smul.u32 $0xFFFFFA80, s14;
	_ =	swait.ge [sflag:s9], $0x400  }
0x124: {  	s15 =	sshll.u32 s15, $0x3;
	[sflag:s9] =	ssyncset.done $0x0  }
0x125: {  	v1 =	vmov s28;
	s5 =	simm.s32 $0x0;
	s17 =	simm.s32 $0x3D00;
	[sflag:s9] =	ssyncadd.s32 $0xFFFFFC00  }
.LBB2_17:
0x126: {  	[tilespmem:s19+$0x100] =	vst v3  }
0x127: {  	v2 =	vld [tilespmem:s16+$0x0];
	_ =	sdelay $0x3  }
0x128: {  	v3 =	vmov s12  }
0x129: {  	v2 =	vperm.xlane v2, v3;
	_ =	sdelay $0x1  }
0x12a: {  	v2 =	vadd.s32 v1, v2  }
0x12b: {  	vm1 =	vgt.s32 v2, $0x0  }
0x12c: {  	v4 =	vnsel vm1, $0x0, v2  }
0x12d: {  	v4 =	vmin.u32 v4, $0x57F  }
0x12e: {  	v5 =	vand.u32 $0x7F, v4  }
0x12f: {  	vm1 =	vlt.s32 v2, $0x1;
	vm2 =	vne.s32 v5, $0x0  }
0x130: {  	vm1 =	vmand vm1, vm2  }
0x131: {  	v4 =	vshrl.u32 v4, $0x7;
	v6 =	vsel vm1, $0xFFFFFFFF, v0  }
0x132: {  	v4 =	vadd.s32 v6, v4  }
0x133: {  	v4 =	vshll.u32 v4, $0xA  }
0x134: {  	v4 =	vadd.s32 s18, v4  }
0x135: {  	v4 =	vor.u32 v5, v4;
	_ =	sdelay $0x2  }
0x136: {  	vm1 =	vlt.u32 v2, $0x580  }
0x137: {  	s5 =	sadd.s32 $0x1, s5;
	vm1 =	vmand vm1, vm0  }
0x138: {  	p0 =	sne.s32 s5, $0x8;
	v2 =	vld.idx.msk [tilespmem:v4+s23+$0x0], $0xffff  }
.Ltmp10:
0x139: {  	_ = 	snop;
	(pc) =	sbr.rel @!p0 .LBB2_18-.Ltmp10, $2  }
0x13a: {  	_ =	sdelay $0x2  }
0x13b: {  	s17 =	sadd.s32 $0x80, s17;
	[tilespmem:v3+s8+$0x0] =	vst.idx.msk vm1, v2  }
.LBB2_11:
0x13c: {  	s12 =	sadd.s32 s15, s5  }
0x13d: {  	s18 =	sshll.u32 s12, $0x9  }
0x13e: {  	s19 =	sshrl.u32 s18, $0x2  }
0x13f: {  	v2 =	vld [tilespmem:s19+$0x100];
	_ =	sdelay $0x3  }
0x140: {  	p0 =	seq.s32 s14, $0x0  }
0x141: {  	v3 =	vpsel p0, $0xFF800000, v2  }
0x142: {  	(v2sf) =	vpush v3, $0x0;
	_ =	sdelay $0xa  }
.Ltmp11:
0x143: {  	_ = 	snop;
	(pc) =	sbr.rel .LBB2_12-.Ltmp11, $4  }
0x144: {  	s18 =	sshll.u32 s5, $0x7  }
0x145: {  	s20 =	sand.u32 $0x3FFFFF80, s18  }
0x146: {  	s20 =	sadd.s32 $0x3D00, s20  }
0x147: {  	s21 =	simm.s32 $0x0;
	v2 =	vmov s20;
	s20 =	smov.u32 s17;
	s24 =	spop (v2sf)  }
.LBB2_16:
0x148: {  	s21 =	sadd.s32 $0x1, s21  }
0x149: {  	p0 =	sne.s32 s21, $0xB  }
.Ltmp12:
0x14a: {  	_ = 	snop;
	(pc) =	sbr.rel @!p0 .LBB2_17-.Ltmp12, $2  }
0x14b: {  	_ =	sdelay $0x2  }
0x14c: {  	s20 =	sadd.s32 $0x400, s20  }
.LBB2_12:
0x14d: {  	_ =	sdelay $0x1  }
0x14e: {  	s25 =	sshll.u32 s21, $0xA  }
0x14f: {  	s25 =	sand.u32 $0x3FFFFC00, s25  }
0x150: {  	v4 =	vld.idx.msk [tilespmem:v2+s25+$0x0 ss:$0x1], $0xffff  }
0x151: {  	v5 =	vld.idx.msk [tilespmem:v2+s25+$0x10 ss:$0x1], $0xffff  }
0x152: {  	v6 =	vld.idx.msk [tilespmem:v2+s25+$0x20 ss:$0x1], $0xffff  }
0x153: {  	v7 =	vld.idx.msk [tilespmem:v2+s25+$0x30 ss:$0x1], $0xffff  }
0x154: {  	v8 =	vld.idx.msk [tilespmem:v2+s25+$0x40 ss:$0x1], $0xffff  }
0x155: {  	v9 =	vld.idx.msk [tilespmem:v2+s25+$0x50 ss:$0x1], $0xffff  }
0x156: {  	v10 =	vld.idx.msk [tilespmem:v2+s25+$0x60 ss:$0x1], $0xffff;
	v4 =	vmax.f32 v4, v5  }
0x157: {  	v5 =	vld.idx.msk [tilespmem:v2+s25+$0x70 ss:$0x1], $0xffff;
	v4 =	vmax.f32 v4, v6  }
0x158: {  	v4 =	vmax.f32 v4, v7  }
0x159: {  	v4 =	vmax.f32 v4, v8  }
0x15a: {  	v4 =	vmax.f32 v4, v9  }
0x15b: {  	v4 =	vmax.f32 v4, v10  }
0x15c: {  	v4 =	vmax.f32 v4, v5  }
0x15d: {  	vm1 =	vgt.f32 v4, s24  }
0x15e: {  	v4 =	vmpcnt.ones.xlane vm1;
	_ =	sdelay $0x1  }
0x15f: {  	(v2sf) =	vpush v4, $0x0;
	_ =	sdelay $0xe  }
0x160: {  	s28 =	spop (v2sf)  }
0x161: {  	p0 =	slt.s32 s28, $0x1  }
.Ltmp13:
0x162: {  	_ = 	snop;
	(pc) =	sbr.rel @p0 .LBB2_16-.Ltmp13, $2  }
0x163: {  	_ =	sdelay $0x2  }
0x164: {  	s25 =	simm.s32 $0x0  }
0x165: {  	s24 =	sshra.s32 s25, $0x2  }
0x166: {  	s24 =	sadd.s32 s24, s20  }
0x167: {  	v4 =	vld [tilespmem:s24+$0x0];
	_ =	sdelay $0x4  }
0x168: {  	(xrf1) =	vsort.dscd.msk.f32 $0xffff, v4, v4;
	_ =	sdelay $0x8  }
0x169: {  	v5 =	vbroadcast v3, $0x0;
	_ =	sdelay $0x1  }
0x16a: {  	vm1 =	vgt.f32 v4, v5  }
0x16b: {  	v4 =	vmpcnt.ones.xlane vm1;
	_ =	sdelay $0x1  }
0x16c: {  	(v2sf) =	vpush v4, $0x0;
	v5, _, _ =	vpop (xrf1)  }
0x16d: {  	s28 =	sadd.s32 $0x40, s25;
	v5 =	vmax.f32 v3, v5  }
0x16e: {  	s25 =	sshra.s32 s28, $0x2;
	s24 =	sadd.s32 $0x40, s28;
	(xrf1) =	vsort.ascd.msk.f32 $0xffff, v5, v5  }
.LBB2_14:
0x16f: {  	p0 =	sne.s32 s24, $0x1C0;
	s25 =	sadd.s32 s25, s20  }
0x170: {  	v4 =	vld [tilespmem:s25+$0x0];
	_ =	sdelay $0x4  }
0x171: {  	(xrf1) =	vsort.dscd.msk.f32 $0xffff, v4, v4;
	_ =	sdelay $0x5  }
0x172: {  	s25 =	spop (v2sf)  }
0x173: {  	p1 =	sgt.s32 s25, $0x0;
	v5, _, _ =	vpop (xrf1)  }
0x174: {  	v3 =	vpsel p1, v5, v3  }
0x175: {  	v5 =	vbroadcast v3, $0x0;
	_ =	sdelay $0x1  }
0x176: {  	vm1 =	vgt.f32 v4, v5  }
.Ltmp14:
0x177: {  	v5 =	vmpcnt.ones.xlane vm1;
	(pc) =	sbr.rel @p0 .LBB2_14-.Ltmp14, $4  }
0x178: {  	_ = 	snop  }
0x179: {  	(v2sf) =	vpush v5, $0x0;
	v4, _, _ =	vpop (xrf1)  }
0x17a: {  	v4 =	vmax.f32 v3, v4  }
0x17b: {  	s25 =	sshra.s32 s24, $0x2;
	s24 =	sadd.s32 $0x40, s24;
	(xrf1) =	vsort.ascd.msk.f32 $0xffff, v4, v4  }
0x17c: {  	_ =	sdelay $0x1  }
0x17d: {  	s24 =	sadd.s32 s25, s20  }
0x17e: {  	v4 =	vld [tilespmem:s24+$0x0];
	_ =	sdelay $0x4  }
0x17f: {  	(xrf1) =	vsort.dscd.msk.f32 $0xffff, v4, v4;
	_ =	sdelay $0x3  }
0x180: {  	s26 =	spop (v2sf)  }
0x181: {  	p0 =	sgt.s32 s26, $0x0;
	v5, _, _ =	vpop (xrf1)  }
0x182: {  	v3 =	vpsel p0, v5, v3  }
0x183: {  	v5 =	vbroadcast v3, $0x0;
	_ =	sdelay $0x1  }
0x184: {  	vm1 =	vgt.f32 v4, v5  }
0x185: {  	v4 =	vmpcnt.ones.xlane vm1;
	_ =	sdelay $0x3  }
0x186: {  	(v2sf) =	vpush v4, $0x0;
	v4, _, _ =	vpop (xrf1)  }
0x187: {  	v4 =	vmax.f32 v3, v4  }
0x188: {  	(xrf1) =	vsort.ascd.msk.f32 $0xffff, v4, v4;
	_ =	sdelay $0xc  }
0x189: {  	s28 =	spop (v2sf)  }
0x18a: {  	p6 =	sgt.s32 s28, $0x0;
	v4, _, _ =	vpop (xrf1)  }
0x18b: {  	v3 =	vpsel p6, v4, v3  }
0x18c: {  	(v2sf) =	vpush v3, $0x0;
	_ =	sdelay $0xa  }
.Ltmp15:
0x18d: {  	_ = 	snop;
	(pc) =	sbr.rel .LBB2_16-.Ltmp15, $2  }
0x18e: {  	_ =	sdelay $0x2  }
0x18f: {  	s24 =	spop (v2sf)  }
.LBB2_19:
0x190: {  	s13 =	simm.s32 $0x0  }
0x191: {  	s14 =	simm.s32 $0x300;
	s15 =	rddreg [dreg:$0x12];
	s16 =	simm.s32 $0x0  }
.LBB2_20:
0x192: {  	[tilespmem:s10], [sflag:$0x3] =	stream.linear.gather [hbm4b:s15+s2], $0x400, $0x38;
	[tilespmem:$0x6D00] =	vst v63  }
0x193: {  	_ =	swait.ge [sflag:s11], $0x400  }
0x194: {  	[sflag:s11] =	ssyncset.done $0x0  }
0x195: {  	[sflag:s11] =	ssyncadd.s32 $0xFFFFFC00  }
0x196: {  	v1 =	vld [tilespmem:$0x6900];
	_ =	sdelay $0x4  }
0x197: {  	(xrf1) =	vsort.dscd.msk.f32 $0xffff, v1, v1;
	_ =	sdelay $0x9  }
0x198: {  	v1 =	vld [tilespmem:s14+$0xFFFFFE00];
	_ =	sdelay $0x1  }
0x199: {  	v2 =	vld [tilespmem:$0x6910];
	_ =	sdelay $0x1  }
0x19a: {  	v3, _, _ =	vpop (xrf1)  }
0x19b: {  	v1 =	vmax.f32 v1, v3  }
0x19c: {  	(xrf1) =	vsort.ascd.msk.f32 $0xffff, v1, v1  }
0x19d: {  	(xrf1) =	vsort.dscd.msk.f32 $0xffff, v2, v2;
	_ =	sdelay $0xc  }
0x19e: {  	v1, _, _ =	vpop (xrf1)  }
0x19f: {  	v2, _, _ =	vpop (xrf1)  }
0x1a0: {  	v1 =	vmax.f32 v1, v2  }
0x1a1: {  	(xrf1) =	vsort.ascd.msk.f32 $0xffff, v1, v1;
	_ =	sdelay $0xc  }
0x1a2: {  	s5 =	sshrl.u32 s16, $0x1  }
0x1a3: {  	s17 =	simm.s32 $0x0;
	p0 =	seq.s32 s5, $0x0;
	v1, _, _ =	vpop (xrf1)  }
0x1a4: {  	s17 =	simm.s32 @!p0 $0x10;
	[tilespmem:s14+$0xFFFFFE00] =	vst v1  }
0x1a5: {  	v1 =	vld [tilespmem:s17+$0x0];
	_ =	sdelay $0x2  }
0x1a6: {  	s21 =	sand.u32 $0x8, s13  }
0x1a7: {  	v2 =	vmov s21  }
0x1a8: {  	v1 =	vperm.xlane v1, v2;
	_ =	sdelay $0x1  }
0x1a9: {  	v2 =	vadd.s32 $0xFFFE7980, v1  }
0x1aa: {  	vm1 =	vgt.s32 v2, $0x0  }
0x1ab: {  	v2 =	vnsel vm1, $0x0, v2  }
0x1ac: {  	v2 =	vmin.u32 v2, $0x1F;
	_ =	sdelay $0x1  }
0x1ad: {  	v3 =	vmov s13;
	v1 =	vand.u32 $0xFFFFFFE0, v1  }
0x1ae: {  	vm1 =	veq.s32 v1, $0x18680;
	v1 =	vand.u32 $0xFFFFFFF8, v3  }
0x1af: {  	vm1 =	vmand vm1, vm0;
	v1 =	vbroadcast v1, $0x0  }
0x1b0: {  	v2 =	vld.idx.msk [tilespmem:v2+s10+$0x0], $0xffff;
	_ =	sdelay $0x4  }
0x1b1: {  	[tilespmem:v1+s8+$0x0] =	vst.idx.msk vm1, v2  }
0x1b2: {  	v1 =	vld [tilespmem:$0x6980];
	_ =	sdelay $0x4  }
0x1b3: {  	(xrf1) =	vsort.dscd.msk.f32 $0xffff, v1, v1;
	_ =	sdelay $0x9  }
0x1b4: {  	v1 =	vld [tilespmem:s14+$0xFFFFFE80];
	_ =	sdelay $0x1  }
0x1b5: {  	v2 =	vld [tilespmem:$0x6990];
	_ =	sdelay $0x1  }
0x1b6: {  	v3, _, _ =	vpop (xrf1)  }
0x1b7: {  	v1 =	vmax.f32 v1, v3  }
0x1b8: {  	(xrf1) =	vsort.ascd.msk.f32 $0xffff, v1, v1  }
0x1b9: {  	(xrf1) =	vsort.dscd.msk.f32 $0xffff, v2, v2;
	_ =	sdelay $0xc  }
0x1ba: {  	v1, _, _ =	vpop (xrf1)  }
0x1bb: {  	v2, _, _ =	vpop (xrf1)  }
0x1bc: {  	v1 =	vmax.f32 v1, v2  }
0x1bd: {  	(xrf1) =	vsort.ascd.msk.f32 $0xffff, v1, v1;
	_ =	sdelay $0xd  }
0x1be: {  	v1, _, _ =	vpop (xrf1)  }
0x1bf: {  	[tilespmem:s14+$0xFFFFFE80] =	vst v1  }
0x1c0: {  	v1 =	vld [tilespmem:s17+$0x0];
	_ =	sdelay $0x1  }
0x1c1: {  	s24 =	sadd.s32 $0x1, s13  }
0x1c2: {  	s12 =	sand.u32 $0x9, s24  }
0x1c3: {  	v2 =	vmov s12  }
0x1c4: {  	v1 =	vperm.xlane v1, v2;
	_ =	sdelay $0x1  }
0x1c5: {  	v2 =	vadd.s32 $0xFFFE7980, v1  }
0x1c6: {  	vm1 =	vgt.s32 v2, $0x0  }
0x1c7: {  	v2 =	vnsel vm1, $0x0, v2  }
0x1c8: {  	v2 =	vmin.u32 v2, $0x1F  }
0x1c9: {  	v2 =	vor.u32 $0x80, v2;
	_ =	sdelay $0x1  }
0x1ca: {  	v3 =	vmov s24;
	v1 =	vand.u32 $0xFFFFFFE0, v1  }
0x1cb: {  	vm1 =	veq.s32 v1, $0x18680;
	v1 =	vand.u32 $0xFFFFFFF9, v3  }
0x1cc: {  	vm1 =	vmand vm1, vm0;
	v1 =	vbroadcast v1, $0x0  }
0x1cd: {  	v2 =	vld.idx.msk [tilespmem:v2+s10+$0x0], $0xffff;
	_ =	sdelay $0x4  }
0x1ce: {  	[tilespmem:v1+s8+$0x0] =	vst.idx.msk vm1, v2  }
0x1cf: {  	v1 =	vld [tilespmem:$0x6A00];
	_ =	sdelay $0x4  }
0x1d0: {  	(xrf1) =	vsort.dscd.msk.f32 $0xffff, v1, v1;
	_ =	sdelay $0x9  }
0x1d1: {  	v1 =	vld [tilespmem:s14+$0xFFFFFF00];
	_ =	sdelay $0x1  }
0x1d2: {  	v2 =	vld [tilespmem:$0x6A10];
	_ =	sdelay $0x1  }
0x1d3: {  	v3, _, _ =	vpop (xrf1)  }
0x1d4: {  	v1 =	vmax.f32 v1, v3  }
0x1d5: {  	(xrf1) =	vsort.ascd.msk.f32 $0xffff, v1, v1  }
0x1d6: {  	(xrf1) =	vsort.dscd.msk.f32 $0xffff, v2, v2;
	_ =	sdelay $0xc  }
0x1d7: {  	v1, _, _ =	vpop (xrf1)  }
0x1d8: {  	v2, _, _ =	vpop (xrf1)  }
0x1d9: {  	v1 =	vmax.f32 v1, v2  }
0x1da: {  	(xrf1) =	vsort.ascd.msk.f32 $0xffff, v1, v1;
	_ =	sdelay $0xd  }
0x1db: {  	v1, _, _ =	vpop (xrf1)  }
0x1dc: {  	[tilespmem:s14+$0xFFFFFF00] =	vst v1  }
0x1dd: {  	v1 =	vld [tilespmem:s17+$0x0];
	_ =	sdelay $0x1  }
0x1de: {  	s25 =	sadd.s32 $0x2, s13  }
0x1df: {  	s26 =	sand.u32 $0xA, s25  }
0x1e0: {  	v2 =	vmov s26  }
0x1e1: {  	v1 =	vperm.xlane v1, v2;
	_ =	sdelay $0x1  }
0x1e2: {  	v2 =	vadd.s32 $0xFFFE7980, v1  }
0x1e3: {  	vm1 =	vgt.s32 v2, $0x0  }
0x1e4: {  	v2 =	vnsel vm1, $0x0, v2  }
0x1e5: {  	v2 =	vmin.u32 v2, $0x1F  }
0x1e6: {  	v2 =	vor.u32 $0x100, v2;
	_ =	sdelay $0x1  }
0x1e7: {  	v3 =	vmov s25;
	v1 =	vand.u32 $0xFFFFFFE0, v1  }
0x1e8: {  	vm1 =	veq.s32 v1, $0x18680;
	v1 =	vand.u32 $0xFFFFFFFA, v3  }
0x1e9: {  	vm1 =	vmand vm1, vm0;
	v1 =	vbroadcast v1, $0x0  }
0x1ea: {  	v2 =	vld.idx.msk [tilespmem:v2+s10+$0x0], $0xffff;
	_ =	sdelay $0x4  }
0x1eb: {  	[tilespmem:v1+s8+$0x0] =	vst.idx.msk vm1, v2  }
0x1ec: {  	v1 =	vld [tilespmem:$0x6A80];
	_ =	sdelay $0x4  }
0x1ed: {  	(xrf1) =	vsort.dscd.msk.f32 $0xffff, v1, v1;
	_ =	sdelay $0x9  }
0x1ee: {  	v1 =	vld [tilespmem:s14+$0xFFFFFF80];
	_ =	sdelay $0x1  }
0x1ef: {  	v2 =	vld [tilespmem:$0x6A90];
	_ =	sdelay $0x1  }
0x1f0: {  	v3, _, _ =	vpop (xrf1)  }
0x1f1: {  	v1 =	vmax.f32 v1, v3  }
0x1f2: {  	(xrf1) =	vsort.ascd.msk.f32 $0xffff, v1, v1  }
0x1f3: {  	(xrf1) =	vsort.dscd.msk.f32 $0xffff, v2, v2;
	_ =	sdelay $0xc  }
0x1f4: {  	v1, _, _ =	vpop (xrf1)  }
0x1f5: {  	v2, _, _ =	vpop (xrf1)  }
0x1f6: {  	v1 =	vmax.f32 v1, v2  }
0x1f7: {  	(xrf1) =	vsort.ascd.msk.f32 $0xffff, v1, v1;
	_ =	sdelay $0xd  }
0x1f8: {  	v1, _, _ =	vpop (xrf1)  }
0x1f9: {  	[tilespmem:s14+$0xFFFFFF80] =	vst v1  }
0x1fa: {  	v1 =	vld [tilespmem:s17+$0x0];
	_ =	sdelay $0x1  }
0x1fb: {  	s28 =	sadd.s32 $0x3, s13  }
0x1fc: {  	s18 =	sand.u32 $0xB, s28  }
0x1fd: {  	v2 =	vmov s18  }
0x1fe: {  	v1 =	vperm.xlane v1, v2;
	_ =	sdelay $0x1  }
0x1ff: {  	v2 =	vadd.s32 $0xFFFE7980, v1  }
0x200: {  	vm1 =	vgt.s32 v2, $0x0  }
0x201: {  	v2 =	vnsel vm1, $0x0, v2  }
0x202: {  	v2 =	vmin.u32 v2, $0x1F  }
0x203: {  	v2 =	vor.u32 $0x180, v2;
	_ =	sdelay $0x1  }
0x204: {  	v3 =	vmov s28;
	v1 =	vand.u32 $0xFFFFFFE0, v1  }
0x205: {  	vm1 =	veq.s32 v1, $0x18680;
	v1 =	vand.u32 $0xFFFFFFFB, v3  }
0x206: {  	vm1 =	vmand vm1, vm0;
	v1 =	vbroadcast v1, $0x0  }
0x207: {  	v2 =	vld.idx.msk [tilespmem:v2+s10+$0x0], $0xffff;
	_ =	sdelay $0x4  }
0x208: {  	[tilespmem:v1+s8+$0x0] =	vst.idx.msk vm1, v2  }
0x209: {  	v1 =	vld [tilespmem:$0x6B00];
	_ =	sdelay $0x4  }
0x20a: {  	(xrf1) =	vsort.dscd.msk.f32 $0xffff, v1, v1;
	_ =	sdelay $0x9  }
0x20b: {  	v1 =	vld [tilespmem:s14+$0x0];
	_ =	sdelay $0x1  }
0x20c: {  	v2 =	vld [tilespmem:$0x6B10];
	_ =	sdelay $0x1  }
0x20d: {  	v3, _, _ =	vpop (xrf1)  }
0x20e: {  	v1 =	vmax.f32 v1, v3  }
0x20f: {  	(xrf1) =	vsort.ascd.msk.f32 $0xffff, v1, v1  }
0x210: {  	(xrf1) =	vsort.dscd.msk.f32 $0xffff, v2, v2;
	_ =	sdelay $0xc  }
0x211: {  	v1, _, _ =	vpop (xrf1)  }
0x212: {  	v2, _, _ =	vpop (xrf1)  }
0x213: {  	v1 =	vmax.f32 v1, v2  }
0x214: {  	(xrf1) =	vsort.ascd.msk.f32 $0xffff, v1, v1;
	_ =	sdelay $0xd  }
0x215: {  	v1, _, _ =	vpop (xrf1)  }
0x216: {  	[tilespmem:s14+$0x0] =	vst v1  }
0x217: {  	v1 =	vld [tilespmem:s17+$0x0];
	_ =	sdelay $0x1  }
0x218: {  	s19 =	sadd.s32 $0x4, s13  }
0x219: {  	s20 =	sand.u32 $0xC, s19  }
0x21a: {  	v2 =	vmov s20  }
0x21b: {  	v1 =	vperm.xlane v1, v2;
	_ =	sdelay $0x1  }
0x21c: {  	v2 =	vadd.s32 $0xFFFE7980, v1  }
0x21d: {  	vm1 =	vgt.s32 v2, $0x0  }
0x21e: {  	v2 =	vnsel vm1, $0x0, v2  }
0x21f: {  	v2 =	vmin.u32 v2, $0x1F  }
0x220: {  	v2 =	vor.u32 $0x200, v2;
	_ =	sdelay $0x1  }
0x221: {  	v3 =	vmov s19;
	v1 =	vand.u32 $0xFFFFFFE0, v1  }
0x222: {  	vm1 =	veq.s32 v1, $0x18680;
	v1 =	vand.u32 $0xFFFFFFFC, v3  }
0x223: {  	vm1 =	vmand vm1, vm0;
	v1 =	vbroadcast v1, $0x0  }
0x224: {  	v2 =	vld.idx.msk [tilespmem:v2+s10+$0x0], $0xffff;
	_ =	sdelay $0x4  }
0x225: {  	[tilespmem:v1+s8+$0x0] =	vst.idx.msk vm1, v2  }
0x226: {  	v1 =	vld [tilespmem:$0x6B80];
	_ =	sdelay $0x4  }
0x227: {  	(xrf1) =	vsort.dscd.msk.f32 $0xffff, v1, v1;
	_ =	sdelay $0x9  }
0x228: {  	v1 =	vld [tilespmem:s14+$0x80];
	_ =	sdelay $0x1  }
0x229: {  	v2 =	vld [tilespmem:$0x6B90];
	_ =	sdelay $0x1  }
0x22a: {  	v3, _, _ =	vpop (xrf1)  }
0x22b: {  	v1 =	vmax.f32 v1, v3  }
0x22c: {  	(xrf1) =	vsort.ascd.msk.f32 $0xffff, v1, v1  }
0x22d: {  	(xrf1) =	vsort.dscd.msk.f32 $0xffff, v2, v2;
	_ =	sdelay $0xc  }
0x22e: {  	v1, _, _ =	vpop (xrf1)  }
0x22f: {  	v2, _, _ =	vpop (xrf1)  }
0x230: {  	v1 =	vmax.f32 v1, v2  }
0x231: {  	(xrf1) =	vsort.ascd.msk.f32 $0xffff, v1, v1;
	_ =	sdelay $0xd  }
0x232: {  	v1, _, _ =	vpop (xrf1)  }
0x233: {  	[tilespmem:s14+$0x80] =	vst v1  }
0x234: {  	v1 =	vld [tilespmem:s17+$0x0];
	_ =	sdelay $0x1  }
0x235: {  	s21 =	sadd.s32 $0x5, s13  }
0x236: {  	s24 =	sand.u32 $0xD, s21  }
0x237: {  	v2 =	vmov s24  }
0x238: {  	v1 =	vperm.xlane v1, v2;
	_ =	sdelay $0x1  }
0x239: {  	v2 =	vadd.s32 $0xFFFE7980, v1  }
0x23a: {  	vm1 =	vgt.s32 v2, $0x0  }
0x23b: {  	v2 =	vnsel vm1, $0x0, v2  }
0x23c: {  	v2 =	vmin.u32 v2, $0x1F  }
0x23d: {  	v2 =	vor.u32 $0x280, v2;
	_ =	sdelay $0x1  }
0x23e: {  	v3 =	vmov s21;
	v1 =	vand.u32 $0xFFFFFFE0, v1  }
0x23f: {  	vm1 =	veq.s32 v1, $0x18680;
	v1 =	vand.u32 $0xFFFFFFFD, v3  }
0x240: {  	vm1 =	vmand vm1, vm0;
	v1 =	vbroadcast v1, $0x0  }
0x241: {  	v2 =	vld.idx.msk [tilespmem:v2+s10+$0x0], $0xffff;
	_ =	sdelay $0x4  }
0x242: {  	[tilespmem:v1+s8+$0x0] =	vst.idx.msk vm1, v2  }
0x243: {  	v1 =	vld [tilespmem:$0x6C00];
	_ =	sdelay $0x4  }
0x244: {  	(xrf1) =	vsort.dscd.msk.f32 $0xffff, v1, v1;
	_ =	sdelay $0x9  }
0x245: {  	v1 =	vld [tilespmem:s14+$0x100];
	_ =	sdelay $0x1  }
0x246: {  	v2 =	vld [tilespmem:$0x6C10];
	_ =	sdelay $0x1  }
0x247: {  	v3, _, _ =	vpop (xrf1)  }
0x248: {  	v1 =	vmax.f32 v1, v3  }
0x249: {  	(xrf1) =	vsort.ascd.msk.f32 $0xffff, v1, v1  }
0x24a: {  	(xrf1) =	vsort.dscd.msk.f32 $0xffff, v2, v2;
	_ =	sdelay $0xc  }
0x24b: {  	v1, _, _ =	vpop (xrf1)  }
0x24c: {  	v2, _, _ =	vpop (xrf1)  }
0x24d: {  	v1 =	vmax.f32 v1, v2  }
0x24e: {  	(xrf1) =	vsort.ascd.msk.f32 $0xffff, v1, v1;
	_ =	sdelay $0xd  }
0x24f: {  	v1, _, _ =	vpop (xrf1)  }
0x250: {  	[tilespmem:s14+$0x100] =	vst v1  }
0x251: {  	v1 =	vld [tilespmem:s17+$0x0];
	_ =	sdelay $0x1  }
0x252: {  	s25 =	sadd.s32 $0x6, s13  }
0x253: {  	s26 =	sand.u32 $0xE, s25  }
0x254: {  	v2 =	vmov s26  }
0x255: {  	v1 =	vperm.xlane v1, v2;
	_ =	sdelay $0x1  }
0x256: {  	v2 =	vadd.s32 $0xFFFE7980, v1  }
0x257: {  	vm1 =	vgt.s32 v2, $0x0  }
0x258: {  	v2 =	vnsel vm1, $0x0, v2  }
0x259: {  	v2 =	vmin.u32 v2, $0x1F  }
0x25a: {  	v2 =	vor.u32 $0x300, v2;
	_ =	sdelay $0x1  }
0x25b: {  	v3 =	vmov s25;
	v1 =	vand.u32 $0xFFFFFFE0, v1  }
0x25c: {  	vm1 =	veq.s32 v1, $0x18680;
	v1 =	vand.u32 $0xFFFFFFFE, v3  }
0x25d: {  	vm1 =	vmand vm1, vm0;
	v1 =	vbroadcast v1, $0x0  }
0x25e: {  	v2 =	vld.idx.msk [tilespmem:v2+s10+$0x0], $0xffff;
	_ =	sdelay $0x4  }
0x25f: {  	[tilespmem:v1+s8+$0x0] =	vst.idx.msk vm1, v2  }
0x260: {  	v1 =	vld [tilespmem:$0x6C80];
	_ =	sdelay $0x4  }
0x261: {  	(xrf1) =	vsort.dscd.msk.f32 $0xffff, v1, v1;
	_ =	sdelay $0x9  }
0x262: {  	v1 =	vld [tilespmem:s14+$0x180];
	_ =	sdelay $0x1  }
0x263: {  	v2 =	vld [tilespmem:$0x6C90];
	_ =	sdelay $0x1  }
0x264: {  	v3, _, _ =	vpop (xrf1)  }
0x265: {  	v1 =	vmax.f32 v1, v3  }
0x266: {  	(xrf1) =	vsort.ascd.msk.f32 $0xffff, v1, v1  }
0x267: {  	(xrf1) =	vsort.dscd.msk.f32 $0xffff, v2, v2;
	_ =	sdelay $0xc  }
0x268: {  	v1, _, _ =	vpop (xrf1)  }
0x269: {  	v2, _, _ =	vpop (xrf1)  }
0x26a: {  	v1 =	vmax.f32 v1, v2  }
0x26b: {  	(xrf1) =	vsort.ascd.msk.f32 $0xffff, v1, v1;
	_ =	sdelay $0xd  }
0x26c: {  	v1, _, _ =	vpop (xrf1)  }
0x26d: {  	[tilespmem:s14+$0x180] =	vst v1  }
0x26e: {  	v1 =	vld [tilespmem:s17+$0x0];
	_ =	sdelay $0x2  }
0x26f: {  	s28 =	sadd.s32 $0x7, s13  }
0x270: {  	v2 =	vmov s28  }
0x271: {  	v1 =	vperm.xlane v1, v2;
	_ =	sdelay $0x1  }
0x272: {  	v3 =	vadd.s32 $0xFFFE7980, v1  }
0x273: {  	vm1 =	vgt.s32 v3, $0x0  }
0x274: {  	v3 =	vnsel vm1, $0x0, v3  }
0x275: {  	v3 =	vmin.u32 v3, $0x1F  }
0x276: {  	v3 =	vor.u32 $0x380, v3;
	_ =	sdelay $0x1  }
0x277: {  	v1 =	vand.u32 $0xFFFFFFE0, v1  }
0x278: {  	vm1 =	veq.s32 v1, $0x18680  }
0x279: {  	vm1 =	vmand vm1, vm0  }
0x27a: {  	p0 =	sne.s32 s13, $0x18;
	v1 =	vld.idx.msk [tilespmem:v3+s10+$0x0], $0xffff  }
.Ltmp16:
0x27b: {  	_ = 	snop;
	(pc) =	sbr.rel @p0 .LBB2_20-.Ltmp16, $3  }
0x27c: {  	_ =	sdelay $0x1  }
0x27d: {  	s16 =	sadd.s32 $0x1, s16  }
0x27e: {  	s15 =	sadd.s32 $0x18700, s15;
	s13 =	sadd.s32 $0x8, s13;
	s14 =	sadd.s32 $0x400, s14;
	[tilespmem:v2+s8+$0x0] =	vst.idx.msk vm1, v1  }
0x27f: {  	s5 =	rddreg [dreg:$0xf];
	s12 =	simm.s32 $0x4  }
0x280: {  	[hbm4b:s5+s2] =	stream.linear.scatter [tilespmem:s8], [sflag:$0x4], $0x20, $0x38;
	[tilespmem:$0x6D00] =	vst v63  }
0x281: {  	_ =	swait.ge [sflag:s12], $0x20  }
0x282: {  	[sflag:s12] =	ssyncset.done $0x0  }
0x283: {  	s13 =	simm.s32 $0x100;
	s25 =	rddreg [dreg:$0x10];
	[sflag:s12] =	ssyncadd.s32 $0xFFFFFFE0  }
0x284: {  	[hbm4b:s25+s2] =	stream.linear.scatter [tilespmem:s13], [sflag:$0x4], $0x1000, $0x38;
	[tilespmem:$0x6D00] =	vst v63  }
0x285: {  	_ =	swait.ge [sflag:s12], $0x1000  }
0x286: {  	s26 =	rddreg [dreg:$0x13]  }
0x287: {  	s28 =	rddreg [dreg:$0x11];
	s13 =	sadd.s32 $0x1, s26  }
0x288: {  	p0 =	sne.s32 s13, s28  }
.Ltmp17:
0x289: {  	_ = 	snop;
	(pc) =	sbr.rel @p0 .LBB2_1-.Ltmp17, $3  }
0x28a: {  	_ =	sdelay $0x1  }
0x28b: {  	[sflag:s12] =	ssyncset.done $0x0  }
0x28c: {  	[sflag:s12] =	ssyncadd.s32 $0xFFFFF000  }
0x28d: {  	_ =	sfence.sel $0x180000  }
0x28e: {  	[bflag:$0x0] =	sbarrier.arrive $0xFFFF  }
0x28f: {  	_ =	strace $0x90000047  }
0x290: {  	s0 =	stileid.u32;
	[bflag:$0x2] =	sbarrier.arrive $0xFFFF  }
0x291: {  	p0 =	sne.s32 s0, $0x0;
	s0 =	rddreg [dreg:$0x2]  }
0x292: {  	s0 =	sadd.s32 @!p0 $0x100000, s0  }
0x293: {  	[sflag:s0] =	ssyncadd.tile.s32 @!p0 $0x1;
	_ =	shalt  }
.Lfunc_end2:
_tile_overlayer_lowered:
.L_overlay_start_2:
0x294: {  	(tag) =	ssettag $0x2  }
0x295: {  	s0 =	rddreg [dreg:$0x0];
	s2 =	stileid.u32  }
0x296: {  	s1 =	rddreg [dreg:$0x1];
	p0 =	sne.s32 s2, $0x0  }
0x297: {  	s3 =	rddreg [dreg:$0x2];
	[bflag:$0x3] =	sbarrier.arrive $0xFFFF;
	s2 =	simm.s32 @!p0 $0x1C04  }
0x298: {  	[timem:s3], [sflag:s2] =	dma.local @!p0 [hbm:s0], s1  }
0x299: {  	s0 =	simm.s32 @!p0 $0x4  }
0x29a: {  	_ =	swait.ge @!p0 [sflag:s0], s1  }
0x29b: {  	s1 =	ssub.s32 @!p0 $0x0, s1;
	[sflag:s0] =	ssyncset.done @!p0 $0x0  }
0x29c: {  	[sflag:s0] =	ssyncadd.s32 @!p0 s1  }
0x29d: {  	[bflag:$0x3] =	sbarrier.arrive $0xFFFF  }
0x29e: {  	_ =	shalt  }

</sc_bundles>
